<compile_context>
chip_gen: v7x
topology: tpu7x:2x2x1
jax: 0.10.2.dev20260603
libtpu: 0.0.44.dev20260713+nightly
codegen_flags: <defaults>
</compile_context>

<pallas_src>
import functools

import jax
import jax.numpy as jnp
from jax import lax
from jax.experimental import pallas as pl
from jax.experimental.pallas import tpu as pltpu
from jax.experimental.pallas import tpu_sc as plsc

NN = 10000
FD = 128
NE = 320000
NP = 10240
NPW = 10112
KC = 80
NW = 32
EP = NW * KC * 128
RI = NW * KC
RPW = NP // 16
RW = NPW // 16


def _edge_agg_scalar(vals, srcm, dstm):
    mesh = plsc.VectorSubcoreMesh(core_axis_name="c", subcore_axis_name="s")
    with_vals = vals is not None

    scratch = [
        pltpu.VMEM((KC, 128), jnp.int32),
        pltpu.VMEM((KC, 128), jnp.int32),
        pltpu.VMEM((128,), jnp.float32),
        pltpu.VMEM((128,), jnp.float32),
        pltpu.VMEM((RPW,), jnp.float32),
        pltpu.VMEM_SHARED((NP,), jnp.float32),
        pltpu.SemaphoreType.DMA,
        pltpu.SemaphoreType.DMA,
    ]

    @functools.partial(
        pl.kernel,
        out_type=jax.ShapeDtypeStruct((2 * NP,), jnp.float32),
        mesh=mesh,
        scratch_types=scratch,
    )
    def k(*refs):
        if with_vals:
            (vals_h, src_h, dst_h, out_h, src_v, dst_v, vb0, vb1, zbuf, acc,
             sem0, sem1) = refs
        else:
            (src_h, dst_h, out_h, src_v, dst_v, vb0, vb1, zbuf, acc,
             sem0, sem1) = refs
        c = lax.axis_index("c")
        s = lax.axis_index("s")
        wid = s * 2 + c
        pltpu.sync_copy(src_h.at[pl.ds(wid * KC, KC), :], src_v)
        pltpu.sync_copy(dst_h.at[pl.ds(wid * KC, KC), :], dst_v)
        if not with_vals:
            for i in range(8):
                vb0[pl.ds(i * 16, 16)] = jnp.ones((16,), jnp.float32)
                vb1[pl.ds(i * 16, 16)] = jnp.ones((16,), jnp.float32)
        for i in range(RPW // 16):
            zbuf[pl.ds(i * 16, 16)] = jnp.zeros((16,), jnp.float32)
        pltpu.sync_copy(zbuf, acc.at[pl.ds(s * RPW, RPW)])
        plsc.subcore_barrier()

        if with_vals:
            pltpu.async_copy(vals_h.at[src_v.at[0]], vb0, sem0)

            def body(jj, carry):
                j0 = jj * 2
                j1 = j0 + 1
                pltpu.make_async_copy(vals_h.at[src_v.at[j0]], vb0, sem0).wait()
                pltpu.async_copy(vals_h.at[src_v.at[j1]], vb1, sem1)
                pltpu.sync_copy(vb0, acc.at[dst_v.at[j0]], add=True)
                pltpu.make_async_copy(vals_h.at[src_v.at[j1]], vb1, sem1).wait()

                @pl.when(jj < KC // 2 - 1)
                def _():
                    pltpu.async_copy(vals_h.at[src_v.at[j0 + 2]], vb0, sem0)

                pltpu.sync_copy(vb1, acc.at[dst_v.at[j1]], add=True)
                return carry

            lax.fori_loop(0, KC // 2, body, 0)
        else:

            def body(j, carry):
                pltpu.sync_copy(vb0, acc.at[dst_v.at[j]], add=True)
                return carry

            lax.fori_loop(0, KC, body, 0)
        plsc.subcore_barrier()
        pltpu.sync_copy(acc.at[pl.ds(s * RPW, RPW)], zbuf)
        pltpu.sync_copy(zbuf, out_h.at[pl.ds(c * NP + s * RPW, RPW)])

    if with_vals:
        return k(vals, srcm, dstm)
    return k(srcm, dstm)


def _edge_agg(table, srcm, dstm, d):
    mesh = plsc.VectorSubcoreMesh(core_axis_name="c", subcore_axis_name="s")
    GK = 40

    @functools.partial(
        pl.kernel,
        out_type=jax.ShapeDtypeStruct((2, NPW, d), jnp.float32),
        mesh=mesh,
        scratch_types=[
            pltpu.VMEM((GK, 128), jnp.int32),
            pltpu.VMEM((GK, 128), jnp.int32),
            pltpu.VMEM((128, d), jnp.float32),
            pltpu.VMEM((128, d), jnp.float32),
            pltpu.VMEM_SHARED((NPW, d), jnp.float32),
            pltpu.SemaphoreType.DMA,
            pltpu.SemaphoreType.DMA,
        ],
    )
    def k(table_h, src_h, dst_h, out_h, src_v, dst_v, rows0, rows1, acc, sem0, sem1):
        c = lax.axis_index("c")
        s = lax.axis_index("s")
        wid = s * 2 + c

        def zrow(i, carry):
            for kk in range(d // 16):
                rows0[i, pl.ds(kk * 16, 16)] = jnp.zeros((16,), jnp.float32)
            return carry

        lax.fori_loop(0, 128, zrow, 0)
        for t in range(4):
            pltpu.sync_copy(rows0, acc.at[pl.ds(s * RW + t * 128, 128), :])
        pltpu.sync_copy(
            rows0.at[pl.ds(0, RW - 512), :], acc.at[pl.ds(s * RW + 512, RW - 512), :]
        )
        plsc.subcore_barrier()

        for g in range(KC // GK):
            pltpu.sync_copy(src_h.at[pl.ds(wid * KC + g * GK, GK), :], src_v)
            pltpu.sync_copy(dst_h.at[pl.ds(wid * KC + g * GK, GK), :], dst_v)
            pltpu.async_copy(table_h.at[src_v.at[0]], rows0, sem0)

            def body(jj, carry):
                j0 = jj * 2
                j1 = j0 + 1
                pltpu.make_async_copy(table_h.at[src_v.at[j0]], rows0, sem0).wait()
                pltpu.async_copy(table_h.at[src_v.at[j1]], rows1, sem1)
                pltpu.sync_copy(rows0, acc.at[dst_v.at[j0]], add=True)
                pltpu.make_async_copy(table_h.at[src_v.at[j1]], rows1, sem1).wait()

                @pl.when(jj < GK // 2 - 1)
                def _():
                    pltpu.async_copy(table_h.at[src_v.at[j0 + 2]], rows0, sem0)

                pltpu.sync_copy(rows1, acc.at[dst_v.at[j1]], add=True)
                return carry

            lax.fori_loop(0, GK // 2, body, 0)
        plsc.subcore_barrier()
        for t in range(4):
            pltpu.sync_copy(acc.at[pl.ds(s * RW + t * 128, 128), :], rows0)
            pltpu.sync_copy(rows0, out_h.at[c, pl.ds(s * RW + t * 128, 128), :])
        pltpu.sync_copy(
            acc.at[pl.ds(s * RW + 512, RW - 512), :], rows1.at[pl.ds(0, RW - 512), :]
        )
        pltpu.sync_copy(
            rows1.at[pl.ds(0, RW - 512), :], out_h.at[c, pl.ds(s * RW + 512, RW - 512), :]
        )

    return k(table, srcm, dstm)


def _tc_scale(x, W1, degT):
    B = 1000

    def body(x_r, w_r, p_r, g1_r, dinv_r):
        p = p_r[...]
        dinv = lax.rsqrt(p[:, 0:1] + p[:, 1:2] + 1.0)
        h = jnp.dot(x_r[...], w_r[...], preferred_element_type=jnp.float32)
        g1_r[...] = h * dinv
        dinv_r[...] = dinv

    return pl.pallas_call(
        body,
        grid=(NN // B,),
        in_specs=[
            pl.BlockSpec((B, FD), lambda i: (i, 0)),
            pl.BlockSpec((FD, FD), lambda i: (0, 0)),
            pl.BlockSpec((B, 2), lambda i: (i, 0)),
        ],
        out_specs=[
            pl.BlockSpec((B, FD), lambda i: (i, 0)),
            pl.BlockSpec((B, 1), lambda i: (i, 0)),
        ],
        out_shape=[
            jax.ShapeDtypeStruct((NN, FD), jnp.float32),
            jax.ShapeDtypeStruct((NN, 1), jnp.float32),
        ],
    )(x, W1, degT)


def _tc_mid(p0, p1, g1, dinv, b1, W2, W_out):
    B = 1000

    def body(p0_r, p1_r, g1_r, dinv_r, b1_r, w2_r, wo_r, g2_r):
        dinv = dinv_r[...]
        y1 = (p0_r[0] + p1_r[0] + g1_r[...]) * dinv + b1_r[...]
        y1 = jnp.maximum(y1, 0.0)
        h2 = jnp.dot(y1, w2_r[...], preferred_element_type=jnp.float32)
        g2_r[...] = jnp.dot(h2, wo_r[...], preferred_element_type=jnp.float32) * dinv

    return pl.pallas_call(
        body,
        grid=(NN // B,),
        in_specs=[
            pl.BlockSpec((1, B, FD), lambda i: (0, i, 0)),
            pl.BlockSpec((1, B, FD), lambda i: (1, i, 0)),
            pl.BlockSpec((B, FD), lambda i: (i, 0)),
            pl.BlockSpec((B, 1), lambda i: (i, 0)),
            pl.BlockSpec((1, FD), lambda i: (0, 0)),
            pl.BlockSpec((FD, FD), lambda i: (0, 0)),
            pl.BlockSpec((FD, 1), lambda i: (0, 0)),
        ],
        out_specs=pl.BlockSpec((B, 1), lambda i: (i, 0)),
        out_shape=jax.ShapeDtypeStruct((NN, 1), jnp.float32),
    )(p0, p1, g1, dinv, b1, W2, W_out)


def _tc_head(p2T, g2, dinv, b2, W_out, b_out):
    B = 1000

    def body(p_r, g2_r, dinv_r, b2_r, wo_r, bo_r, out_r):
        p = p_r[...]
        cst = jnp.dot(b2_r[...], wo_r[...], preferred_element_type=jnp.float32)
        out_r[...] = (p[:, 0:1] + p[:, 1:2] + g2_r[...]) * dinv_r[...] + cst + bo_r[...]

    return pl.pallas_call(
        body,
        grid=(NN // B,),
        in_specs=[
            pl.BlockSpec((B, 2), lambda i: (i, 0)),
            pl.BlockSpec((B, 1), lambda i: (i, 0)),
            pl.BlockSpec((B, 1), lambda i: (i, 0)),
            pl.BlockSpec((1, FD), lambda i: (0, 0)),
            pl.BlockSpec((FD, 1), lambda i: (0, 0)),
            pl.BlockSpec((1, 1), lambda i: (0, 0)),
        ],
        out_specs=pl.BlockSpec((B, 1), lambda i: (i, 0)),
        out_shape=jax.ShapeDtypeStruct((NN, 1), jnp.float32),
    )(p2T, g2, dinv, b2, W_out, b_out)


def kernel(x, edge_index, W1, b1, W2, b2, W_out, b_out):
    src = edge_index[0].astype(jnp.int32)
    dst = edge_index[1].astype(jnp.int32)
    pad = EP - NE
    srcm = jnp.concatenate([src, jnp.zeros((pad,), jnp.int32)]).reshape(RI, 128)
    dstm = jnp.concatenate([dst, jnp.full((pad,), NN, jnp.int32)]).reshape(RI, 128)

    degp = _edge_agg_scalar(None, srcm, dstm).reshape(2, NP)
    degT = degp[:, :NN].T

    g1, dinv = _tc_scale(x, W1, degT)

    aggp = _edge_agg(g1, srcm, dstm, FD)
    g2 = _tc_mid(aggp, aggp, g1, dinv, b1.reshape(1, FD), W2, W_out)

    g2pad = jnp.concatenate([g2[:, 0], jnp.zeros((NP - NN,), jnp.float32)])
    agg2p = _edge_agg_scalar(g2pad, srcm, dstm).reshape(2, NP)
    out = _tc_head(
        agg2p[:, :NN].T, g2, dinv, b2.reshape(1, FD), W_out, b_out.reshape(1, 1)
    )
    return out

# --- scband reference (transcript-rebuilt; emitter-appended) ---
"""Pipeline reference for scband-gnnsurrogate-11269994184763 (READ-ONLY COPY).

The authoritative reference and input builder live on the scoring server;
editing this copy changes nothing except your own understanding.
"""

import jax, jax.numpy as jnp
import numpy as np

N = 10000
E = 320000
D = 128


def setup_inputs(seed: int = 0) -> dict:
    key = jax.random.key(seed)
    ks = jax.random.split(key, 8)
    x = jax.random.normal(ks[0], (N, D), dtype=jnp.float32)
    edge_index = jax.random.randint(ks[1], (2, E), 0, N, dtype=jnp.int32)
    W1 = jax.random.normal(ks[2], (D, D), dtype=jnp.float32) * 0.05
    b1 = jnp.zeros((D,), dtype=jnp.float32)
    W2 = jax.random.normal(ks[3], (D, D), dtype=jnp.float32) * 0.05
    b2 = jnp.zeros((D,), dtype=jnp.float32)
    W_out = jax.random.normal(ks[4], (D, 1), dtype=jnp.float32) * 0.05
    b_out = jnp.zeros((1,), dtype=jnp.float32)
    return {"x": x, "edge_index": edge_index, "W1": W1, "b1": b1, "W2": W2, "b2": b2, "W_out": W_out, "b_out": b_out}


def gcn_conv(x, edge_index, W, b):
    # Standard GCNConv: add self-loops, symmetric degree normalization,
    # linear transform, scatter-add aggregation.
    n = x.shape[0]
    src = edge_index[0]
    dst = edge_index[1]
    loop = jnp.arange(n, dtype=src.dtype)
    src = jnp.concatenate([src, loop])
    dst = jnp.concatenate([dst, loop])
    deg = jnp.zeros((n,), dtype=x.dtype).at[dst].add(1.0)
    dinv = jnp.where(deg > 0, 1.0 / jnp.sqrt(deg), 0.0)
    norm = dinv[src] * dinv[dst]
    h = x @ W
    msg = h[src] * norm[:, None]
    out = jnp.zeros_like(h).at[dst].add(msg)
    return out + b


def reference(x, edge_index, W1, b1, W2, b2, W_out, b_out):
    # GNNSurrogate.forward: conv1 -> relu -> conv2 -> fc_out
    h = gcn_conv(x, edge_index, W1, b1)
    h = jax.nn.relu(h)
    h = gcn_conv(h, edge_index, W2, b2)
    out = h @ W_out + b_out
    return out

if __name__ == "__main__":
    import jax
    _d = setup_inputs()
    print(jax.jit(kernel)(*tuple(_d.values())))

</pallas_src>

<mosaic_0001>
#map = affine_map<(d0, d1) -> (0)>
#map1 = affine_map<(d0, d1) -> (0, 0)>
module attributes {stable_mosaic.version = 14 : i64} {
  func.func @k(%arg0: i32, %arg1: i32, %arg2: memref<10240xf32, #tpu.memory_space<hbm>>, %arg3: memref<2560x128xi32, #tpu.memory_space<hbm>>, %arg4: memref<2560x128xi32, #tpu.memory_space<hbm>>, %arg5: memref<20480xf32, #tpu.memory_space<hbm>>, %arg6: memref<80x128xi32, #tpu.memory_space<vmem>>, %arg7: memref<80x128xi32, #tpu.memory_space<vmem>>, %arg8: memref<128xf32, #tpu.memory_space<vmem>>, %arg9: memref<128xf32, #tpu.memory_space<vmem>>, %arg10: memref<640xf32, #tpu.memory_space<vmem>>, %arg11: memref<10240xf32, #tpu.memory_space<vmem_shared>>, %arg12: memref<!tpu.dma_semaphore, #tpu.memory_space<semaphore_mem>>, %arg13: memref<!tpu.dma_semaphore, #tpu.memory_space<semaphore_mem>>) attributes {dimension_semantics = [#tpu.dimension_semantics<core_parallel>, #tpu.dimension_semantics<subcore_parallel>], iteration_bounds = array<i64: 2, 16>, scalar_prefetch = 0 : i64, scratch_operands = 8 : i64, tpu.core_type = #tpu.core_type<sc_vector_subcore>, window_params = [{transform_indices = #map}, {transform_indices = #map1}, {transform_indices = #map1}, {transform_indices = #map}]} {
    %mul3A = arith.constant 2 : i32
    %mul3A_0 = arith.muli %arg1, %mul3A : i32
    %add3A = arith.addi %mul3A_0, %arg0 : i32
    %mul3A_1 = arith.constant 80 : i32
    %mul3A_2 = arith.muli %add3A, %mul3A_1 : i32
    "tpu.region"() ({
      %run_scoped3A = tpu.sem_alloc : memref<!tpu.dma_semaphore, #tpu.memory_space<semaphore_mem>>
      %dma_start3A_263 = arith.constant 0 : i32
      %dma_start3A_264 = tpu.memref_slice %arg3[%mul3A_2, %dma_start3A_263] : memref<2560x128xi32, #tpu.memory_space<hbm>> -> memref<80x128xi32, #tpu.memory_space<hbm>>
      %dma_start3A_265 = arith.constant 0 : i32
      %dma_start3A_266 = tpu.memref_slice %arg3[%mul3A_2, %dma_start3A_265] : memref<2560x128xi32, #tpu.memory_space<hbm>> -> memref<80x128xi32, #tpu.memory_space<hbm>>
      tpu.enqueue_dma source(%dma_start3A_266 : memref<80x128xi32, #tpu.memory_space<hbm>>) target(%arg6 : memref<80x128xi32, #tpu.memory_space<vmem>>) target_semaphore(%run_scoped3A : memref<!tpu.dma_semaphore, #tpu.memory_space<semaphore_mem>>)
      %dma_wait3A = arith.constant 0 : i32
      %dma_wait3A_267 = tpu.memref_slice %arg3[%mul3A_2, %dma_wait3A] : memref<2560x128xi32, #tpu.memory_space<hbm>> -> memref<80x128xi32, #tpu.memory_space<hbm>>
      %dma_wait3A_268 = arith.constant 0 : i32
      %dma_wait3A_269 = tpu.memref_slice %arg3[%mul3A_2, %dma_wait3A_268] : memref<2560x128xi32, #tpu.memory_space<hbm>> -> memref<80x128xi32, #tpu.memory_space<hbm>>
      tpu.wait_dma2 semaphore(%run_scoped3A : memref<!tpu.dma_semaphore, #tpu.memory_space<semaphore_mem>>) src(%dma_wait3A_269 : memref<80x128xi32, #tpu.memory_space<hbm>>) dst(%arg6 : memref<80x128xi32, #tpu.memory_space<vmem>>)
      tpu.yield
    }) : () -> ()
    %mul3A_3 = arith.constant 80 : i32
    %mul3A_4 = arith.muli %add3A, %mul3A_3 : i32
    "tpu.region"() ({
      %run_scoped3A = tpu.sem_alloc : memref<!tpu.dma_semaphore, #tpu.memory_space<semaphore_mem>>
      %dma_start3A_263 = arith.constant 0 : i32
      %dma_start3A_264 = tpu.memref_slice %arg4[%mul3A_4, %dma_start3A_263] : memref<2560x128xi32, #tpu.memory_space<hbm>> -> memref<80x128xi32, #tpu.memory_space<hbm>>
      %dma_start3A_265 = arith.constant 0 : i32
      %dma_start3A_266 = tpu.memref_slice %arg4[%mul3A_4, %dma_start3A_265] : memref<2560x128xi32, #tpu.memory_space<hbm>> -> memref<80x128xi32, #tpu.memory_space<hbm>>
      tpu.enqueue_dma source(%dma_start3A_266 : memref<80x128xi32, #tpu.memory_space<hbm>>) target(%arg7 : memref<80x128xi32, #tpu.memory_space<vmem>>) target_semaphore(%run_scoped3A : memref<!tpu.dma_semaphore, #tpu.memory_space<semaphore_mem>>)
      %dma_wait3A = arith.constant 0 : i32
      %dma_wait3A_267 = tpu.memref_slice %arg4[%mul3A_4, %dma_wait3A] : memref<2560x128xi32, #tpu.memory_space<hbm>> -> memref<80x128xi32, #tpu.memory_space<hbm>>
      %dma_wait3A_268 = arith.constant 0 : i32
      %dma_wait3A_269 = tpu.memref_slice %arg4[%mul3A_4, %dma_wait3A_268] : memref<2560x128xi32, #tpu.memory_space<hbm>> -> memref<80x128xi32, #tpu.memory_space<hbm>>
      tpu.wait_dma2 semaphore(%run_scoped3A : memref<!tpu.dma_semaphore, #tpu.memory_space<semaphore_mem>>) src(%dma_wait3A_269 : memref<80x128xi32, #tpu.memory_space<hbm>>) dst(%arg7 : memref<80x128xi32, #tpu.memory_space<vmem>>)
      tpu.yield
    }) : () -> ()
    %broadcast_in_dim3A = arith.constant 0.000000e+00 : f32
    %broadcast_in_dim3A_5 = vector.broadcast %broadcast_in_dim3A : f32 to vector<16xf32>
    %swap3A = arith.constant 0 : index
    %swap3A_6 = tpu.vector_load %arg10[%swap3A] {strides = array<i32>} : memref<640xf32, #tpu.memory_space<vmem>>, vector<16xf32>,
    %swap3A_7 = vector.shape_cast %swap3A_6 : vector<16xf32> to vector<16xf32>
    %swap3A_8 = vector.shape_cast %broadcast_in_dim3A_5 : vector<16xf32> to vector<16xf32>
    tpu.vector_store %arg10[%swap3A], %swap3A_8 {strides = array<i32>} : memref<640xf32, #tpu.memory_space<vmem>>, vector<16xf32>,
    %broadcast_in_dim3A_9 = arith.constant 0.000000e+00 : f32
    %broadcast_in_dim3A_10 = vector.broadcast %broadcast_in_dim3A_9 : f32 to vector<16xf32>
    %swap3A_11 = arith.constant 16 : index
    %swap3A_12 = tpu.vector_load %arg10[%swap3A_11] {strides = array<i32>} : memref<640xf32, #tpu.memory_space<vmem>>, vector<16xf32>,
    %swap3A_13 = vector.shape_cast %swap3A_12 : vector<16xf32> to vector<16xf32>
    %swap3A_14 = vector.shape_cast %broadcast_in_dim3A_10 : vector<16xf32> to vector<16xf32>
    tpu.vector_store %arg10[%swap3A_11], %swap3A_14 {strides = array<i32>} : memref<640xf32, #tpu.memory_space<vmem>>, vector<16xf32>,
    %broadcast_in_dim3A_15 = arith.constant 0.000000e+00 : f32
    %broadcast_in_dim3A_16 = vector.broadcast %broadcast_in_dim3A_15 : f32 to vector<16xf32>
    %swap3A_17 = arith.constant 32 : index
    %swap3A_18 = tpu.vector_load %arg10[%swap3A_17] {strides = array<i32>} : memref<640xf32, #tpu.memory_space<vmem>>, vector<16xf32>,
    %swap3A_19 = vector.shape_cast %swap3A_18 : vector<16xf32> to vector<16xf32>
    %swap3A_20 = vector.shape_cast %broadcast_in_dim3A_16 : vector<16xf32> to vector<16xf32>
    tpu.vector_store %arg10[%swap3A_17], %swap3A_20 {strides = array<i32>} : memref<640xf32, #tpu.memory_space<vmem>>, vector<16xf32>,
    %broadcast_in_dim3A_21 = arith.constant 0.000000e+00 : f32
    %broadcast_in_dim3A_22 = vector.broadcast %broadcast_in_dim3A_21 : f32 to vector<16xf32>
    %swap3A_23 = arith.constant 48 : index
    %swap3A_24 = tpu.vector_load %arg10[%swap3A_23] {strides = array<i32>} : memref<640xf32, #tpu.memory_space<vmem>>, vector<16xf32>,
    %swap3A_25 = vector.shape_cast %swap3A_24 : vector<16xf32> to vector<16xf32>
    %swap3A_26 = vector.shape_cast %broadcast_in_dim3A_22 : vector<16xf32> to vector<16xf32>
    tpu.vector_store %arg10[%swap3A_23], %swap3A_26 {strides = array<i32>} : memref<640xf32, #tpu.memory_space<vmem>>, vector<16xf32>,
    %broadcast_in_dim3A_27 = arith.constant 0.000000e+00 : f32
    %broadcast_in_dim3A_28 = vector.broadcast %broadcast_in_dim3A_27 : f32 to vector<16xf32>
    %swap3A_29 = arith.constant 64 : index
    %swap3A_30 = tpu.vector_load %arg10[%swap3A_29] {strides = array<i32>} : memref<640xf32, #tpu.memory_space<vmem>>, vector<16xf32>,
    %swap3A_31 = vector.shape_cast %swap3A_30 : vector<16xf32> to vector<16xf32>
    %swap3A_32 = vector.shape_cast %broadcast_in_dim3A_28 : vector<16xf32> to vector<16xf32>
    tpu.vector_store %arg10[%swap3A_29], %swap3A_32 {strides = array<i32>} : memref<640xf32, #tpu.memory_space<vmem>>, vector<16xf32>,
    %broadcast_in_dim3A_33 = arith.constant 0.000000e+00 : f32
    %broadcast_in_dim3A_34 = vector.broadcast %broadcast_in_dim3A_33 : f32 to vector<16xf32>
    %swap3A_35 = arith.constant 80 : index
    %swap3A_36 = tpu.vector_load %arg10[%swap3A_35] {strides = array<i32>} : memref<640xf32, #tpu.memory_space<vmem>>, vector<16xf32>,
    %swap3A_37 = vector.shape_cast %swap3A_36 : vector<16xf32> to vector<16xf32>
    %swap3A_38 = vector.shape_cast %broadcast_in_dim3A_34 : vector<16xf32> to vector<16xf32>
    tpu.vector_store %arg10[%swap3A_35], %swap3A_38 {strides = array<i32>} : memref<640xf32, #tpu.memory_space<vmem>>, vector<16xf32>,
    %broadcast_in_dim3A_39 = arith.constant 0.000000e+00 : f32
    %broadcast_in_dim3A_40 = vector.broadcast %broadcast_in_dim3A_39 : f32 to vector<16xf32>
    %swap3A_41 = arith.constant 96 : index
    %swap3A_42 = tpu.vector_load %arg10[%swap3A_41] {strides = array<i32>} : memref<640xf32, #tpu.memory_space<vmem>>, vector<16xf32>,
    %swap3A_43 = vector.shape_cast %swap3A_42 : vector<16xf32> to vector<16xf32>
    %swap3A_44 = vector.shape_cast %broadcast_in_dim3A_40 : vector<16xf32> to vector<16xf32>
    tpu.vector_store %arg10[%swap3A_41], %swap3A_44 {strides = array<i32>} : memref<640xf32, #tpu.memory_space<vmem>>, vector<16xf32>,
    %broadcast_in_dim3A_45 = arith.constant 0.000000e+00 : f32
    %broadcast_in_dim3A_46 = vector.broadcast %broadcast_in_dim3A_45 : f32 to vector<16xf32>
    %swap3A_47 = arith.constant 112 : index
    %swap3A_48 = tpu.vector_load %arg10[%swap3A_47] {strides = array<i32>} : memref<640xf32, #tpu.memory_space<vmem>>, vector<16xf32>,
    %swap3A_49 = vector.shape_cast %swap3A_48 : vector<16xf32> to vector<16xf32>
    %swap3A_50 = vector.shape_cast %broadcast_in_dim3A_46 : vector<16xf32> to vector<16xf32>
    tpu.vector_store %arg10[%swap3A_47], %swap3A_50 {strides = array<i32>} : memref<640xf32, #tpu.memory_space<vmem>>, vector<16xf32>,
    %broadcast_in_dim3A_51 = arith.constant 0.000000e+00 : f32
    %broadcast_in_dim3A_52 = vector.broadcast %broadcast_in_dim3A_51 : f32 to vector<16xf32>
    %swap3A_53 = arith.constant 128 : index
    %swap3A_54 = tpu.vector_load %arg10[%swap3A_53] {strides = array<i32>} : memref<640xf32, #tpu.memory_space<vmem>>, vector<16xf32>,
    %swap3A_55 = vector.shape_cast %swap3A_54 : vector<16xf32> to vector<16xf32>
    %swap3A_56 = vector.shape_cast %broadcast_in_dim3A_52 : vector<16xf32> to vector<16xf32>
    tpu.vector_store %arg10[%swap3A_53], %swap3A_56 {strides = array<i32>} : memref<640xf32, #tpu.memory_space<vmem>>, vector<16xf32>,
    %broadcast_in_dim3A_57 = arith.constant 0.000000e+00 : f32
    %broadcast_in_dim3A_58 = vector.broadcast %broadcast_in_dim3A_57 : f32 to vector<16xf32>
    %swap3A_59 = arith.constant 144 : index
    %swap3A_60 = tpu.vector_load %arg10[%swap3A_59] {strides = array<i32>} : memref<640xf32, #tpu.memory_space<vmem>>, vector<16xf32>,
    %swap3A_61 = vector.shape_cast %swap3A_60 : vector<16xf32> to vector<16xf32>
    %swap3A_62 = vector.shape_cast %broadcast_in_dim3A_58 : vector<16xf32> to vector<16xf32>
    tpu.vector_store %arg10[%swap3A_59], %swap3A_62 {strides = array<i32>} : memref<640xf32, #tpu.memory_space<vmem>>, vector<16xf32>,
    %broadcast_in_dim3A_63 = arith.constant 0.000000e+00 : f32
    %broadcast_in_dim3A_64 = vector.broadcast %broadcast_in_dim3A_63 : f32 to vector<16xf32>
    %swap3A_65 = arith.constant 160 : index
    %swap3A_66 = tpu.vector_load %arg10[%swap3A_65] {strides = array<i32>} : memref<640xf32, #tpu.memory_space<vmem>>, vector<16xf32>,
    %swap3A_67 = vector.shape_cast %swap3A_66 : vector<16xf32> to vector<16xf32>
    %swap3A_68 = vector.shape_cast %broadcast_in_dim3A_64 : vector<16xf32> to vector<16xf32>
    tpu.vector_store %arg10[%swap3A_65], %swap3A_68 {strides = array<i32>} : memref<640xf32, #tpu.memory_space<vmem>>, vector<16xf32>,
    %broadcast_in_dim3A_69 = arith.constant 0.000000e+00 : f32
    %broadcast_in_dim3A_70 = vector.broadcast %broadcast_in_dim3A_69 : f32 to vector<16xf32>
    %swap3A_71 = arith.constant 176 : index
    %swap3A_72 = tpu.vector_load %arg10[%swap3A_71] {strides = array<i32>} : memref<640xf32, #tpu.memory_space<vmem>>, vector<16xf32>,
    %swap3A_73 = vector.shape_cast %swap3A_72 : vector<16xf32> to vector<16xf32>
    %swap3A_74 = vector.shape_cast %broadcast_in_dim3A_70 : vector<16xf32> to vector<16xf32>
    tpu.vector_store %arg10[%swap3A_71], %swap3A_74 {strides = array<i32>} : memref<640xf32, #tpu.memory_space<vmem>>, vector<16xf32>,
    %broadcast_in_dim3A_75 = arith.constant 0.000000e+00 : f32
    %broadcast_in_dim3A_76 = vector.broadcast %broadcast_in_dim3A_75 : f32 to vector<16xf32>
    %swap3A_77 = arith.constant 192 : index
    %swap3A_78 = tpu.vector_load %arg10[%swap3A_77] {strides = array<i32>} : memref<640xf32, #tpu.memory_space<vmem>>, vector<16xf32>,
    %swap3A_79 = vector.shape_cast %swap3A_78 : vector<16xf32> to vector<16xf32>
    %swap3A_80 = vector.shape_cast %broadcast_in_dim3A_76 : vector<16xf32> to vector<16xf32>
    tpu.vector_store %arg10[%swap3A_77], %swap3A_80 {strides = array<i32>} : memref<640xf32, #tpu.memory_space<vmem>>, vector<16xf32>,
    %broadcast_in_dim3A_81 = arith.constant 0.000000e+00 : f32
    %broadcast_in_dim3A_82 = vector.broadcast %broadcast_in_dim3A_81 : f32 to vector<16xf32>
    %swap3A_83 = arith.constant 208 : index
    %swap3A_84 = tpu.vector_load %arg10[%swap3A_83] {strides = array<i32>} : memref<640xf32, #tpu.memory_space<vmem>>, vector<16xf32>,
    %swap3A_85 = vector.shape_cast %swap3A_84 : vector<16xf32> to vector<16xf32>
    %swap3A_86 = vector.shape_cast %broadcast_in_dim3A_82 : vector<16xf32> to vector<16xf32>
    tpu.vector_store %arg10[%swap3A_83], %swap3A_86 {strides = array<i32>} : memref<640xf32, #tpu.memory_space<vmem>>, vector<16xf32>,
    %broadcast_in_dim3A_87 = arith.constant 0.000000e+00 : f32
    %broadcast_in_dim3A_88 = vector.broadcast %broadcast_in_dim3A_87 : f32 to vector<16xf32>
    %swap3A_89 = arith.constant 224 : index
    %swap3A_90 = tpu.vector_load %arg10[%swap3A_89] {strides = array<i32>} : memref<640xf32, #tpu.memory_space<vmem>>, vector<16xf32>,
    %swap3A_91 = vector.shape_cast %swap3A_90 : vector<16xf32> to vector<16xf32>
    %swap3A_92 = vector.shape_cast %broadcast_in_dim3A_88 : vector<16xf32> to vector<16xf32>
    tpu.vector_store %arg10[%swap3A_89], %swap3A_92 {strides = array<i32>} : memref<640xf32, #tpu.memory_space<vmem>>, vector<16xf32>,
    %broadcast_in_dim3A_93 = arith.constant 0.000000e+00 : f32
    %broadcast_in_dim3A_94 = vector.broadcast %broadcast_in_dim3A_93 : f32 to vector<16xf32>
    %swap3A_95 = arith.constant 240 : index
    %swap3A_96 = tpu.vector_load %arg10[%swap3A_95] {strides = array<i32>} : memref<640xf32, #tpu.memory_space<vmem>>, vector<16xf32>,
    %swap3A_97 = vector.shape_cast %swap3A_96 : vector<16xf32> to vector<16xf32>
    %swap3A_98 = vector.shape_cast %broadcast_in_dim3A_94 : vector<16xf32> to vector<16xf32>
    tpu.vector_store %arg10[%swap3A_95], %swap3A_98 {strides = array<i32>} : memref<640xf32, #tpu.memory_space<vmem>>, vector<16xf32>,
    %broadcast_in_dim3A_99 = arith.constant 0.000000e+00 : f32
    %broadcast_in_dim3A_100 = vector.broadcast %broadcast_in_dim3A_99 : f32 to vector<16xf32>
    %swap3A_101 = arith.constant 256 : index
    %swap3A_102 = tpu.vector_load %arg10[%swap3A_101] {strides = array<i32>} : memref<640xf32, #tpu.memory_space<vmem>>, vector<16xf32>,
    %swap3A_103 = vector.shape_cast %swap3A_102 : vector<16xf32> to vector<16xf32>
    %swap3A_104 = vector.shape_cast %broadcast_in_dim3A_100 : vector<16xf32> to vector<16xf32>
    tpu.vector_store %arg10[%swap3A_101], %swap3A_104 {strides = array<i32>} : memref<640xf32, #tpu.memory_space<vmem>>, vector<16xf32>,
    %broadcast_in_dim3A_105 = arith.constant 0.000000e+00 : f32
    %broadcast_in_dim3A_106 = vector.broadcast %broadcast_in_dim3A_105 : f32 to vector<16xf32>
    %swap3A_107 = arith.constant 272 : index
    %swap3A_108 = tpu.vector_load %arg10[%swap3A_107] {strides = array<i32>} : memref<640xf32, #tpu.memory_space<vmem>>, vector<16xf32>,
    %swap3A_109 = vector.shape_cast %swap3A_108 : vector<16xf32> to vector<16xf32>
    %swap3A_110 = vector.shape_cast %broadcast_in_dim3A_106 : vector<16xf32> to vector<16xf32>
    tpu.vector_store %arg10[%swap3A_107], %swap3A_110 {strides = array<i32>} : memref<640xf32, #tpu.memory_space<vmem>>, vector<16xf32>,
    %broadcast_in_dim3A_111 = arith.constant 0.000000e+00 : f32
    %broadcast_in_dim3A_112 = vector.broadcast %broadcast_in_dim3A_111 : f32 to vector<16xf32>
    %swap3A_113 = arith.constant 288 : index
    %swap3A_114 = tpu.vector_load %arg10[%swap3A_113] {strides = array<i32>} : memref<640xf32, #tpu.memory_space<vmem>>, vector<16xf32>,
    %swap3A_115 = vector.shape_cast %swap3A_114 : vector<16xf32> to vector<16xf32>
    %swap3A_116 = vector.shape_cast %broadcast_in_dim3A_112 : vector<16xf32> to vector<16xf32>
    tpu.vector_store %arg10[%swap3A_113], %swap3A_116 {strides = array<i32>} : memref<640xf32, #tpu.memory_space<vmem>>, vector<16xf32>,
    %broadcast_in_dim3A_117 = arith.constant 0.000000e+00 : f32
    %broadcast_in_dim3A_118 = vector.broadcast %broadcast_in_dim3A_117 : f32 to vector<16xf32>
    %swap3A_119 = arith.constant 304 : index
    %swap3A_120 = tpu.vector_load %arg10[%swap3A_119] {strides = array<i32>} : memref<640xf32, #tpu.memory_space<vmem>>, vector<16xf32>,
    %swap3A_121 = vector.shape_cast %swap3A_120 : vector<16xf32> to vector<16xf32>
    %swap3A_122 = vector.shape_cast %broadcast_in_dim3A_118 : vector<16xf32> to vector<16xf32>
    tpu.vector_store %arg10[%swap3A_119], %swap3A_122 {strides = array<i32>} : memref<640xf32, #tpu.memory_space<vmem>>, vector<16xf32>,
    %broadcast_in_dim3A_123 = arith.constant 0.000000e+00 : f32
    %broadcast_in_dim3A_124 = vector.broadcast %broadcast_in_dim3A_123 : f32 to vector<16xf32>
    %swap3A_125 = arith.constant 320 : index
    %swap3A_126 = tpu.vector_load %arg10[%swap3A_125] {strides = array<i32>} : memref<640xf32, #tpu.memory_space<vmem>>, vector<16xf32>,
    %swap3A_127 = vector.shape_cast %swap3A_126 : vector<16xf32> to vector<16xf32>
    %swap3A_128 = vector.shape_cast %broadcast_in_dim3A_124 : vector<16xf32> to vector<16xf32>
    tpu.vector_store %arg10[%swap3A_125], %swap3A_128 {strides = array<i32>} : memref<640xf32, #tpu.memory_space<vmem>>, vector<16xf32>,
    %broadcast_in_dim3A_129 = arith.constant 0.000000e+00 : f32
    %broadcast_in_dim3A_130 = vector.broadcast %broadcast_in_dim3A_129 : f32 to vector<16xf32>
    %swap3A_131 = arith.constant 336 : index
    %swap3A_132 = tpu.vector_load %arg10[%swap3A_131] {strides = array<i32>} : memref<640xf32, #tpu.memory_space<vmem>>, vector<16xf32>,
    %swap3A_133 = vector.shape_cast %swap3A_132 : vector<16xf32> to vector<16xf32>
    %swap3A_134 = vector.shape_cast %broadcast_in_dim3A_130 : vector<16xf32> to vector<16xf32>
    tpu.vector_store %arg10[%swap3A_131], %swap3A_134 {strides = array<i32>} : memref<640xf32, #tpu.memory_space<vmem>>, vector<16xf32>,
    %broadcast_in_dim3A_135 = arith.constant 0.000000e+00 : f32
    %broadcast_in_dim3A_136 = vector.broadcast %broadcast_in_dim3A_135 : f32 to vector<16xf32>
    %swap3A_137 = arith.constant 352 : index
    %swap3A_138 = tpu.vector_load %arg10[%swap3A_137] {strides = array<i32>} : memref<640xf32, #tpu.memory_space<vmem>>, vector<16xf32>,
    %swap3A_139 = vector.shape_cast %swap3A_138 : vector<16xf32> to vector<16xf32>
    %swap3A_140 = vector.shape_cast %broadcast_in_dim3A_136 : vector<16xf32> to vector<16xf32>
    tpu.vector_store %arg10[%swap3A_137], %swap3A_140 {strides = array<i32>} : memref<640xf32, #tpu.memory_space<vmem>>, vector<16xf32>,
    %broadcast_in_dim3A_141 = arith.constant 0.000000e+00 : f32
    %broadcast_in_dim3A_142 = vector.broadcast %broadcast_in_dim3A_141 : f32 to vector<16xf32>
    %swap3A_143 = arith.constant 368 : index
    %swap3A_144 = tpu.vector_load %arg10[%swap3A_143] {strides = array<i32>} : memref<640xf32, #tpu.memory_space<vmem>>, vector<16xf32>,
    %swap3A_145 = vector.shape_cast %swap3A_144 : vector<16xf32> to vector<16xf32>
    %swap3A_146 = vector.shape_cast %broadcast_in_dim3A_142 : vector<16xf32> to vector<16xf32>
    tpu.vector_store %arg10[%swap3A_143], %swap3A_146 {strides = array<i32>} : memref<640xf32, #tpu.memory_space<vmem>>, vector<16xf32>,
    %broadcast_in_dim3A_147 = arith.constant 0.000000e+00 : f32
    %broadcast_in_dim3A_148 = vector.broadcast %broadcast_in_dim3A_147 : f32 to vector<16xf32>
    %swap3A_149 = arith.constant 384 : index
    %swap3A_150 = tpu.vector_load %arg10[%swap3A_149] {strides = array<i32>} : memref<640xf32, #tpu.memory_space<vmem>>, vector<16xf32>,
    %swap3A_151 = vector.shape_cast %swap3A_150 : vector<16xf32> to vector<16xf32>
    %swap3A_152 = vector.shape_cast %broadcast_in_dim3A_148 : vector<16xf32> to vector<16xf32>
    tpu.vector_store %arg10[%swap3A_149], %swap3A_152 {strides = array<i32>} : memref<640xf32, #tpu.memory_space<vmem>>, vector<16xf32>,
    %broadcast_in_dim3A_153 = arith.constant 0.000000e+00 : f32
    %broadcast_in_dim3A_154 = vector.broadcast %broadcast_in_dim3A_153 : f32 to vector<16xf32>
    %swap3A_155 = arith.constant 400 : index
    %swap3A_156 = tpu.vector_load %arg10[%swap3A_155] {strides = array<i32>} : memref<640xf32, #tpu.memory_space<vmem>>, vector<16xf32>,
    %swap3A_157 = vector.shape_cast %swap3A_156 : vector<16xf32> to vector<16xf32>
    %swap3A_158 = vector.shape_cast %broadcast_in_dim3A_154 : vector<16xf32> to vector<16xf32>
    tpu.vector_store %arg10[%swap3A_155], %swap3A_158 {strides = array<i32>} : memref<640xf32, #tpu.memory_space<vmem>>, vector<16xf32>,
    %broadcast_in_dim3A_159 = arith.constant 0.000000e+00 : f32
    %broadcast_in_dim3A_160 = vector.broadcast %broadcast_in_dim3A_159 : f32 to vector<16xf32>
    %swap3A_161 = arith.constant 416 : index
    %swap3A_162 = tpu.vector_load %arg10[%swap3A_161] {strides = array<i32>} : memref<640xf32, #tpu.memory_space<vmem>>, vector<16xf32>,
    %swap3A_163 = vector.shape_cast %swap3A_162 : vector<16xf32> to vector<16xf32>
    %swap3A_164 = vector.shape_cast %broadcast_in_dim3A_160 : vector<16xf32> to vector<16xf32>
    tpu.vector_store %arg10[%swap3A_161], %swap3A_164 {strides = array<i32>} : memref<640xf32, #tpu.memory_space<vmem>>, vector<16xf32>,
    %broadcast_in_dim3A_165 = arith.constant 0.000000e+00 : f32
    %broadcast_in_dim3A_166 = vector.broadcast %broadcast_in_dim3A_165 : f32 to vector<16xf32>
    %swap3A_167 = arith.constant 432 : index
    %swap3A_168 = tpu.vector_load %arg10[%swap3A_167] {strides = array<i32>} : memref<640xf32, #tpu.memory_space<vmem>>, vector<16xf32>,
    %swap3A_169 = vector.shape_cast %swap3A_168 : vector<16xf32> to vector<16xf32>
    %swap3A_170 = vector.shape_cast %broadcast_in_dim3A_166 : vector<16xf32> to vector<16xf32>
    tpu.vector_store %arg10[%swap3A_167], %swap3A_170 {strides = array<i32>} : memref<640xf32, #tpu.memory_space<vmem>>, vector<16xf32>,
    %broadcast_in_dim3A_171 = arith.constant 0.000000e+00 : f32
    %broadcast_in_dim3A_172 = vector.broadcast %broadcast_in_dim3A_171 : f32 to vector<16xf32>
    %swap3A_173 = arith.constant 448 : index
    %swap3A_174 = tpu.vector_load %arg10[%swap3A_173] {strides = array<i32>} : memref<640xf32, #tpu.memory_space<vmem>>, vector<16xf32>,
    %swap3A_175 = vector.shape_cast %swap3A_174 : vector<16xf32> to vector<16xf32>
    %swap3A_176 = vector.shape_cast %broadcast_in_dim3A_172 : vector<16xf32> to vector<16xf32>
    tpu.vector_store %arg10[%swap3A_173], %swap3A_176 {strides = array<i32>} : memref<640xf32, #tpu.memory_space<vmem>>, vector<16xf32>,
    %broadcast_in_dim3A_177 = arith.constant 0.000000e+00 : f32
    %broadcast_in_dim3A_178 = vector.broadcast %broadcast_in_dim3A_177 : f32 to vector<16xf32>
    %swap3A_179 = arith.constant 464 : index
    %swap3A_180 = tpu.vector_load %arg10[%swap3A_179] {strides = array<i32>} : memref<640xf32, #tpu.memory_space<vmem>>, vector<16xf32>,
    %swap3A_181 = vector.shape_cast %swap3A_180 : vector<16xf32> to vector<16xf32>
    %swap3A_182 = vector.shape_cast %broadcast_in_dim3A_178 : vector<16xf32> to vector<16xf32>
    tpu.vector_store %arg10[%swap3A_179], %swap3A_182 {strides = array<i32>} : memref<640xf32, #tpu.memory_space<vmem>>, vector<16xf32>,
    %broadcast_in_dim3A_183 = arith.constant 0.000000e+00 : f32
    %broadcast_in_dim3A_184 = vector.broadcast %broadcast_in_dim3A_183 : f32 to vector<16xf32>
    %swap3A_185 = arith.constant 480 : index
    %swap3A_186 = tpu.vector_load %arg10[%swap3A_185] {strides = array<i32>} : memref<640xf32, #tpu.memory_space<vmem>>, vector<16xf32>,
    %swap3A_187 = vector.shape_cast %swap3A_186 : vector<16xf32> to vector<16xf32>
    %swap3A_188 = vector.shape_cast %broadcast_in_dim3A_184 : vector<16xf32> to vector<16xf32>
    tpu.vector_store %arg10[%swap3A_185], %swap3A_188 {strides = array<i32>} : memref<640xf32, #tpu.memory_space<vmem>>, vector<16xf32>,
    %broadcast_in_dim3A_189 = arith.constant 0.000000e+00 : f32
    %broadcast_in_dim3A_190 = vector.broadcast %broadcast_in_dim3A_189 : f32 to vector<16xf32>
    %swap3A_191 = arith.constant 496 : index
    %swap3A_192 = tpu.vector_load %arg10[%swap3A_191] {strides = array<i32>} : memref<640xf32, #tpu.memory_space<vmem>>, vector<16xf32>,
    %swap3A_193 = vector.shape_cast %swap3A_192 : vector<16xf32> to vector<16xf32>
    %swap3A_194 = vector.shape_cast %broadcast_in_dim3A_190 : vector<16xf32> to vector<16xf32>
    tpu.vector_store %arg10[%swap3A_191], %swap3A_194 {strides = array<i32>} : memref<640xf32, #tpu.memory_space<vmem>>, vector<16xf32>,
    %broadcast_in_dim3A_195 = arith.constant 0.000000e+00 : f32
    %broadcast_in_dim3A_196 = vector.broadcast %broadcast_in_dim3A_195 : f32 to vector<16xf32>
    %swap3A_197 = arith.constant 512 : index
    %swap3A_198 = tpu.vector_load %arg10[%swap3A_197] {strides = array<i32>} : memref<640xf32, #tpu.memory_space<vmem>>, vector<16xf32>,
    %swap3A_199 = vector.shape_cast %swap3A_198 : vector<16xf32> to vector<16xf32>
    %swap3A_200 = vector.shape_cast %broadcast_in_dim3A_196 : vector<16xf32> to vector<16xf32>
    tpu.vector_store %arg10[%swap3A_197], %swap3A_200 {strides = array<i32>} : memref<640xf32, #tpu.memory_space<vmem>>, vector<16xf32>,
    %broadcast_in_dim3A_201 = arith.constant 0.000000e+00 : f32
    %broadcast_in_dim3A_202 = vector.broadcast %broadcast_in_dim3A_201 : f32 to vector<16xf32>
    %swap3A_203 = arith.constant 528 : index
    %swap3A_204 = tpu.vector_load %arg10[%swap3A_203] {strides = array<i32>} : memref<640xf32, #tpu.memory_space<vmem>>, vector<16xf32>,
    %swap3A_205 = vector.shape_cast %swap3A_204 : vector<16xf32> to vector<16xf32>
    %swap3A_206 = vector.shape_cast %broadcast_in_dim3A_202 : vector<16xf32> to vector<16xf32>
    tpu.vector_store %arg10[%swap3A_203], %swap3A_206 {strides = array<i32>} : memref<640xf32, #tpu.memory_space<vmem>>, vector<16xf32>,
    %broadcast_in_dim3A_207 = arith.constant 0.000000e+00 : f32
    %broadcast_in_dim3A_208 = vector.broadcast %broadcast_in_dim3A_207 : f32 to vector<16xf32>
    %swap3A_209 = arith.constant 544 : index
    %swap3A_210 = tpu.vector_load %arg10[%swap3A_209] {strides = array<i32>} : memref<640xf32, #tpu.memory_space<vmem>>, vector<16xf32>,
    %swap3A_211 = vector.shape_cast %swap3A_210 : vector<16xf32> to vector<16xf32>
    %swap3A_212 = vector.shape_cast %broadcast_in_dim3A_208 : vector<16xf32> to vector<16xf32>
    tpu.vector_store %arg10[%swap3A_209], %swap3A_212 {strides = array<i32>} : memref<640xf32, #tpu.memory_space<vmem>>, vector<16xf32>,
    %broadcast_in_dim3A_213 = arith.constant 0.000000e+00 : f32
    %broadcast_in_dim3A_214 = vector.broadcast %broadcast_in_dim3A_213 : f32 to vector<16xf32>
    %swap3A_215 = arith.constant 560 : index
    %swap3A_216 = tpu.vector_load %arg10[%swap3A_215] {strides = array<i32>} : memref<640xf32, #tpu.memory_space<vmem>>, vector<16xf32>,
    %swap3A_217 = vector.shape_cast %swap3A_216 : vector<16xf32> to vector<16xf32>
    %swap3A_218 = vector.shape_cast %broadcast_in_dim3A_214 : vector<16xf32> to vector<16xf32>
    tpu.vector_store %arg10[%swap3A_215], %swap3A_218 {strides = array<i32>} : memref<640xf32, #tpu.memory_space<vmem>>, vector<16xf32>,
    %broadcast_in_dim3A_219 = arith.constant 0.000000e+00 : f32
    %broadcast_in_dim3A_220 = vector.broadcast %broadcast_in_dim3A_219 : f32 to vector<16xf32>
    %swap3A_221 = arith.constant 576 : index
    %swap3A_222 = tpu.vector_load %arg10[%swap3A_221] {strides = array<i32>} : memref<640xf32, #tpu.memory_space<vmem>>, vector<16xf32>,
    %swap3A_223 = vector.shape_cast %swap3A_222 : vector<16xf32> to vector<16xf32>
    %swap3A_224 = vector.shape_cast %broadcast_in_dim3A_220 : vector<16xf32> to vector<16xf32>
    tpu.vector_store %arg10[%swap3A_221], %swap3A_224 {strides = array<i32>} : memref<640xf32, #tpu.memory_space<vmem>>, vector<16xf32>,
    %broadcast_in_dim3A_225 = arith.constant 0.000000e+00 : f32
    %broadcast_in_dim3A_226 = vector.broadcast %broadcast_in_dim3A_225 : f32 to vector<16xf32>
    %swap3A_227 = arith.constant 592 : index
    %swap3A_228 = tpu.vector_load %arg10[%swap3A_227] {strides = array<i32>} : memref<640xf32, #tpu.memory_space<vmem>>, vector<16xf32>,
    %swap3A_229 = vector.shape_cast %swap3A_228 : vector<16xf32> to vector<16xf32>
    %swap3A_230 = vector.shape_cast %broadcast_in_dim3A_226 : vector<16xf32> to vector<16xf32>
    tpu.vector_store %arg10[%swap3A_227], %swap3A_230 {strides = array<i32>} : memref<640xf32, #tpu.memory_space<vmem>>, vector<16xf32>,
    %broadcast_in_dim3A_231 = arith.constant 0.000000e+00 : f32
    %broadcast_in_dim3A_232 = vector.broadcast %broadcast_in_dim3A_231 : f32 to vector<16xf32>
    %swap3A_233 = arith.constant 608 : index
    %swap3A_234 = tpu.vector_load %arg10[%swap3A_233] {strides = array<i32>} : memref<640xf32, #tpu.memory_space<vmem>>, vector<16xf32>,
    %swap3A_235 = vector.shape_cast %swap3A_234 : vector<16xf32> to vector<16xf32>
    %swap3A_236 = vector.shape_cast %broadcast_in_dim3A_232 : vector<16xf32> to vector<16xf32>
    tpu.vector_store %arg10[%swap3A_233], %swap3A_236 {strides = array<i32>} : memref<640xf32, #tpu.memory_space<vmem>>, vector<16xf32>,
    %broadcast_in_dim3A_237 = arith.constant 0.000000e+00 : f32
    %broadcast_in_dim3A_238 = vector.broadcast %broadcast_in_dim3A_237 : f32 to vector<16xf32>
    %swap3A_239 = arith.constant 624 : index
    %swap3A_240 = tpu.vector_load %arg10[%swap3A_239] {strides = array<i32>} : memref<640xf32, #tpu.memory_space<vmem>>, vector<16xf32>,
    %swap3A_241 = vector.shape_cast %swap3A_240 : vector<16xf32> to vector<16xf32>
    %swap3A_242 = vector.shape_cast %broadcast_in_dim3A_238 : vector<16xf32> to vector<16xf32>
    tpu.vector_store %arg10[%swap3A_239], %swap3A_242 {strides = array<i32>} : memref<640xf32, #tpu.memory_space<vmem>>, vector<16xf32>,
    %mul3A_243 = arith.constant 640 : i32
    %mul3A_244 = arith.muli %arg1, %mul3A_243 : i32
    "tpu.region"() ({
      %run_scoped3A = tpu.sem_alloc : memref<!tpu.dma_semaphore, #tpu.memory_space<semaphore_mem>>
      %dma_start3A_263 = tpu.memref_slice %arg11[%mul3A_244] : memref<10240xf32, #tpu.memory_space<vmem_shared>> -> memref<640xf32, #tpu.memory_space<vmem_shared>>
      %dma_start3A_264 = tpu.memref_slice %arg11[%mul3A_244] : memref<10240xf32, #tpu.memory_space<vmem_shared>> -> memref<640xf32, #tpu.memory_space<vmem_shared>>
      tpu.enqueue_dma source(%arg10 : memref<640xf32, #tpu.memory_space<vmem>>) target(%dma_start3A_264 : memref<640xf32, #tpu.memory_space<vmem_shared>>) target_semaphore(%run_scoped3A : memref<!tpu.dma_semaphore, #tpu.memory_space<semaphore_mem>>)
      %dma_wait3A = tpu.memref_slice %arg11[%mul3A_244] : memref<10240xf32, #tpu.memory_space<vmem_shared>> -> memref<640xf32, #tpu.memory_space<vmem_shared>>
      %dma_wait3A_265 = tpu.memref_slice %arg11[%mul3A_244] : memref<10240xf32, #tpu.memory_space<vmem_shared>> -> memref<640xf32, #tpu.memory_space<vmem_shared>>
      tpu.wait_dma2 semaphore(%run_scoped3A : memref<!tpu.dma_semaphore, #tpu.memory_space<semaphore_mem>>) src(%arg10 : memref<640xf32, #tpu.memory_space<vmem>>) dst(%dma_wait3A_265 : memref<640xf32, #tpu.memory_space<vmem_shared>>)
      tpu.yield
    }) : () -> ()
    %barrier3A = arith.constant 0 : index
    tpu.barrier barrier_id(%barrier3A)
    %dma_start3A = arith.constant 0 : i32
    %dma_start3A_245 = arith.constant 0 : i32
    %dma_start3A_246 = tpu.memref_slice %arg6[%dma_start3A, %dma_start3A_245] : memref<80x128xi32, #tpu.memory_space<vmem>> -> memref<1x128xi32, #tpu.memory_space<vmem>>
    %dma_start3A_247 = tpu.memref_squeeze %dma_start3A_246 : memref<1x128xi32, #tpu.memory_space<vmem>> -> memref<128xi32, #tpu.memory_space<vmem>>
    %dma_start3A_248 = arith.constant 0 : i32
    %dma_start3A_249 = tpu.memref_slice %arg2[%dma_start3A_248] : memref<10240xf32, #tpu.memory_space<hbm>> -> memref<10240xf32, #tpu.memory_space<hbm>>
    tpu.enqueue_indirect_dma source(%dma_start3A_249 : memref<10240xf32, #tpu.memory_space<hbm>>) target(%arg8 : memref<128xf32, #tpu.memory_space<vmem>>) offsets(%dma_start3A_247 : memref<128xi32, #tpu.memory_space<vmem>>) semaphore(%arg12 : memref<!tpu.dma_semaphore, #tpu.memory_space<semaphore_mem>>)
    %scan3A = arith.constant 0 : i32
    %scan3A_250 = arith.constant 0 : i32
    %scan3A_251 = arith.constant 40 : i32
    %scan3A_252 = arith.addi %scan3A_250, %scan3A_251 : i32
    %scan3A_253 = arith.constant 1 : i32
    scf.for %scan3A_263 = %scan3A_250 to %scan3A_252 step %scan3A_253  : i32 {
      %mul3A_264 = arith.constant 2 : i32
      %mul3A_265 = arith.muli %scan3A_263, %mul3A_264 : i32
      %add3A_266 = arith.constant 1 : i32
      %add3A_267 = arith.addi %mul3A_265, %add3A_266 : i32
      %dma_wait3A = arith.constant 0 : i32
      %dma_wait3A_268 = tpu.memref_slice %arg6[%mul3A_265, %dma_wait3A] : memref<80x128xi32, #tpu.memory_space<vmem>> -> memref<1x128xi32, #tpu.memory_space<vmem>>
      %dma_wait3A_269 = tpu.memref_squeeze %dma_wait3A_268 : memref<1x128xi32, #tpu.memory_space<vmem>> -> memref<128xi32, #tpu.memory_space<vmem>>
      %dma_wait3A_270 = arith.constant 0 : i32
      %dma_wait3A_271 = tpu.memref_slice %arg2[%dma_wait3A_270] : memref<10240xf32, #tpu.memory_space<hbm>> -> memref<10240xf32, #tpu.memory_space<hbm>>
      tpu.wait_indirect_dma semaphore(%arg12 : memref<!tpu.dma_semaphore, #tpu.memory_space<semaphore_mem>>) src(%dma_wait3A_271 : memref<10240xf32, #tpu.memory_space<hbm>>) dst(%arg8 : memref<128xf32, #tpu.memory_space<vmem>>)
      %dma_start3A_272 = arith.constant 0 : i32
      %dma_start3A_273 = tpu.memref_slice %arg6[%add3A_267, %dma_start3A_272] : memref<80x128xi32, #tpu.memory_space<vmem>> -> memref<1x128xi32, #tpu.memory_space<vmem>>
      %dma_start3A_274 = tpu.memref_squeeze %dma_start3A_273 : memref<1x128xi32, #tpu.memory_space<vmem>> -> memref<128xi32, #tpu.memory_space<vmem>>
      %dma_start3A_275 = arith.constant 0 : i32
      %dma_start3A_276 = tpu.memref_slice %arg2[%dma_start3A_275] : memref<10240xf32, #tpu.memory_space<hbm>> -> memref<10240xf32, #tpu.memory_space<hbm>>
      tpu.enqueue_indirect_dma source(%dma_start3A_276 : memref<10240xf32, #tpu.memory_space<hbm>>) target(%arg9 : memref<128xf32, #tpu.memory_space<vmem>>) offsets(%dma_start3A_274 : memref<128xi32, #tpu.memory_space<vmem>>) semaphore(%arg13 : memref<!tpu.dma_semaphore, #tpu.memory_space<semaphore_mem>>)
      "tpu.region"() ({
        %run_scoped3A = tpu.sem_alloc : memref<!tpu.dma_semaphore, #tpu.memory_space<semaphore_mem>>
        %dma_start3A_284 = arith.constant 0 : i32
        %dma_start3A_285 = tpu.memref_slice %arg7[%mul3A_265, %dma_start3A_284] : memref<80x128xi32, #tpu.memory_space<vmem>> -> memref<1x128xi32, #tpu.memory_space<vmem>>
        %dma_start3A_286 = tpu.memref_squeeze %dma_start3A_285 : memref<1x128xi32, #tpu.memory_space<vmem>> -> memref<128xi32, #tpu.memory_space<vmem>>
        %dma_start3A_287 = arith.constant 0 : i32
        %dma_start3A_288 = tpu.memref_slice %arg11[%dma_start3A_287] : memref<10240xf32, #tpu.memory_space<vmem_shared>> -> memref<10240xf32, #tpu.memory_space<vmem_shared>>
        tpu.enqueue_indirect_dma source(%arg8 : memref<128xf32, #tpu.memory_space<vmem>>) target(%dma_start3A_288 : memref<10240xf32, #tpu.memory_space<vmem_shared>>) offsets(%dma_start3A_286 : memref<128xi32, #tpu.memory_space<vmem>>) semaphore(%run_scoped3A : memref<!tpu.dma_semaphore, #tpu.memory_space<semaphore_mem>>) {add = true}
        %dma_wait3A_289 = arith.constant 0 : i32
        %dma_wait3A_290 = tpu.memref_slice %arg7[%mul3A_265, %dma_wait3A_289] : memref<80x128xi32, #tpu.memory_space<vmem>> -> memref<1x128xi32, #tpu.memory_space<vmem>>
        %dma_wait3A_291 = tpu.memref_squeeze %dma_wait3A_290 : memref<1x128xi32, #tpu.memory_space<vmem>> -> memref<128xi32, #tpu.memory_space<vmem>>
        %dma_wait3A_292 = arith.constant 0 : i32
        %dma_wait3A_293 = tpu.memref_slice %arg11[%dma_wait3A_292] : memref<10240xf32, #tpu.memory_space<vmem_shared>> -> memref<10240xf32, #tpu.memory_space<vmem_shared>>
        tpu.wait_indirect_dma semaphore(%run_scoped3A : memref<!tpu.dma_semaphore, #tpu.memory_space<semaphore_mem>>) src(%arg8 : memref<128xf32, #tpu.memory_space<vmem>>) dst(%dma_wait3A_293 : memref<10240xf32, #tpu.memory_space<vmem_shared>>)
        tpu.yield
      }) : () -> ()
      %dma_wait3A_277 = arith.constant 0 : i32
      %dma_wait3A_278 = tpu.memref_slice %arg6[%add3A_267, %dma_wait3A_277] : memref<80x128xi32, #tpu.memory_space<vmem>> -> memref<1x128xi32, #tpu.memory_space<vmem>>
      %dma_wait3A_279 = tpu.memref_squeeze %dma_wait3A_278 : memref<1x128xi32, #tpu.memory_space<vmem>> -> memref<128xi32, #tpu.memory_space<vmem>>
      %dma_wait3A_280 = arith.constant 0 : i32
      %dma_wait3A_281 = tpu.memref_slice %arg2[%dma_wait3A_280] : memref<10240xf32, #tpu.memory_space<hbm>> -> memref<10240xf32, #tpu.memory_space<hbm>>
      tpu.wait_indirect_dma semaphore(%arg13 : memref<!tpu.dma_semaphore, #tpu.memory_space<semaphore_mem>>) src(%dma_wait3A_281 : memref<10240xf32, #tpu.memory_space<hbm>>) dst(%arg9 : memref<128xf32, #tpu.memory_space<vmem>>)
      %lt3A = arith.constant 39 : i32
      %lt3A_282 = arith.cmpi slt, %scan3A_263, %lt3A : i32
      %convert_element_type3A = arith.extui %lt3A_282 : i1 to i32
      %cond3A = arith.constant 0 : i32
      %cond3A_283 = arith.cmpi ne, %convert_element_type3A, %cond3A : i32
      scf.if %cond3A_283 {
        %add3A_284 = arith.constant 2 : i32
        %add3A_285 = arith.addi %mul3A_265, %add3A_284 : i32
        %dma_start3A_286 = arith.constant 0 : i32
        %dma_start3A_287 = tpu.memref_slice %arg6[%add3A_285, %dma_start3A_286] : memref<80x128xi32, #tpu.memory_space<vmem>> -> memref<1x128xi32, #tpu.memory_space<vmem>>
        %dma_start3A_288 = tpu.memref_squeeze %dma_start3A_287 : memref<1x128xi32, #tpu.memory_space<vmem>> -> memref<128xi32, #tpu.memory_space<vmem>>
        %dma_start3A_289 = arith.constant 0 : i32
        %dma_start3A_290 = tpu.memref_slice %arg2[%dma_start3A_289] : memref<10240xf32, #tpu.memory_space<hbm>> -> memref<10240xf32, #tpu.memory_space<hbm>>
        tpu.enqueue_indirect_dma source(%dma_start3A_290 : memref<10240xf32, #tpu.memory_space<hbm>>) target(%arg8 : memref<128xf32, #tpu.memory_space<vmem>>) offsets(%dma_start3A_288 : memref<128xi32, #tpu.memory_space<vmem>>) semaphore(%arg12 : memref<!tpu.dma_semaphore, #tpu.memory_space<semaphore_mem>>)
      } else {
      }
      "tpu.region"() ({
        %run_scoped3A = tpu.sem_alloc : memref<!tpu.dma_semaphore, #tpu.memory_space<semaphore_mem>>
        %dma_start3A_284 = arith.constant 0 : i32
        %dma_start3A_285 = tpu.memref_slice %arg7[%add3A_267, %dma_start3A_284] : memref<80x128xi32, #tpu.memory_space<vmem>> -> memref<1x128xi32, #tpu.memory_space<vmem>>
        %dma_start3A_286 = tpu.memref_squeeze %dma_start3A_285 : memref<1x128xi32, #tpu.memory_space<vmem>> -> memref<128xi32, #tpu.memory_space<vmem>>
        %dma_start3A_287 = arith.constant 0 : i32
        %dma_start3A_288 = tpu.memref_slice %arg11[%dma_start3A_287] : memref<10240xf32, #tpu.memory_space<vmem_shared>> -> memref<10240xf32, #tpu.memory_space<vmem_shared>>
        tpu.enqueue_indirect_dma source(%arg9 : memref<128xf32, #tpu.memory_space<vmem>>) target(%dma_start3A_288 : memref<10240xf32, #tpu.memory_space<vmem_shared>>) offsets(%dma_start3A_286 : memref<128xi32, #tpu.memory_space<vmem>>) semaphore(%run_scoped3A : memref<!tpu.dma_semaphore, #tpu.memory_space<semaphore_mem>>) {add = true}
        %dma_wait3A_289 = arith.constant 0 : i32
        %dma_wait3A_290 = tpu.memref_slice %arg7[%add3A_267, %dma_wait3A_289] : memref<80x128xi32, #tpu.memory_space<vmem>> -> memref<1x128xi32, #tpu.memory_space<vmem>>
        %dma_wait3A_291 = tpu.memref_squeeze %dma_wait3A_290 : memref<1x128xi32, #tpu.memory_space<vmem>> -> memref<128xi32, #tpu.memory_space<vmem>>
        %dma_wait3A_292 = arith.constant 0 : i32
        %dma_wait3A_293 = tpu.memref_slice %arg11[%dma_wait3A_292] : memref<10240xf32, #tpu.memory_space<vmem_shared>> -> memref<10240xf32, #tpu.memory_space<vmem_shared>>
        tpu.wait_indirect_dma semaphore(%run_scoped3A : memref<!tpu.dma_semaphore, #tpu.memory_space<semaphore_mem>>) src(%arg9 : memref<128xf32, #tpu.memory_space<vmem>>) dst(%dma_wait3A_293 : memref<10240xf32, #tpu.memory_space<vmem_shared>>)
        tpu.yield
      }) : () -> ()
    }
    %scan3A_254 = arith.constant 40 : i32
    %barrier3A_255 = arith.constant 0 : index
    tpu.barrier barrier_id(%barrier3A_255)
    %mul3A_256 = arith.constant 640 : i32
    %mul3A_257 = arith.muli %arg1, %mul3A_256 : i32
    "tpu.region"() ({
      %run_scoped3A = tpu.sem_alloc : memref<!tpu.dma_semaphore, #tpu.memory_space<semaphore_mem>>
      %dma_start3A_263 = tpu.memref_slice %arg11[%mul3A_257] : memref<10240xf32, #tpu.memory_space<vmem_shared>> -> memref<640xf32, #tpu.memory_space<vmem_shared>>
      %dma_start3A_264 = tpu.memref_slice %arg11[%mul3A_257] : memref<10240xf32, #tpu.memory_space<vmem_shared>> -> memref<640xf32, #tpu.memory_space<vmem_shared>>
      tpu.enqueue_dma source(%dma_start3A_264 : memref<640xf32, #tpu.memory_space<vmem_shared>>) target(%arg10 : memref<640xf32, #tpu.memory_space<vmem>>) target_semaphore(%run_scoped3A : memref<!tpu.dma_semaphore, #tpu.memory_space<semaphore_mem>>)
      %dma_wait3A = tpu.memref_slice %arg11[%mul3A_257] : memref<10240xf32, #tpu.memory_space<vmem_shared>> -> memref<640xf32, #tpu.memory_space<vmem_shared>>
      %dma_wait3A_265 = tpu.memref_slice %arg11[%mul3A_257] : memref<10240xf32, #tpu.memory_space<vmem_shared>> -> memref<640xf32, #tpu.memory_space<vmem_shared>>
      tpu.wait_dma2 semaphore(%run_scoped3A : memref<!tpu.dma_semaphore, #tpu.memory_space<semaphore_mem>>) src(%dma_wait3A_265 : memref<640xf32, #tpu.memory_space<vmem_shared>>) dst(%arg10 : memref<640xf32, #tpu.memory_space<vmem>>)
      tpu.yield
    }) : () -> ()
    %mul3A_258 = arith.constant 10240 : i32
    %mul3A_259 = arith.muli %arg0, %mul3A_258 : i32
    %mul3A_260 = arith.constant 640 : i32
    %mul3A_261 = arith.muli %arg1, %mul3A_260 : i32
    %add3A_262 = arith.addi %mul3A_259, %mul3A_261 : i32
    "tpu.region"() ({
      %run_scoped3A = tpu.sem_alloc : memref<!tpu.dma_semaphore, #tpu.memory_space<semaphore_mem>>
      %dma_start3A_263 = tpu.memref_slice %arg5[%add3A_262] : memref<20480xf32, #tpu.memory_space<hbm>> -> memref<640xf32, #tpu.memory_space<hbm>>
      %dma_start3A_264 = tpu.memref_slice %arg5[%add3A_262] : memref<20480xf32, #tpu.memory_space<hbm>> -> memref<640xf32, #tpu.memory_space<hbm>>
      tpu.enqueue_dma source(%arg10 : memref<640xf32, #tpu.memory_space<vmem>>) target(%dma_start3A_264 : memref<640xf32, #tpu.memory_space<hbm>>) target_semaphore(%run_scoped3A : memref<!tpu.dma_semaphore, #tpu.memory_space<semaphore_mem>>)
      %dma_wait3A = tpu.memref_slice %arg5[%add3A_262] : memref<20480xf32, #tpu.memory_space<hbm>> -> memref<640xf32, #tpu.memory_space<hbm>>
      %dma_wait3A_265 = tpu.memref_slice %arg5[%add3A_262] : memref<20480xf32, #tpu.memory_space<hbm>> -> memref<640xf32, #tpu.memory_space<hbm>>
      tpu.wait_dma2 semaphore(%run_scoped3A : memref<!tpu.dma_semaphore, #tpu.memory_space<semaphore_mem>>) src(%arg10 : memref<640xf32, #tpu.memory_space<vmem>>) dst(%dma_wait3A_265 : memref<640xf32, #tpu.memory_space<hbm>>)
      tpu.yield
    }) : () -> ()
    return
  }
}

#map = affine_map<(d0, d1) -> (0, 0)>
#map1 = affine_map<(d0, d1) -> (0, 0, 0)>
module attributes {stable_mosaic.version = 14 : i64} {
  func.func @k(%arg0: i32, %arg1: i32, %arg2: memref<10000x128xf32, #tpu.memory_space<hbm>>, %arg3: memref<2560x128xi32, #tpu.memory_space<hbm>>, %arg4: memref<2560x128xi32, #tpu.memory_space<hbm>>, %arg5: memref<2x10112x128xf32, #tpu.memory_space<hbm>>, %arg6: memref<40x128xi32, #tpu.memory_space<vmem>>, %arg7: memref<40x128xi32, #tpu.memory_space<vmem>>, %arg8: memref<128x128xf32, #tpu.memory_space<vmem>>, %arg9: memref<128x128xf32, #tpu.memory_space<vmem>>, %arg10: memref<10112x128xf32, #tpu.memory_space<vmem_shared>>, %arg11: memref<!tpu.dma_semaphore, #tpu.memory_space<semaphore_mem>>, %arg12: memref<!tpu.dma_semaphore, #tpu.memory_space<semaphore_mem>>) attributes {dimension_semantics = [#tpu.dimension_semantics<core_parallel>, #tpu.dimension_semantics<subcore_parallel>], iteration_bounds = array<i64: 2, 16>, scalar_prefetch = 0 : i64, scratch_operands = 7 : i64, tpu.core_type = #tpu.core_type<sc_vector_subcore>, window_params = [{transform_indices = #map}, {transform_indices = #map}, {transform_indices = #map}, {transform_indices = #map1}]} {
    %mul3A = arith.constant 2 : i32
    %mul3A_0 = arith.muli %arg1, %mul3A : i32
    %add3A = arith.addi %mul3A_0, %arg0 : i32
    %scan3A = arith.constant 0 : i32
    %scan3A_1 = arith.constant 0 : i32
    %scan3A_2 = arith.constant 128 : i32
    %scan3A_3 = arith.addi %scan3A_1, %scan3A_2 : i32
    %scan3A_4 = arith.constant 1 : i32
    scf.for %scan3A_108 = %scan3A_1 to %scan3A_3 step %scan3A_4  : i32 {
      %broadcast_in_dim3A = arith.constant 0.000000e+00 : f32
      %broadcast_in_dim3A_109 = vector.broadcast %broadcast_in_dim3A : f32 to vector<16xf32>
      %swap3A = arith.index_cast %scan3A_108 : i32 to index
      %swap3A_110 = arith.constant 0 : index
      %swap3A_111 = tpu.vector_load %arg8[%swap3A, %swap3A_110] {strides = array<i32>} : memref<128x128xf32, #tpu.memory_space<vmem>>, vector<1x16xf32>,
      %swap3A_112 = vector.shape_cast %swap3A_111 : vector<1x16xf32> to vector<16xf32>
      %swap3A_113 = vector.shape_cast %broadcast_in_dim3A_109 : vector<16xf32> to vector<1x16xf32>
      tpu.vector_store %arg8[%swap3A, %swap3A_110], %swap3A_113 {strides = array<i32>} : memref<128x128xf32, #tpu.memory_space<vmem>>, vector<1x16xf32>,
      %broadcast_in_dim3A_114 = arith.constant 0.000000e+00 : f32
      %broadcast_in_dim3A_115 = vector.broadcast %broadcast_in_dim3A_114 : f32 to vector<16xf32>
      %swap3A_116 = arith.index_cast %scan3A_108 : i32 to index
      %swap3A_117 = arith.constant 16 : index
      %swap3A_118 = tpu.vector_load %arg8[%swap3A_116, %swap3A_117] {strides = array<i32>} : memref<128x128xf32, #tpu.memory_space<vmem>>, vector<1x16xf32>,
      %swap3A_119 = vector.shape_cast %swap3A_118 : vector<1x16xf32> to vector<16xf32>
      %swap3A_120 = vector.shape_cast %broadcast_in_dim3A_115 : vector<16xf32> to vector<1x16xf32>
      tpu.vector_store %arg8[%swap3A_116, %swap3A_117], %swap3A_120 {strides = array<i32>} : memref<128x128xf32, #tpu.memory_space<vmem>>, vector<1x16xf32>,
      %broadcast_in_dim3A_121 = arith.constant 0.000000e+00 : f32
      %broadcast_in_dim3A_122 = vector.broadcast %broadcast_in_dim3A_121 : f32 to vector<16xf32>
      %swap3A_123 = arith.index_cast %scan3A_108 : i32 to index
      %swap3A_124 = arith.constant 32 : index
      %swap3A_125 = tpu.vector_load %arg8[%swap3A_123, %swap3A_124] {strides = array<i32>} : memref<128x128xf32, #tpu.memory_space<vmem>>, vector<1x16xf32>,
      %swap3A_126 = vector.shape_cast %swap3A_125 : vector<1x16xf32> to vector<16xf32>
      %swap3A_127 = vector.shape_cast %broadcast_in_dim3A_122 : vector<16xf32> to vector<1x16xf32>
      tpu.vector_store %arg8[%swap3A_123, %swap3A_124], %swap3A_127 {strides = array<i32>} : memref<128x128xf32, #tpu.memory_space<vmem>>, vector<1x16xf32>,
      %broadcast_in_dim3A_128 = arith.constant 0.000000e+00 : f32
      %broadcast_in_dim3A_129 = vector.broadcast %broadcast_in_dim3A_128 : f32 to vector<16xf32>
      %swap3A_130 = arith.index_cast %scan3A_108 : i32 to index
      %swap3A_131 = arith.constant 48 : index
      %swap3A_132 = tpu.vector_load %arg8[%swap3A_130, %swap3A_131] {strides = array<i32>} : memref<128x128xf32, #tpu.memory_space<vmem>>, vector<1x16xf32>,
      %swap3A_133 = vector.shape_cast %swap3A_132 : vector<1x16xf32> to vector<16xf32>
      %swap3A_134 = vector.shape_cast %broadcast_in_dim3A_129 : vector<16xf32> to vector<1x16xf32>
      tpu.vector_store %arg8[%swap3A_130, %swap3A_131], %swap3A_134 {strides = array<i32>} : memref<128x128xf32, #tpu.memory_space<vmem>>, vector<1x16xf32>,
      %broadcast_in_dim3A_135 = arith.constant 0.000000e+00 : f32
      %broadcast_in_dim3A_136 = vector.broadcast %broadcast_in_dim3A_135 : f32 to vector<16xf32>
      %swap3A_137 = arith.index_cast %scan3A_108 : i32 to index
      %swap3A_138 = arith.constant 64 : index
      %swap3A_139 = tpu.vector_load %arg8[%swap3A_137, %swap3A_138] {strides = array<i32>} : memref<128x128xf32, #tpu.memory_space<vmem>>, vector<1x16xf32>,
      %swap3A_140 = vector.shape_cast %swap3A_139 : vector<1x16xf32> to vector<16xf32>
      %swap3A_141 = vector.shape_cast %broadcast_in_dim3A_136 : vector<16xf32> to vector<1x16xf32>
      tpu.vector_store %arg8[%swap3A_137, %swap3A_138], %swap3A_141 {strides = array<i32>} : memref<128x128xf32, #tpu.memory_space<vmem>>, vector<1x16xf32>,
      %broadcast_in_dim3A_142 = arith.constant 0.000000e+00 : f32
      %broadcast_in_dim3A_143 = vector.broadcast %broadcast_in_dim3A_142 : f32 to vector<16xf32>
      %swap3A_144 = arith.index_cast %scan3A_108 : i32 to index
      %swap3A_145 = arith.constant 80 : index
      %swap3A_146 = tpu.vector_load %arg8[%swap3A_144, %swap3A_145] {strides = array<i32>} : memref<128x128xf32, #tpu.memory_space<vmem>>, vector<1x16xf32>,
      %swap3A_147 = vector.shape_cast %swap3A_146 : vector<1x16xf32> to vector<16xf32>
      %swap3A_148 = vector.shape_cast %broadcast_in_dim3A_143 : vector<16xf32> to vector<1x16xf32>
      tpu.vector_store %arg8[%swap3A_144, %swap3A_145], %swap3A_148 {strides = array<i32>} : memref<128x128xf32, #tpu.memory_space<vmem>>, vector<1x16xf32>,
      %broadcast_in_dim3A_149 = arith.constant 0.000000e+00 : f32
      %broadcast_in_dim3A_150 = vector.broadcast %broadcast_in_dim3A_149 : f32 to vector<16xf32>
      %swap3A_151 = arith.index_cast %scan3A_108 : i32 to index
      %swap3A_152 = arith.constant 96 : index
      %swap3A_153 = tpu.vector_load %arg8[%swap3A_151, %swap3A_152] {strides = array<i32>} : memref<128x128xf32, #tpu.memory_space<vmem>>, vector<1x16xf32>,
      %swap3A_154 = vector.shape_cast %swap3A_153 : vector<1x16xf32> to vector<16xf32>
      %swap3A_155 = vector.shape_cast %broadcast_in_dim3A_150 : vector<16xf32> to vector<1x16xf32>
      tpu.vector_store %arg8[%swap3A_151, %swap3A_152], %swap3A_155 {strides = array<i32>} : memref<128x128xf32, #tpu.memory_space<vmem>>, vector<1x16xf32>,
      %broadcast_in_dim3A_156 = arith.constant 0.000000e+00 : f32
      %broadcast_in_dim3A_157 = vector.broadcast %broadcast_in_dim3A_156 : f32 to vector<16xf32>
      %swap3A_158 = arith.index_cast %scan3A_108 : i32 to index
      %swap3A_159 = arith.constant 112 : index
      %swap3A_160 = tpu.vector_load %arg8[%swap3A_158, %swap3A_159] {strides = array<i32>} : memref<128x128xf32, #tpu.memory_space<vmem>>, vector<1x16xf32>,
      %swap3A_161 = vector.shape_cast %swap3A_160 : vector<1x16xf32> to vector<16xf32>
      %swap3A_162 = vector.shape_cast %broadcast_in_dim3A_157 : vector<16xf32> to vector<1x16xf32>
      tpu.vector_store %arg8[%swap3A_158, %swap3A_159], %swap3A_162 {strides = array<i32>} : memref<128x128xf32, #tpu.memory_space<vmem>>, vector<1x16xf32>,
    }
    %scan3A_5 = arith.constant 128 : i32
    %mul3A_6 = arith.constant 632 : i32
    %mul3A_7 = arith.muli %arg1, %mul3A_6 : i32
    %add3A_8 = arith.constant 0 : i32
    %add3A_9 = arith.addi %mul3A_7, %add3A_8 : i32
    "tpu.region"() ({
      %run_scoped3A = tpu.sem_alloc : memref<!tpu.dma_semaphore, #tpu.memory_space<semaphore_mem>>
      %dma_start3A_108 = arith.constant 0 : i32
      %dma_start3A_109 = tpu.memref_slice %arg10[%add3A_9, %dma_start3A_108] : memref<10112x128xf32, #tpu.memory_space<vmem_shared>> -> memref<128x128xf32, #tpu.memory_space<vmem_shared>>
      %dma_start3A_110 = arith.constant 0 : i32
      %dma_start3A_111 = tpu.memref_slice %arg10[%add3A_9, %dma_start3A_110] : memref<10112x128xf32, #tpu.memory_space<vmem_shared>> -> memref<128x128xf32, #tpu.memory_space<vmem_shared>>
      tpu.enqueue_dma source(%arg8 : memref<128x128xf32, #tpu.memory_space<vmem>>) target(%dma_start3A_111 : memref<128x128xf32, #tpu.memory_space<vmem_shared>>) target_semaphore(%run_scoped3A : memref<!tpu.dma_semaphore, #tpu.memory_space<semaphore_mem>>)
      %dma_wait3A = arith.constant 0 : i32
      %dma_wait3A_112 = tpu.memref_slice %arg10[%add3A_9, %dma_wait3A] : memref<10112x128xf32, #tpu.memory_space<vmem_shared>> -> memref<128x128xf32, #tpu.memory_space<vmem_shared>>
      %dma_wait3A_113 = arith.constant 0 : i32
      %dma_wait3A_114 = tpu.memref_slice %arg10[%add3A_9, %dma_wait3A_113] : memref<10112x128xf32, #tpu.memory_space<vmem_shared>> -> memref<128x128xf32, #tpu.memory_space<vmem_shared>>
      tpu.wait_dma2 semaphore(%run_scoped3A : memref<!tpu.dma_semaphore, #tpu.memory_space<semaphore_mem>>) src(%arg8 : memref<128x128xf32, #tpu.memory_space<vmem>>) dst(%dma_wait3A_114 : memref<128x128xf32, #tpu.memory_space<vmem_shared>>)
      tpu.yield
    }) : () -> ()
    %mul3A_10 = arith.constant 632 : i32
    %mul3A_11 = arith.muli %arg1, %mul3A_10 : i32
    %add3A_12 = arith.constant 128 : i32
    %add3A_13 = arith.addi %mul3A_11, %add3A_12 : i32
    "tpu.region"() ({
      %run_scoped3A = tpu.sem_alloc : memref<!tpu.dma_semaphore, #tpu.memory_space<semaphore_mem>>
      %dma_start3A_108 = arith.constant 0 : i32
      %dma_start3A_109 = tpu.memref_slice %arg10[%add3A_13, %dma_start3A_108] : memref<10112x128xf32, #tpu.memory_space<vmem_shared>> -> memref<128x128xf32, #tpu.memory_space<vmem_shared>>
      %dma_start3A_110 = arith.constant 0 : i32
      %dma_start3A_111 = tpu.memref_slice %arg10[%add3A_13, %dma_start3A_110] : memref<10112x128xf32, #tpu.memory_space<vmem_shared>> -> memref<128x128xf32, #tpu.memory_space<vmem_shared>>
      tpu.enqueue_dma source(%arg8 : memref<128x128xf32, #tpu.memory_space<vmem>>) target(%dma_start3A_111 : memref<128x128xf32, #tpu.memory_space<vmem_shared>>) target_semaphore(%run_scoped3A : memref<!tpu.dma_semaphore, #tpu.memory_space<semaphore_mem>>)
      %dma_wait3A = arith.constant 0 : i32
      %dma_wait3A_112 = tpu.memref_slice %arg10[%add3A_13, %dma_wait3A] : memref<10112x128xf32, #tpu.memory_space<vmem_shared>> -> memref<128x128xf32, #tpu.memory_space<vmem_shared>>
      %dma_wait3A_113 = arith.constant 0 : i32
      %dma_wait3A_114 = tpu.memref_slice %arg10[%add3A_13, %dma_wait3A_113] : memref<10112x128xf32, #tpu.memory_space<vmem_shared>> -> memref<128x128xf32, #tpu.memory_space<vmem_shared>>
      tpu.wait_dma2 semaphore(%run_scoped3A : memref<!tpu.dma_semaphore, #tpu.memory_space<semaphore_mem>>) src(%arg8 : memref<128x128xf32, #tpu.memory_space<vmem>>) dst(%dma_wait3A_114 : memref<128x128xf32, #tpu.memory_space<vmem_shared>>)
      tpu.yield
    }) : () -> ()
    %mul3A_14 = arith.constant 632 : i32
    %mul3A_15 = arith.muli %arg1, %mul3A_14 : i32
    %add3A_16 = arith.constant 256 : i32
    %add3A_17 = arith.addi %mul3A_15, %add3A_16 : i32
    "tpu.region"() ({
      %run_scoped3A = tpu.sem_alloc : memref<!tpu.dma_semaphore, #tpu.memory_space<semaphore_mem>>
      %dma_start3A_108 = arith.constant 0 : i32
      %dma_start3A_109 = tpu.memref_slice %arg10[%add3A_17, %dma_start3A_108] : memref<10112x128xf32, #tpu.memory_space<vmem_shared>> -> memref<128x128xf32, #tpu.memory_space<vmem_shared>>
      %dma_start3A_110 = arith.constant 0 : i32
      %dma_start3A_111 = tpu.memref_slice %arg10[%add3A_17, %dma_start3A_110] : memref<10112x128xf32, #tpu.memory_space<vmem_shared>> -> memref<128x128xf32, #tpu.memory_space<vmem_shared>>
      tpu.enqueue_dma source(%arg8 : memref<128x128xf32, #tpu.memory_space<vmem>>) target(%dma_start3A_111 : memref<128x128xf32, #tpu.memory_space<vmem_shared>>) target_semaphore(%run_scoped3A : memref<!tpu.dma_semaphore, #tpu.memory_space<semaphore_mem>>)
      %dma_wait3A = arith.constant 0 : i32
      %dma_wait3A_112 = tpu.memref_slice %arg10[%add3A_17, %dma_wait3A] : memref<10112x128xf32, #tpu.memory_space<vmem_shared>> -> memref<128x128xf32, #tpu.memory_space<vmem_shared>>
      %dma_wait3A_113 = arith.constant 0 : i32
      %dma_wait3A_114 = tpu.memref_slice %arg10[%add3A_17, %dma_wait3A_113] : memref<10112x128xf32, #tpu.memory_space<vmem_shared>> -> memref<128x128xf32, #tpu.memory_space<vmem_shared>>
      tpu.wait_dma2 semaphore(%run_scoped3A : memref<!tpu.dma_semaphore, #tpu.memory_space<semaphore_mem>>) src(%arg8 : memref<128x128xf32, #tpu.memory_space<vmem>>) dst(%dma_wait3A_114 : memref<128x128xf32, #tpu.memory_space<vmem_shared>>)
      tpu.yield
    }) : () -> ()
    %mul3A_18 = arith.constant 632 : i32
    %mul3A_19 = arith.muli %arg1, %mul3A_18 : i32
    %add3A_20 = arith.constant 384 : i32
    %add3A_21 = arith.addi %mul3A_19, %add3A_20 : i32
    "tpu.region"() ({
      %run_scoped3A = tpu.sem_alloc : memref<!tpu.dma_semaphore, #tpu.memory_space<semaphore_mem>>
      %dma_start3A_108 = arith.constant 0 : i32
      %dma_start3A_109 = tpu.memref_slice %arg10[%add3A_21, %dma_start3A_108] : memref<10112x128xf32, #tpu.memory_space<vmem_shared>> -> memref<128x128xf32, #tpu.memory_space<vmem_shared>>
      %dma_start3A_110 = arith.constant 0 : i32
      %dma_start3A_111 = tpu.memref_slice %arg10[%add3A_21, %dma_start3A_110] : memref<10112x128xf32, #tpu.memory_space<vmem_shared>> -> memref<128x128xf32, #tpu.memory_space<vmem_shared>>
      tpu.enqueue_dma source(%arg8 : memref<128x128xf32, #tpu.memory_space<vmem>>) target(%dma_start3A_111 : memref<128x128xf32, #tpu.memory_space<vmem_shared>>) target_semaphore(%run_scoped3A : memref<!tpu.dma_semaphore, #tpu.memory_space<semaphore_mem>>)
      %dma_wait3A = arith.constant 0 : i32
      %dma_wait3A_112 = tpu.memref_slice %arg10[%add3A_21, %dma_wait3A] : memref<10112x128xf32, #tpu.memory_space<vmem_shared>> -> memref<128x128xf32, #tpu.memory_space<vmem_shared>>
      %dma_wait3A_113 = arith.constant 0 : i32
      %dma_wait3A_114 = tpu.memref_slice %arg10[%add3A_21, %dma_wait3A_113] : memref<10112x128xf32, #tpu.memory_space<vmem_shared>> -> memref<128x128xf32, #tpu.memory_space<vmem_shared>>
      tpu.wait_dma2 semaphore(%run_scoped3A : memref<!tpu.dma_semaphore, #tpu.memory_space<semaphore_mem>>) src(%arg8 : memref<128x128xf32, #tpu.memory_space<vmem>>) dst(%dma_wait3A_114 : memref<128x128xf32, #tpu.memory_space<vmem_shared>>)
      tpu.yield
    }) : () -> ()
    %mul3A_22 = arith.constant 632 : i32
    %mul3A_23 = arith.muli %arg1, %mul3A_22 : i32
    %add3A_24 = arith.constant 512 : i32
    %add3A_25 = arith.addi %mul3A_23, %add3A_24 : i32
    "tpu.region"() ({
      %run_scoped3A = tpu.sem_alloc : memref<!tpu.dma_semaphore, #tpu.memory_space<semaphore_mem>>
      %dma_start3A_108 = arith.constant 0 : i32
      %dma_start3A_109 = arith.constant 0 : i32
      %dma_start3A_110 = tpu.memref_slice %arg8[%dma_start3A_108, %dma_start3A_109] : memref<128x128xf32, #tpu.memory_space<vmem>> -> memref<120x128xf32, #tpu.memory_space<vmem>>
      %dma_start3A_111 = arith.constant 0 : i32
      %dma_start3A_112 = tpu.memref_slice %arg10[%add3A_25, %dma_start3A_111] : memref<10112x128xf32, #tpu.memory_space<vmem_shared>> -> memref<120x128xf32, #tpu.memory_space<vmem_shared>>
      %dma_start3A_113 = arith.constant 0 : i32
      %dma_start3A_114 = tpu.memref_slice %arg10[%add3A_25, %dma_start3A_113] : memref<10112x128xf32, #tpu.memory_space<vmem_shared>> -> memref<120x128xf32, #tpu.memory_space<vmem_shared>>
      %dma_start3A_115 = arith.constant 0 : i32
      %dma_start3A_116 = arith.constant 0 : i32
      %dma_start3A_117 = tpu.memref_slice %arg8[%dma_start3A_115, %dma_start3A_116] : memref<128x128xf32, #tpu.memory_space<vmem>> -> memref<120x128xf32, #tpu.memory_space<vmem>>
      tpu.enqueue_dma source(%dma_start3A_117 : memref<120x128xf32, #tpu.memory_space<vmem>>) target(%dma_start3A_114 : memref<120x128xf32, #tpu.memory_space<vmem_shared>>) target_semaphore(%run_scoped3A : memref<!tpu.dma_semaphore, #tpu.memory_space<semaphore_mem>>)
      %dma_wait3A = arith.constant 0 : i32
      %dma_wait3A_118 = arith.constant 0 : i32
      %dma_wait3A_119 = tpu.memref_slice %arg8[%dma_wait3A, %dma_wait3A_118] : memref<128x128xf32, #tpu.memory_space<vmem>> -> memref<120x128xf32, #tpu.memory_space<vmem>>
      %dma_wait3A_120 = arith.constant 0 : i32
      %dma_wait3A_121 = tpu.memref_slice %arg10[%add3A_25, %dma_wait3A_120] : memref<10112x128xf32, #tpu.memory_space<vmem_shared>> -> memref<120x128xf32, #tpu.memory_space<vmem_shared>>
      %dma_wait3A_122 = arith.constant 0 : i32
      %dma_wait3A_123 = tpu.memref_slice %arg10[%add3A_25, %dma_wait3A_122] : memref<10112x128xf32, #tpu.memory_space<vmem_shared>> -> memref<120x128xf32, #tpu.memory_space<vmem_shared>>
      %dma_wait3A_124 = arith.constant 0 : i32
      %dma_wait3A_125 = arith.constant 0 : i32
      %dma_wait3A_126 = tpu.memref_slice %arg8[%dma_wait3A_124, %dma_wait3A_125] : memref<128x128xf32, #tpu.memory_space<vmem>> -> memref<120x128xf32, #tpu.memory_space<vmem>>
      tpu.wait_dma2 semaphore(%run_scoped3A : memref<!tpu.dma_semaphore, #tpu.memory_space<semaphore_mem>>) src(%dma_wait3A_126 : memref<120x128xf32, #tpu.memory_space<vmem>>) dst(%dma_wait3A_123 : memref<120x128xf32, #tpu.memory_space<vmem_shared>>)
      tpu.yield
    }) : () -> ()
    %barrier3A = arith.constant 0 : index
    tpu.barrier barrier_id(%barrier3A)
    %mul3A_26 = arith.constant 80 : i32
    %mul3A_27 = arith.muli %add3A, %mul3A_26 : i32
    %add3A_28 = arith.constant 0 : i32
    %add3A_29 = arith.addi %mul3A_27, %add3A_28 : i32
    "tpu.region"() ({
      %run_scoped3A = tpu.sem_alloc : memref<!tpu.dma_semaphore, #tpu.memory_space<semaphore_mem>>
      %dma_start3A_108 = arith.constant 0 : i32
      %dma_start3A_109 = tpu.memref_slice %arg3[%add3A_29, %dma_start3A_108] : memref<2560x128xi32, #tpu.memory_space<hbm>> -> memref<40x128xi32, #tpu.memory_space<hbm>>
      %dma_start3A_110 = arith.constant 0 : i32
      %dma_start3A_111 = tpu.memref_slice %arg3[%add3A_29, %dma_start3A_110] : memref<2560x128xi32, #tpu.memory_space<hbm>> -> memref<40x128xi32, #tpu.memory_space<hbm>>
      tpu.enqueue_dma source(%dma_start3A_111 : memref<40x128xi32, #tpu.memory_space<hbm>>) target(%arg6 : memref<40x128xi32, #tpu.memory_space<vmem>>) target_semaphore(%run_scoped3A : memref<!tpu.dma_semaphore, #tpu.memory_space<semaphore_mem>>)
      %dma_wait3A = arith.constant 0 : i32
      %dma_wait3A_112 = tpu.memref_slice %arg3[%add3A_29, %dma_wait3A] : memref<2560x128xi32, #tpu.memory_space<hbm>> -> memref<40x128xi32, #tpu.memory_space<hbm>>
      %dma_wait3A_113 = arith.constant 0 : i32
      %dma_wait3A_114 = tpu.memref_slice %arg3[%add3A_29, %dma_wait3A_113] : memref<2560x128xi32, #tpu.memory_space<hbm>> -> memref<40x128xi32, #tpu.memory_space<hbm>>
      tpu.wait_dma2 semaphore(%run_scoped3A : memref<!tpu.dma_semaphore, #tpu.memory_space<semaphore_mem>>) src(%dma_wait3A_114 : memref<40x128xi32, #tpu.memory_space<hbm>>) dst(%arg6 : memref<40x128xi32, #tpu.memory_space<vmem>>)
      tpu.yield
    }) : () -> ()
    %mul3A_30 = arith.constant 80 : i32
    %mul3A_31 = arith.muli %add3A, %mul3A_30 : i32
    %add3A_32 = arith.constant 0 : i32
    %add3A_33 = arith.addi %mul3A_31, %add3A_32 : i32
    "tpu.region"() ({
      %run_scoped3A = tpu.sem_alloc : memref<!tpu.dma_semaphore, #tpu.memory_space<semaphore_mem>>
      %dma_start3A_108 = arith.constant 0 : i32
      %dma_start3A_109 = tpu.memref_slice %arg4[%add3A_33, %dma_start3A_108] : memref<2560x128xi32, #tpu.memory_space<hbm>> -> memref<40x128xi32, #tpu.memory_space<hbm>>
      %dma_start3A_110 = arith.constant 0 : i32
      %dma_start3A_111 = tpu.memref_slice %arg4[%add3A_33, %dma_start3A_110] : memref<2560x128xi32, #tpu.memory_space<hbm>> -> memref<40x128xi32, #tpu.memory_space<hbm>>
      tpu.enqueue_dma source(%dma_start3A_111 : memref<40x128xi32, #tpu.memory_space<hbm>>) target(%arg7 : memref<40x128xi32, #tpu.memory_space<vmem>>) target_semaphore(%run_scoped3A : memref<!tpu.dma_semaphore, #tpu.memory_space<semaphore_mem>>)
      %dma_wait3A = arith.constant 0 : i32
      %dma_wait3A_112 = tpu.memref_slice %arg4[%add3A_33, %dma_wait3A] : memref<2560x128xi32, #tpu.memory_space<hbm>> -> memref<40x128xi32, #tpu.memory_space<hbm>>
      %dma_wait3A_113 = arith.constant 0 : i32
      %dma_wait3A_114 = tpu.memref_slice %arg4[%add3A_33, %dma_wait3A_113] : memref<2560x128xi32, #tpu.memory_space<hbm>> -> memref<40x128xi32, #tpu.memory_space<hbm>>
      tpu.wait_dma2 semaphore(%run_scoped3A : memref<!tpu.dma_semaphore, #tpu.memory_space<semaphore_mem>>) src(%dma_wait3A_114 : memref<40x128xi32, #tpu.memory_space<hbm>>) dst(%arg7 : memref<40x128xi32, #tpu.memory_space<vmem>>)
      tpu.yield
    }) : () -> ()
    %dma_start3A = arith.constant 0 : i32
    %dma_start3A_34 = arith.constant 0 : i32
    %dma_start3A_35 = tpu.memref_slice %arg6[%dma_start3A, %dma_start3A_34] : memref<40x128xi32, #tpu.memory_space<vmem>> -> memref<1x128xi32, #tpu.memory_space<vmem>>
    %dma_start3A_36 = tpu.memref_squeeze %dma_start3A_35 : memref<1x128xi32, #tpu.memory_space<vmem>> -> memref<128xi32, #tpu.memory_space<vmem>>
    %dma_start3A_37 = arith.constant 0 : i32
    %dma_start3A_38 = arith.constant 0 : i32
    %dma_start3A_39 = tpu.memref_slice %arg2[%dma_start3A_37, %dma_start3A_38] : memref<10000x128xf32, #tpu.memory_space<hbm>> -> memref<10000x128xf32, #tpu.memory_space<hbm>>
    tpu.enqueue_indirect_dma source(%dma_start3A_39 : memref<10000x128xf32, #tpu.memory_space<hbm>>) target(%arg8 : memref<128x128xf32, #tpu.memory_space<vmem>>) offsets(%dma_start3A_36 : memref<128xi32, #tpu.memory_space<vmem>>) semaphore(%arg11 : memref<!tpu.dma_semaphore, #tpu.memory_space<semaphore_mem>>)
    %scan3A_40 = arith.constant 0 : i32
    %scan3A_41 = arith.constant 0 : i32
    %scan3A_42 = arith.constant 20 : i32
    %scan3A_43 = arith.addi %scan3A_41, %scan3A_42 : i32
    %scan3A_44 = arith.constant 1 : i32
    scf.for %scan3A_108 = %scan3A_41 to %scan3A_43 step %scan3A_44  : i32 {
      %mul3A_109 = arith.constant 2 : i32
      %mul3A_110 = arith.muli %scan3A_108, %mul3A_109 : i32
      %add3A_111 = arith.constant 1 : i32
      %add3A_112 = arith.addi %mul3A_110, %add3A_111 : i32
      %dma_wait3A = arith.constant 0 : i32
      %dma_wait3A_113 = tpu.memref_slice %arg6[%mul3A_110, %dma_wait3A] : memref<40x128xi32, #tpu.memory_space<vmem>> -> memref<1x128xi32, #tpu.memory_space<vmem>>
      %dma_wait3A_114 = tpu.memref_squeeze %dma_wait3A_113 : memref<1x128xi32, #tpu.memory_space<vmem>> -> memref<128xi32, #tpu.memory_space<vmem>>
      %dma_wait3A_115 = arith.constant 0 : i32
      %dma_wait3A_116 = arith.constant 0 : i32
      %dma_wait3A_117 = tpu.memref_slice %arg2[%dma_wait3A_115, %dma_wait3A_116] : memref<10000x128xf32, #tpu.memory_space<hbm>> -> memref<10000x128xf32, #tpu.memory_space<hbm>>
      tpu.wait_indirect_dma semaphore(%arg11 : memref<!tpu.dma_semaphore, #tpu.memory_space<semaphore_mem>>) src(%dma_wait3A_117 : memref<10000x128xf32, #tpu.memory_space<hbm>>) dst(%arg8 : memref<128x128xf32, #tpu.memory_space<vmem>>)
      %dma_start3A_118 = arith.constant 0 : i32
      %dma_start3A_119 = tpu.memref_slice %arg6[%add3A_112, %dma_start3A_118] : memref<40x128xi32, #tpu.memory_space<vmem>> -> memref<1x128xi32, #tpu.memory_space<vmem>>
      %dma_start3A_120 = tpu.memref_squeeze %dma_start3A_119 : memref<1x128xi32, #tpu.memory_space<vmem>> -> memref<128xi32, #tpu.memory_space<vmem>>
      %dma_start3A_121 = arith.constant 0 : i32
      %dma_start3A_122 = arith.constant 0 : i32
      %dma_start3A_123 = tpu.memref_slice %arg2[%dma_start3A_121, %dma_start3A_122] : memref<10000x128xf32, #tpu.memory_space<hbm>> -> memref<10000x128xf32, #tpu.memory_space<hbm>>
      tpu.enqueue_indirect_dma source(%dma_start3A_123 : memref<10000x128xf32, #tpu.memory_space<hbm>>) target(%arg9 : memref<128x128xf32, #tpu.memory_space<vmem>>) offsets(%dma_start3A_120 : memref<128xi32, #tpu.memory_space<vmem>>) semaphore(%arg12 : memref<!tpu.dma_semaphore, #tpu.memory_space<semaphore_mem>>)
      "tpu.region"() ({
        %run_scoped3A = tpu.sem_alloc : memref<!tpu.dma_semaphore, #tpu.memory_space<semaphore_mem>>
        %dma_start3A_132 = arith.constant 0 : i32
        %dma_start3A_133 = tpu.memref_slice %arg7[%mul3A_110, %dma_start3A_132] : memref<40x128xi32, #tpu.memory_space<vmem>> -> memref<1x128xi32, #tpu.memory_space<vmem>>
        %dma_start3A_134 = tpu.memref_squeeze %dma_start3A_133 : memref<1x128xi32, #tpu.memory_space<vmem>> -> memref<128xi32, #tpu.memory_space<vmem>>
        %dma_start3A_135 = arith.constant 0 : i32
        %dma_start3A_136 = arith.constant 0 : i32
        %dma_start3A_137 = tpu.memref_slice %arg10[%dma_start3A_135, %dma_start3A_136] : memref<10112x128xf32, #tpu.memory_space<vmem_shared>> -> memref<10112x128xf32, #tpu.memory_space<vmem_shared>>
        tpu.enqueue_indirect_dma source(%arg8 : memref<128x128xf32, #tpu.memory_space<vmem>>) target(%dma_start3A_137 : memref<10112x128xf32, #tpu.memory_space<vmem_shared>>) offsets(%dma_start3A_134 : memref<128xi32, #tpu.memory_space<vmem>>) semaphore(%run_scoped3A : memref<!tpu.dma_semaphore, #tpu.memory_space<semaphore_mem>>) {add = true}
        %dma_wait3A_138 = arith.constant 0 : i32
        %dma_wait3A_139 = tpu.memref_slice %arg7[%mul3A_110, %dma_wait3A_138] : memref<40x128xi32, #tpu.memory_space<vmem>> -> memref<1x128xi32, #tpu.memory_space<vmem>>
        %dma_wait3A_140 = tpu.memref_squeeze %dma_wait3A_139 : memref<1x128xi32, #tpu.memory_space<vmem>> -> memref<128xi32, #tpu.memory_space<vmem>>
        %dma_wait3A_141 = arith.constant 0 : i32
        %dma_wait3A_142 = arith.constant 0 : i32
        %dma_wait3A_143 = tpu.memref_slice %arg10[%dma_wait3A_141, %dma_wait3A_142] : memref<10112x128xf32, #tpu.memory_space<vmem_shared>> -> memref<10112x128xf32, #tpu.memory_space<vmem_shared>>
        tpu.wait_indirect_dma semaphore(%run_scoped3A : memref<!tpu.dma_semaphore, #tpu.memory_space<semaphore_mem>>) src(%arg8 : memref<128x128xf32, #tpu.memory_space<vmem>>) dst(%dma_wait3A_143 : memref<10112x128xf32, #tpu.memory_space<vmem_shared>>)
        tpu.yield
      }) : () -> ()
      %dma_wait3A_124 = arith.constant 0 : i32
      %dma_wait3A_125 = tpu.memref_slice %arg6[%add3A_112, %dma_wait3A_124] : memref<40x128xi32, #tpu.memory_space<vmem>> -> memref<1x128xi32, #tpu.memory_space<vmem>>
      %dma_wait3A_126 = tpu.memref_squeeze %dma_wait3A_125 : memref<1x128xi32, #tpu.memory_space<vmem>> -> memref<128xi32, #tpu.memory_space<vmem>>
      %dma_wait3A_127 = arith.constant 0 : i32
      %dma_wait3A_128 = arith.constant 0 : i32
      %dma_wait3A_129 = tpu.memref_slice %arg2[%dma_wait3A_127, %dma_wait3A_128] : memref<10000x128xf32, #tpu.memory_space<hbm>> -> memref<10000x128xf32, #tpu.memory_space<hbm>>
      tpu.wait_indirect_dma semaphore(%arg12 : memref<!tpu.dma_semaphore, #tpu.memory_space<semaphore_mem>>) src(%dma_wait3A_129 : memref<10000x128xf32, #tpu.memory_space<hbm>>) dst(%arg9 : memref<128x128xf32, #tpu.memory_space<vmem>>)
      %lt3A = arith.constant 19 : i32
      %lt3A_130 = arith.cmpi slt, %scan3A_108, %lt3A : i32
      %convert_element_type3A = arith.extui %lt3A_130 : i1 to i32
      %cond3A = arith.constant 0 : i32
      %cond3A_131 = arith.cmpi ne, %convert_element_type3A, %cond3A : i32
      scf.if %cond3A_131 {
        %add3A_132 = arith.constant 2 : i32
        %add3A_133 = arith.addi %mul3A_110, %add3A_132 : i32
        %dma_start3A_134 = arith.constant 0 : i32
        %dma_start3A_135 = tpu.memref_slice %arg6[%add3A_133, %dma_start3A_134] : memref<40x128xi32, #tpu.memory_space<vmem>> -> memref<1x128xi32, #tpu.memory_space<vmem>>
        %dma_start3A_136 = tpu.memref_squeeze %dma_start3A_135 : memref<1x128xi32, #tpu.memory_space<vmem>> -> memref<128xi32, #tpu.memory_space<vmem>>
        %dma_start3A_137 = arith.constant 0 : i32
        %dma_start3A_138 = arith.constant 0 : i32
        %dma_start3A_139 = tpu.memref_slice %arg2[%dma_start3A_137, %dma_start3A_138] : memref<10000x128xf32, #tpu.memory_space<hbm>> -> memref<10000x128xf32, #tpu.memory_space<hbm>>
        tpu.enqueue_indirect_dma source(%dma_start3A_139 : memref<10000x128xf32, #tpu.memory_space<hbm>>) target(%arg8 : memref<128x128xf32, #tpu.memory_space<vmem>>) offsets(%dma_start3A_136 : memref<128xi32, #tpu.memory_space<vmem>>) semaphore(%arg11 : memref<!tpu.dma_semaphore, #tpu.memory_space<semaphore_mem>>)
      } else {
      }
      "tpu.region"() ({
        %run_scoped3A = tpu.sem_alloc : memref<!tpu.dma_semaphore, #tpu.memory_space<semaphore_mem>>
        %dma_start3A_132 = arith.constant 0 : i32
        %dma_start3A_133 = tpu.memref_slice %arg7[%add3A_112, %dma_start3A_132] : memref<40x128xi32, #tpu.memory_space<vmem>> -> memref<1x128xi32, #tpu.memory_space<vmem>>
        %dma_start3A_134 = tpu.memref_squeeze %dma_start3A_133 : memref<1x128xi32, #tpu.memory_space<vmem>> -> memref<128xi32, #tpu.memory_space<vmem>>
        %dma_start3A_135 = arith.constant 0 : i32
        %dma_start3A_136 = arith.constant 0 : i32
        %dma_start3A_137 = tpu.memref_slice %arg10[%dma_start3A_135, %dma_start3A_136] : memref<10112x128xf32, #tpu.memory_space<vmem_shared>> -> memref<10112x128xf32, #tpu.memory_space<vmem_shared>>
        tpu.enqueue_indirect_dma source(%arg9 : memref<128x128xf32, #tpu.memory_space<vmem>>) target(%dma_start3A_137 : memref<10112x128xf32, #tpu.memory_space<vmem_shared>>) offsets(%dma_start3A_134 : memref<128xi32, #tpu.memory_space<vmem>>) semaphore(%run_scoped3A : memref<!tpu.dma_semaphore, #tpu.memory_space<semaphore_mem>>) {add = true}
        %dma_wait3A_138 = arith.constant 0 : i32
        %dma_wait3A_139 = tpu.memref_slice %arg7[%add3A_112, %dma_wait3A_138] : memref<40x128xi32, #tpu.memory_space<vmem>> -> memref<1x128xi32, #tpu.memory_space<vmem>>
        %dma_wait3A_140 = tpu.memref_squeeze %dma_wait3A_139 : memref<1x128xi32, #tpu.memory_space<vmem>> -> memref<128xi32, #tpu.memory_space<vmem>>
        %dma_wait3A_141 = arith.constant 0 : i32
        %dma_wait3A_142 = arith.constant 0 : i32
        %dma_wait3A_143 = tpu.memref_slice %arg10[%dma_wait3A_141, %dma_wait3A_142] : memref<10112x128xf32, #tpu.memory_space<vmem_shared>> -> memref<10112x128xf32, #tpu.memory_space<vmem_shared>>
        tpu.wait_indirect_dma semaphore(%run_scoped3A : memref<!tpu.dma_semaphore, #tpu.memory_space<semaphore_mem>>) src(%arg9 : memref<128x128xf32, #tpu.memory_space<vmem>>) dst(%dma_wait3A_143 : memref<10112x128xf32, #tpu.memory_space<vmem_shared>>)
        tpu.yield
      }) : () -> ()
    }
    %scan3A_45 = arith.constant 20 : i32
    %mul3A_46 = arith.constant 80 : i32
    %mul3A_47 = arith.muli %add3A, %mul3A_46 : i32
    %add3A_48 = arith.constant 40 : i32
    %add3A_49 = arith.addi %mul3A_47, %add3A_48 : i32
    "tpu.region"() ({
      %run_scoped3A = tpu.sem_alloc : memref<!tpu.dma_semaphore, #tpu.memory_space<semaphore_mem>>
      %dma_start3A_108 = arith.constant 0 : i32
      %dma_start3A_109 = tpu.memref_slice %arg3[%add3A_49, %dma_start3A_108] : memref<2560x128xi32, #tpu.memory_space<hbm>> -> memref<40x128xi32, #tpu.memory_space<hbm>>
      %dma_start3A_110 = arith.constant 0 : i32
      %dma_start3A_111 = tpu.memref_slice %arg3[%add3A_49, %dma_start3A_110] : memref<2560x128xi32, #tpu.memory_space<hbm>> -> memref<40x128xi32, #tpu.memory_space<hbm>>
      tpu.enqueue_dma source(%dma_start3A_111 : memref<40x128xi32, #tpu.memory_space<hbm>>) target(%arg6 : memref<40x128xi32, #tpu.memory_space<vmem>>) target_semaphore(%run_scoped3A : memref<!tpu.dma_semaphore, #tpu.memory_space<semaphore_mem>>)
      %dma_wait3A = arith.constant 0 : i32
      %dma_wait3A_112 = tpu.memref_slice %arg3[%add3A_49, %dma_wait3A] : memref<2560x128xi32, #tpu.memory_space<hbm>> -> memref<40x128xi32, #tpu.memory_space<hbm>>
      %dma_wait3A_113 = arith.constant 0 : i32
      %dma_wait3A_114 = tpu.memref_slice %arg3[%add3A_49, %dma_wait3A_113] : memref<2560x128xi32, #tpu.memory_space<hbm>> -> memref<40x128xi32, #tpu.memory_space<hbm>>
      tpu.wait_dma2 semaphore(%run_scoped3A : memref<!tpu.dma_semaphore, #tpu.memory_space<semaphore_mem>>) src(%dma_wait3A_114 : memref<40x128xi32, #tpu.memory_space<hbm>>) dst(%arg6 : memref<40x128xi32, #tpu.memory_space<vmem>>)
      tpu.yield
    }) : () -> ()
    %mul3A_50 = arith.constant 80 : i32
    %mul3A_51 = arith.muli %add3A, %mul3A_50 : i32
    %add3A_52 = arith.constant 40 : i32
    %add3A_53 = arith.addi %mul3A_51, %add3A_52 : i32
    "tpu.region"() ({
      %run_scoped3A = tpu.sem_alloc : memref<!tpu.dma_semaphore, #tpu.memory_space<semaphore_mem>>
      %dma_start3A_108 = arith.constant 0 : i32
      %dma_start3A_109 = tpu.memref_slice %arg4[%add3A_53, %dma_start3A_108] : memref<2560x128xi32, #tpu.memory_space<hbm>> -> memref<40x128xi32, #tpu.memory_space<hbm>>
      %dma_start3A_110 = arith.constant 0 : i32
      %dma_start3A_111 = tpu.memref_slice %arg4[%add3A_53, %dma_start3A_110] : memref<2560x128xi32, #tpu.memory_space<hbm>> -> memref<40x128xi32, #tpu.memory_space<hbm>>
      tpu.enqueue_dma source(%dma_start3A_111 : memref<40x128xi32, #tpu.memory_space<hbm>>) target(%arg7 : memref<40x128xi32, #tpu.memory_space<vmem>>) target_semaphore(%run_scoped3A : memref<!tpu.dma_semaphore, #tpu.memory_space<semaphore_mem>>)
      %dma_wait3A = arith.constant 0 : i32
      %dma_wait3A_112 = tpu.memref_slice %arg4[%add3A_53, %dma_wait3A] : memref<2560x128xi32, #tpu.memory_space<hbm>> -> memref<40x128xi32, #tpu.memory_space<hbm>>
      %dma_wait3A_113 = arith.constant 0 : i32
      %dma_wait3A_114 = tpu.memref_slice %arg4[%add3A_53, %dma_wait3A_113] : memref<2560x128xi32, #tpu.memory_space<hbm>> -> memref<40x128xi32, #tpu.memory_space<hbm>>
      tpu.wait_dma2 semaphore(%run_scoped3A : memref<!tpu.dma_semaphore, #tpu.memory_space<semaphore_mem>>) src(%dma_wait3A_114 : memref<40x128xi32, #tpu.memory_space<hbm>>) dst(%arg7 : memref<40x128xi32, #tpu.memory_space<vmem>>)
      tpu.yield
    }) : () -> ()
    %dma_start3A_54 = arith.constant 0 : i32
    %dma_start3A_55 = arith.constant 0 : i32
    %dma_start3A_56 = tpu.memref_slice %arg6[%dma_start3A_54, %dma_start3A_55] : memref<40x128xi32, #tpu.memory_space<vmem>> -> memref<1x128xi32, #tpu.memory_space<vmem>>
    %dma_start3A_57 = tpu.memref_squeeze %dma_start3A_56 : memref<1x128xi32, #tpu.memory_space<vmem>> -> memref<128xi32, #tpu.memory_space<vmem>>
    %dma_start3A_58 = arith.constant 0 : i32
    %dma_start3A_59 = arith.constant 0 : i32
    %dma_start3A_60 = tpu.memref_slice %arg2[%dma_start3A_58, %dma_start3A_59] : memref<10000x128xf32, #tpu.memory_space<hbm>> -> memref<10000x128xf32, #tpu.memory_space<hbm>>
    tpu.enqueue_indirect_dma source(%dma_start3A_60 : memref<10000x128xf32, #tpu.memory_space<hbm>>) target(%arg8 : memref<128x128xf32, #tpu.memory_space<vmem>>) offsets(%dma_start3A_57 : memref<128xi32, #tpu.memory_space<vmem>>) semaphore(%arg11 : memref<!tpu.dma_semaphore, #tpu.memory_space<semaphore_mem>>)
    %scan3A_61 = arith.constant 0 : i32
    %scan3A_62 = arith.constant 0 : i32
    %scan3A_63 = arith.constant 20 : i32
    %scan3A_64 = arith.addi %scan3A_62, %scan3A_63 : i32
    %scan3A_65 = arith.constant 1 : i32
    scf.for %scan3A_108 = %scan3A_62 to %scan3A_64 step %scan3A_65  : i32 {
      %mul3A_109 = arith.constant 2 : i32
      %mul3A_110 = arith.muli %scan3A_108, %mul3A_109 : i32
      %add3A_111 = arith.constant 1 : i32
      %add3A_112 = arith.addi %mul3A_110, %add3A_111 : i32
      %dma_wait3A = arith.constant 0 : i32
      %dma_wait3A_113 = tpu.memref_slice %arg6[%mul3A_110, %dma_wait3A] : memref<40x128xi32, #tpu.memory_space<vmem>> -> memref<1x128xi32, #tpu.memory_space<vmem>>
      %dma_wait3A_114 = tpu.memref_squeeze %dma_wait3A_113 : memref<1x128xi32, #tpu.memory_space<vmem>> -> memref<128xi32, #tpu.memory_space<vmem>>
      %dma_wait3A_115 = arith.constant 0 : i32
      %dma_wait3A_116 = arith.constant 0 : i32
      %dma_wait3A_117 = tpu.memref_slice %arg2[%dma_wait3A_115, %dma_wait3A_116] : memref<10000x128xf32, #tpu.memory_space<hbm>> -> memref<10000x128xf32, #tpu.memory_space<hbm>>
      tpu.wait_indirect_dma semaphore(%arg11 : memref<!tpu.dma_semaphore, #tpu.memory_space<semaphore_mem>>) src(%dma_wait3A_117 : memref<10000x128xf32, #tpu.memory_space<hbm>>) dst(%arg8 : memref<128x128xf32, #tpu.memory_space<vmem>>)
      %dma_start3A_118 = arith.constant 0 : i32
      %dma_start3A_119 = tpu.memref_slice %arg6[%add3A_112, %dma_start3A_118] : memref<40x128xi32, #tpu.memory_space<vmem>> -> memref<1x128xi32, #tpu.memory_space<vmem>>
      %dma_start3A_120 = tpu.memref_squeeze %dma_start3A_119 : memref<1x128xi32, #tpu.memory_space<vmem>> -> memref<128xi32, #tpu.memory_space<vmem>>
      %dma_start3A_121 = arith.constant 0 : i32
      %dma_start3A_122 = arith.constant 0 : i32
      %dma_start3A_123 = tpu.memref_slice %arg2[%dma_start3A_121, %dma_start3A_122] : memref<10000x128xf32, #tpu.memory_space<hbm>> -> memref<10000x128xf32, #tpu.memory_space<hbm>>
      tpu.enqueue_indirect_dma source(%dma_start3A_123 : memref<10000x128xf32, #tpu.memory_space<hbm>>) target(%arg9 : memref<128x128xf32, #tpu.memory_space<vmem>>) offsets(%dma_start3A_120 : memref<128xi32, #tpu.memory_space<vmem>>) semaphore(%arg12 : memref<!tpu.dma_semaphore, #tpu.memory_space<semaphore_mem>>)
      "tpu.region"() ({
        %run_scoped3A = tpu.sem_alloc : memref<!tpu.dma_semaphore, #tpu.memory_space<semaphore_mem>>
        %dma_start3A_132 = arith.constant 0 : i32
        %dma_start3A_133 = tpu.memref_slice %arg7[%mul3A_110, %dma_start3A_132] : memref<40x128xi32, #tpu.memory_space<vmem>> -> memref<1x128xi32, #tpu.memory_space<vmem>>
        %dma_start3A_134 = tpu.memref_squeeze %dma_start3A_133 : memref<1x128xi32, #tpu.memory_space<vmem>> -> memref<128xi32, #tpu.memory_space<vmem>>
        %dma_start3A_135 = arith.constant 0 : i32
        %dma_start3A_136 = arith.constant 0 : i32
        %dma_start3A_137 = tpu.memref_slice %arg10[%dma_start3A_135, %dma_start3A_136] : memref<10112x128xf32, #tpu.memory_space<vmem_shared>> -> memref<10112x128xf32, #tpu.memory_space<vmem_shared>>
        tpu.enqueue_indirect_dma source(%arg8 : memref<128x128xf32, #tpu.memory_space<vmem>>) target(%dma_start3A_137 : memref<10112x128xf32, #tpu.memory_space<vmem_shared>>) offsets(%dma_start3A_134 : memref<128xi32, #tpu.memory_space<vmem>>) semaphore(%run_scoped3A : memref<!tpu.dma_semaphore, #tpu.memory_space<semaphore_mem>>) {add = true}
        %dma_wait3A_138 = arith.constant 0 : i32
        %dma_wait3A_139 = tpu.memref_slice %arg7[%mul3A_110, %dma_wait3A_138] : memref<40x128xi32, #tpu.memory_space<vmem>> -> memref<1x128xi32, #tpu.memory_space<vmem>>
        %dma_wait3A_140 = tpu.memref_squeeze %dma_wait3A_139 : memref<1x128xi32, #tpu.memory_space<vmem>> -> memref<128xi32, #tpu.memory_space<vmem>>
        %dma_wait3A_141 = arith.constant 0 : i32
        %dma_wait3A_142 = arith.constant 0 : i32
        %dma_wait3A_143 = tpu.memref_slice %arg10[%dma_wait3A_141, %dma_wait3A_142] : memref<10112x128xf32, #tpu.memory_space<vmem_shared>> -> memref<10112x128xf32, #tpu.memory_space<vmem_shared>>
        tpu.wait_indirect_dma semaphore(%run_scoped3A : memref<!tpu.dma_semaphore, #tpu.memory_space<semaphore_mem>>) src(%arg8 : memref<128x128xf32, #tpu.memory_space<vmem>>) dst(%dma_wait3A_143 : memref<10112x128xf32, #tpu.memory_space<vmem_shared>>)
        tpu.yield
      }) : () -> ()
      %dma_wait3A_124 = arith.constant 0 : i32
      %dma_wait3A_125 = tpu.memref_slice %arg6[%add3A_112, %dma_wait3A_124] : memref<40x128xi32, #tpu.memory_space<vmem>> -> memref<1x128xi32, #tpu.memory_space<vmem>>
      %dma_wait3A_126 = tpu.memref_squeeze %dma_wait3A_125 : memref<1x128xi32, #tpu.memory_space<vmem>> -> memref<128xi32, #tpu.memory_space<vmem>>
      %dma_wait3A_127 = arith.constant 0 : i32
      %dma_wait3A_128 = arith.constant 0 : i32
      %dma_wait3A_129 = tpu.memref_slice %arg2[%dma_wait3A_127, %dma_wait3A_128] : memref<10000x128xf32, #tpu.memory_space<hbm>> -> memref<10000x128xf32, #tpu.memory_space<hbm>>
      tpu.wait_indirect_dma semaphore(%arg12 : memref<!tpu.dma_semaphore, #tpu.memory_space<semaphore_mem>>) src(%dma_wait3A_129 : memref<10000x128xf32, #tpu.memory_space<hbm>>) dst(%arg9 : memref<128x128xf32, #tpu.memory_space<vmem>>)
      %lt3A = arith.constant 19 : i32
      %lt3A_130 = arith.cmpi slt, %scan3A_108, %lt3A : i32
      %convert_element_type3A = arith.extui %lt3A_130 : i1 to i32
      %cond3A = arith.constant 0 : i32
      %cond3A_131 = arith.cmpi ne, %convert_element_type3A, %cond3A : i32
      scf.if %cond3A_131 {
        %add3A_132 = arith.constant 2 : i32
        %add3A_133 = arith.addi %mul3A_110, %add3A_132 : i32
        %dma_start3A_134 = arith.constant 0 : i32
        %dma_start3A_135 = tpu.memref_slice %arg6[%add3A_133, %dma_start3A_134] : memref<40x128xi32, #tpu.memory_space<vmem>> -> memref<1x128xi32, #tpu.memory_space<vmem>>
        %dma_start3A_136 = tpu.memref_squeeze %dma_start3A_135 : memref<1x128xi32, #tpu.memory_space<vmem>> -> memref<128xi32, #tpu.memory_space<vmem>>
        %dma_start3A_137 = arith.constant 0 : i32
        %dma_start3A_138 = arith.constant 0 : i32
        %dma_start3A_139 = tpu.memref_slice %arg2[%dma_start3A_137, %dma_start3A_138] : memref<10000x128xf32, #tpu.memory_space<hbm>> -> memref<10000x128xf32, #tpu.memory_space<hbm>>
        tpu.enqueue_indirect_dma source(%dma_start3A_139 : memref<10000x128xf32, #tpu.memory_space<hbm>>) target(%arg8 : memref<128x128xf32, #tpu.memory_space<vmem>>) offsets(%dma_start3A_136 : memref<128xi32, #tpu.memory_space<vmem>>) semaphore(%arg11 : memref<!tpu.dma_semaphore, #tpu.memory_space<semaphore_mem>>)
      } else {
      }
      "tpu.region"() ({
        %run_scoped3A = tpu.sem_alloc : memref<!tpu.dma_semaphore, #tpu.memory_space<semaphore_mem>>
        %dma_start3A_132 = arith.constant 0 : i32
        %dma_start3A_133 = tpu.memref_slice %arg7[%add3A_112, %dma_start3A_132] : memref<40x128xi32, #tpu.memory_space<vmem>> -> memref<1x128xi32, #tpu.memory_space<vmem>>
        %dma_start3A_134 = tpu.memref_squeeze %dma_start3A_133 : memref<1x128xi32, #tpu.memory_space<vmem>> -> memref<128xi32, #tpu.memory_space<vmem>>
        %dma_start3A_135 = arith.constant 0 : i32
        %dma_start3A_136 = arith.constant 0 : i32
        %dma_start3A_137 = tpu.memref_slice %arg10[%dma_start3A_135, %dma_start3A_136] : memref<10112x128xf32, #tpu.memory_space<vmem_shared>> -> memref<10112x128xf32, #tpu.memory_space<vmem_shared>>
        tpu.enqueue_indirect_dma source(%arg9 : memref<128x128xf32, #tpu.memory_space<vmem>>) target(%dma_start3A_137 : memref<10112x128xf32, #tpu.memory_space<vmem_shared>>) offsets(%dma_start3A_134 : memref<128xi32, #tpu.memory_space<vmem>>) semaphore(%run_scoped3A : memref<!tpu.dma_semaphore, #tpu.memory_space<semaphore_mem>>) {add = true}
        %dma_wait3A_138 = arith.constant 0 : i32
        %dma_wait3A_139 = tpu.memref_slice %arg7[%add3A_112, %dma_wait3A_138] : memref<40x128xi32, #tpu.memory_space<vmem>> -> memref<1x128xi32, #tpu.memory_space<vmem>>
        %dma_wait3A_140 = tpu.memref_squeeze %dma_wait3A_139 : memref<1x128xi32, #tpu.memory_space<vmem>> -> memref<128xi32, #tpu.memory_space<vmem>>
        %dma_wait3A_141 = arith.constant 0 : i32
        %dma_wait3A_142 = arith.constant 0 : i32
        %dma_wait3A_143 = tpu.memref_slice %arg10[%dma_wait3A_141, %dma_wait3A_142] : memref<10112x128xf32, #tpu.memory_space<vmem_shared>> -> memref<10112x128xf32, #tpu.memory_space<vmem_shared>>
        tpu.wait_indirect_dma semaphore(%run_scoped3A : memref<!tpu.dma_semaphore, #tpu.memory_space<semaphore_mem>>) src(%arg9 : memref<128x128xf32, #tpu.memory_space<vmem>>) dst(%dma_wait3A_143 : memref<10112x128xf32, #tpu.memory_space<vmem_shared>>)
        tpu.yield
      }) : () -> ()
    }
    %scan3A_66 = arith.constant 20 : i32
    %barrier3A_67 = arith.constant 0 : index
    tpu.barrier barrier_id(%barrier3A_67)
    %mul3A_68 = arith.constant 632 : i32
    %mul3A_69 = arith.muli %arg1, %mul3A_68 : i32
    %add3A_70 = arith.constant 0 : i32
    %add3A_71 = arith.addi %mul3A_69, %add3A_70 : i32
    "tpu.region"() ({
      %run_scoped3A = tpu.sem_alloc : memref<!tpu.dma_semaphore, #tpu.memory_space<semaphore_mem>>
      %dma_start3A_108 = arith.constant 0 : i32
      %dma_start3A_109 = tpu.memref_slice %arg10[%add3A_71, %dma_start3A_108] : memref<10112x128xf32, #tpu.memory_space<vmem_shared>> -> memref<128x128xf32, #tpu.memory_space<vmem_shared>>
      %dma_start3A_110 = arith.constant 0 : i32
      %dma_start3A_111 = tpu.memref_slice %arg10[%add3A_71, %dma_start3A_110] : memref<10112x128xf32, #tpu.memory_space<vmem_shared>> -> memref<128x128xf32, #tpu.memory_space<vmem_shared>>
      tpu.enqueue_dma source(%dma_start3A_111 : memref<128x128xf32, #tpu.memory_space<vmem_shared>>) target(%arg8 : memref<128x128xf32, #tpu.memory_space<vmem>>) target_semaphore(%run_scoped3A : memref<!tpu.dma_semaphore, #tpu.memory_space<semaphore_mem>>)
      %dma_wait3A = arith.constant 0 : i32
      %dma_wait3A_112 = tpu.memref_slice %arg10[%add3A_71, %dma_wait3A] : memref<10112x128xf32, #tpu.memory_space<vmem_shared>> -> memref<128x128xf32, #tpu.memory_space<vmem_shared>>
      %dma_wait3A_113 = arith.constant 0 : i32
      %dma_wait3A_114 = tpu.memref_slice %arg10[%add3A_71, %dma_wait3A_113] : memref<10112x128xf32, #tpu.memory_space<vmem_shared>> -> memref<128x128xf32, #tpu.memory_space<vmem_shared>>
      tpu.wait_dma2 semaphore(%run_scoped3A : memref<!tpu.dma_semaphore, #tpu.memory_space<semaphore_mem>>) src(%dma_wait3A_114 : memref<128x128xf32, #tpu.memory_space<vmem_shared>>) dst(%arg8 : memref<128x128xf32, #tpu.memory_space<vmem>>)
      tpu.yield
    }) : () -> ()
    %mul3A_72 = arith.constant 632 : i32
    %mul3A_73 = arith.muli %arg1, %mul3A_72 : i32
    %add3A_74 = arith.constant 0 : i32
    %add3A_75 = arith.addi %mul3A_73, %add3A_74 : i32
    "tpu.region"() ({
      %run_scoped3A = tpu.sem_alloc : memref<!tpu.dma_semaphore, #tpu.memory_space<semaphore_mem>>
      %dma_start3A_108 = arith.constant 0 : i32
      %dma_start3A_109 = tpu.memref_slice %arg5[%arg0, %add3A_75, %dma_start3A_108] : memref<2x10112x128xf32, #tpu.memory_space<hbm>> -> memref<1x128x128xf32, #tpu.memory_space<hbm>>
      %dma_start3A_110 = tpu.memref_squeeze %dma_start3A_109 : memref<1x128x128xf32, #tpu.memory_space<hbm>> -> memref<128x128xf32, #tpu.memory_space<hbm>>
      %dma_start3A_111 = arith.constant 0 : i32
      %dma_start3A_112 = tpu.memref_slice %arg5[%arg0, %add3A_75, %dma_start3A_111] : memref<2x10112x128xf32, #tpu.memory_space<hbm>> -> memref<1x128x128xf32, #tpu.memory_space<hbm>>
      %dma_start3A_113 = tpu.memref_squeeze %dma_start3A_112 : memref<1x128x128xf32, #tpu.memory_space<hbm>> -> memref<128x128xf32, #tpu.memory_space<hbm>>
      tpu.enqueue_dma source(%arg8 : memref<128x128xf32, #tpu.memory_space<vmem>>) target(%dma_start3A_113 : memref<128x128xf32, #tpu.memory_space<hbm>>) target_semaphore(%run_scoped3A : memref<!tpu.dma_semaphore, #tpu.memory_space<semaphore_mem>>)
      %dma_wait3A = arith.constant 0 : i32
      %dma_wait3A_114 = tpu.memref_slice %arg5[%arg0, %add3A_75, %dma_wait3A] : memref<2x10112x128xf32, #tpu.memory_space<hbm>> -> memref<1x128x128xf32, #tpu.memory_space<hbm>>
      %dma_wait3A_115 = tpu.memref_squeeze %dma_wait3A_114 : memref<1x128x128xf32, #tpu.memory_space<hbm>> -> memref<128x128xf32, #tpu.memory_space<hbm>>
      %dma_wait3A_116 = arith.constant 0 : i32
      %dma_wait3A_117 = tpu.memref_slice %arg5[%arg0, %add3A_75, %dma_wait3A_116] : memref<2x10112x128xf32, #tpu.memory_space<hbm>> -> memref<1x128x128xf32, #tpu.memory_space<hbm>>
      %dma_wait3A_118 = tpu.memref_squeeze %dma_wait3A_117 : memref<1x128x128xf32, #tpu.memory_space<hbm>> -> memref<128x128xf32, #tpu.memory_space<hbm>>
      tpu.wait_dma2 semaphore(%run_scoped3A : memref<!tpu.dma_semaphore, #tpu.memory_space<semaphore_mem>>) src(%arg8 : memref<128x128xf32, #tpu.memory_space<vmem>>) dst(%dma_wait3A_118 : memref<128x128xf32, #tpu.memory_space<hbm>>)
      tpu.yield
    }) : () -> ()
    %mul3A_76 = arith.constant 632 : i32
    %mul3A_77 = arith.muli %arg1, %mul3A_76 : i32
    %add3A_78 = arith.constant 128 : i32
    %add3A_79 = arith.addi %mul3A_77, %add3A_78 : i32
    "tpu.region"() ({
      %run_scoped3A = tpu.sem_alloc : memref<!tpu.dma_semaphore, #tpu.memory_space<semaphore_mem>>
      %dma_start3A_108 = arith.constant 0 : i32
      %dma_start3A_109 = tpu.memref_slice %arg10[%add3A_79, %dma_start3A_108] : memref<10112x128xf32, #tpu.memory_space<vmem_shared>> -> memref<128x128xf32, #tpu.memory_space<vmem_shared>>
      %dma_start3A_110 = arith.constant 0 : i32
      %dma_start3A_111 = tpu.memref_slice %arg10[%add3A_79, %dma_start3A_110] : memref<10112x128xf32, #tpu.memory_space<vmem_shared>> -> memref<128x128xf32, #tpu.memory_space<vmem_shared>>
      tpu.enqueue_dma source(%dma_start3A_111 : memref<128x128xf32, #tpu.memory_space<vmem_shared>>) target(%arg8 : memref<128x128xf32, #tpu.memory_space<vmem>>) target_semaphore(%run_scoped3A : memref<!tpu.dma_semaphore, #tpu.memory_space<semaphore_mem>>)
      %dma_wait3A = arith.constant 0 : i32
      %dma_wait3A_112 = tpu.memref_slice %arg10[%add3A_79, %dma_wait3A] : memref<10112x128xf32, #tpu.memory_space<vmem_shared>> -> memref<128x128xf32, #tpu.memory_space<vmem_shared>>
      %dma_wait3A_113 = arith.constant 0 : i32
      %dma_wait3A_114 = tpu.memref_slice %arg10[%add3A_79, %dma_wait3A_113] : memref<10112x128xf32, #tpu.memory_space<vmem_shared>> -> memref<128x128xf32, #tpu.memory_space<vmem_shared>>
      tpu.wait_dma2 semaphore(%run_scoped3A : memref<!tpu.dma_semaphore, #tpu.memory_space<semaphore_mem>>) src(%dma_wait3A_114 : memref<128x128xf32, #tpu.memory_space<vmem_shared>>) dst(%arg8 : memref<128x128xf32, #tpu.memory_space<vmem>>)
      tpu.yield
    }) : () -> ()
    %mul3A_80 = arith.constant 632 : i32
    %mul3A_81 = arith.muli %arg1, %mul3A_80 : i32
    %add3A_82 = arith.constant 128 : i32
    %add3A_83 = arith.addi %mul3A_81, %add3A_82 : i32
    "tpu.region"() ({
      %run_scoped3A = tpu.sem_alloc : memref<!tpu.dma_semaphore, #tpu.memory_space<semaphore_mem>>
      %dma_start3A_108 = arith.constant 0 : i32
      %dma_start3A_109 = tpu.memref_slice %arg5[%arg0, %add3A_83, %dma_start3A_108] : memref<2x10112x128xf32, #tpu.memory_space<hbm>> -> memref<1x128x128xf32, #tpu.memory_space<hbm>>
      %dma_start3A_110 = tpu.memref_squeeze %dma_start3A_109 : memref<1x128x128xf32, #tpu.memory_space<hbm>> -> memref<128x128xf32, #tpu.memory_space<hbm>>
      %dma_start3A_111 = arith.constant 0 : i32
      %dma_start3A_112 = tpu.memref_slice %arg5[%arg0, %add3A_83, %dma_start3A_111] : memref<2x10112x128xf32, #tpu.memory_space<hbm>> -> memref<1x128x128xf32, #tpu.memory_space<hbm>>
      %dma_start3A_113 = tpu.memref_squeeze %dma_start3A_112 : memref<1x128x128xf32, #tpu.memory_space<hbm>> -> memref<128x128xf32, #tpu.memory_space<hbm>>
      tpu.enqueue_dma source(%arg8 : memref<128x128xf32, #tpu.memory_space<vmem>>) target(%dma_start3A_113 : memref<128x128xf32, #tpu.memory_space<hbm>>) target_semaphore(%run_scoped3A : memref<!tpu.dma_semaphore, #tpu.memory_space<semaphore_mem>>)
      %dma_wait3A = arith.constant 0 : i32
      %dma_wait3A_114 = tpu.memref_slice %arg5[%arg0, %add3A_83, %dma_wait3A] : memref<2x10112x128xf32, #tpu.memory_space<hbm>> -> memref<1x128x128xf32, #tpu.memory_space<hbm>>
      %dma_wait3A_115 = tpu.memref_squeeze %dma_wait3A_114 : memref<1x128x128xf32, #tpu.memory_space<hbm>> -> memref<128x128xf32, #tpu.memory_space<hbm>>
      %dma_wait3A_116 = arith.constant 0 : i32
      %dma_wait3A_117 = tpu.memref_slice %arg5[%arg0, %add3A_83, %dma_wait3A_116] : memref<2x10112x128xf32, #tpu.memory_space<hbm>> -> memref<1x128x128xf32, #tpu.memory_space<hbm>>
      %dma_wait3A_118 = tpu.memref_squeeze %dma_wait3A_117 : memref<1x128x128xf32, #tpu.memory_space<hbm>> -> memref<128x128xf32, #tpu.memory_space<hbm>>
      tpu.wait_dma2 semaphore(%run_scoped3A : memref<!tpu.dma_semaphore, #tpu.memory_space<semaphore_mem>>) src(%arg8 : memref<128x128xf32, #tpu.memory_space<vmem>>) dst(%dma_wait3A_118 : memref<128x128xf32, #tpu.memory_space<hbm>>)
      tpu.yield
    }) : () -> ()
    %mul3A_84 = arith.constant 632 : i32
    %mul3A_85 = arith.muli %arg1, %mul3A_84 : i32
    %add3A_86 = arith.constant 256 : i32
    %add3A_87 = arith.addi %mul3A_85, %add3A_86 : i32
    "tpu.region"() ({
      %run_scoped3A = tpu.sem_alloc : memref<!tpu.dma_semaphore, #tpu.memory_space<semaphore_mem>>
      %dma_start3A_108 = arith.constant 0 : i32
      %dma_start3A_109 = tpu.memref_slice %arg10[%add3A_87, %dma_start3A_108] : memref<10112x128xf32, #tpu.memory_space<vmem_shared>> -> memref<128x128xf32, #tpu.memory_space<vmem_shared>>
      %dma_start3A_110 = arith.constant 0 : i32
      %dma_start3A_111 = tpu.memref_slice %arg10[%add3A_87, %dma_start3A_110] : memref<10112x128xf32, #tpu.memory_space<vmem_shared>> -> memref<128x128xf32, #tpu.memory_space<vmem_shared>>
      tpu.enqueue_dma source(%dma_start3A_111 : memref<128x128xf32, #tpu.memory_space<vmem_shared>>) target(%arg8 : memref<128x128xf32, #tpu.memory_space<vmem>>) target_semaphore(%run_scoped3A : memref<!tpu.dma_semaphore, #tpu.memory_space<semaphore_mem>>)
      %dma_wait3A = arith.constant 0 : i32
      %dma_wait3A_112 = tpu.memref_slice %arg10[%add3A_87, %dma_wait3A] : memref<10112x128xf32, #tpu.memory_space<vmem_shared>> -> memref<128x128xf32, #tpu.memory_space<vmem_shared>>
      %dma_wait3A_113 = arith.constant 0 : i32
      %dma_wait3A_114 = tpu.memref_slice %arg10[%add3A_87, %dma_wait3A_113] : memref<10112x128xf32, #tpu.memory_space<vmem_shared>> -> memref<128x128xf32, #tpu.memory_space<vmem_shared>>
      tpu.wait_dma2 semaphore(%run_scoped3A : memref<!tpu.dma_semaphore, #tpu.memory_space<semaphore_mem>>) src(%dma_wait3A_114 : memref<128x128xf32, #tpu.memory_space<vmem_shared>>) dst(%arg8 : memref<128x128xf32, #tpu.memory_space<vmem>>)
      tpu.yield
    }) : () -> ()
    %mul3A_88 = arith.constant 632 : i32
    %mul3A_89 = arith.muli %arg1, %mul3A_88 : i32
    %add3A_90 = arith.constant 256 : i32
    %add3A_91 = arith.addi %mul3A_89, %add3A_90 : i32
    "tpu.region"() ({
      %run_scoped3A = tpu.sem_alloc : memref<!tpu.dma_semaphore, #tpu.memory_space<semaphore_mem>>
      %dma_start3A_108 = arith.constant 0 : i32
      %dma_start3A_109 = tpu.memref_slice %arg5[%arg0, %add3A_91, %dma_start3A_108] : memref<2x10112x128xf32, #tpu.memory_space<hbm>> -> memref<1x128x128xf32, #tpu.memory_space<hbm>>
      %dma_start3A_110 = tpu.memref_squeeze %dma_start3A_109 : memref<1x128x128xf32, #tpu.memory_space<hbm>> -> memref<128x128xf32, #tpu.memory_space<hbm>>
      %dma_start3A_111 = arith.constant 0 : i32
      %dma_start3A_112 = tpu.memref_slice %arg5[%arg0, %add3A_91, %dma_start3A_111] : memref<2x10112x128xf32, #tpu.memory_space<hbm>> -> memref<1x128x128xf32, #tpu.memory_space<hbm>>
      %dma_start3A_113 = tpu.memref_squeeze %dma_start3A_112 : memref<1x128x128xf32, #tpu.memory_space<hbm>> -> memref<128x128xf32, #tpu.memory_space<hbm>>
      tpu.enqueue_dma source(%arg8 : memref<128x128xf32, #tpu.memory_space<vmem>>) target(%dma_start3A_113 : memref<128x128xf32, #tpu.memory_space<hbm>>) target_semaphore(%run_scoped3A : memref<!tpu.dma_semaphore, #tpu.memory_space<semaphore_mem>>)
      %dma_wait3A = arith.constant 0 : i32
      %dma_wait3A_114 = tpu.memref_slice %arg5[%arg0, %add3A_91, %dma_wait3A] : memref<2x10112x128xf32, #tpu.memory_space<hbm>> -> memref<1x128x128xf32, #tpu.memory_space<hbm>>
      %dma_wait3A_115 = tpu.memref_squeeze %dma_wait3A_114 : memref<1x128x128xf32, #tpu.memory_space<hbm>> -> memref<128x128xf32, #tpu.memory_space<hbm>>
      %dma_wait3A_116 = arith.constant 0 : i32
      %dma_wait3A_117 = tpu.memref_slice %arg5[%arg0, %add3A_91, %dma_wait3A_116] : memref<2x10112x128xf32, #tpu.memory_space<hbm>> -> memref<1x128x128xf32, #tpu.memory_space<hbm>>
      %dma_wait3A_118 = tpu.memref_squeeze %dma_wait3A_117 : memref<1x128x128xf32, #tpu.memory_space<hbm>> -> memref<128x128xf32, #tpu.memory_space<hbm>>
      tpu.wait_dma2 semaphore(%run_scoped3A : memref<!tpu.dma_semaphore, #tpu.memory_space<semaphore_mem>>) src(%arg8 : memref<128x128xf32, #tpu.memory_space<vmem>>) dst(%dma_wait3A_118 : memref<128x128xf32, #tpu.memory_space<hbm>>)
      tpu.yield
    }) : () -> ()
    %mul3A_92 = arith.constant 632 : i32
    %mul3A_93 = arith.muli %arg1, %mul3A_92 : i32
    %add3A_94 = arith.constant 384 : i32
    %add3A_95 = arith.addi %mul3A_93, %add3A_94 : i32
    "tpu.region"() ({
      %run_scoped3A = tpu.sem_alloc : memref<!tpu.dma_semaphore, #tpu.memory_space<semaphore_mem>>
      %dma_start3A_108 = arith.constant 0 : i32
      %dma_start3A_109 = tpu.memref_slice %arg10[%add3A_95, %dma_start3A_108] : memref<10112x128xf32, #tpu.memory_space<vmem_shared>> -> memref<128x128xf32, #tpu.memory_space<vmem_shared>>
      %dma_start3A_110 = arith.constant 0 : i32
      %dma_start3A_111 = tpu.memref_slice %arg10[%add3A_95, %dma_start3A_110] : memref<10112x128xf32, #tpu.memory_space<vmem_shared>> -> memref<128x128xf32, #tpu.memory_space<vmem_shared>>
      tpu.enqueue_dma source(%dma_start3A_111 : memref<128x128xf32, #tpu.memory_space<vmem_shared>>) target(%arg8 : memref<128x128xf32, #tpu.memory_space<vmem>>) target_semaphore(%run_scoped3A : memref<!tpu.dma_semaphore, #tpu.memory_space<semaphore_mem>>)
      %dma_wait3A = arith.constant 0 : i32
      %dma_wait3A_112 = tpu.memref_slice %arg10[%add3A_95, %dma_wait3A] : memref<10112x128xf32, #tpu.memory_space<vmem_shared>> -> memref<128x128xf32, #tpu.memory_space<vmem_shared>>
      %dma_wait3A_113 = arith.constant 0 : i32
      %dma_wait3A_114 = tpu.memref_slice %arg10[%add3A_95, %dma_wait3A_113] : memref<10112x128xf32, #tpu.memory_space<vmem_shared>> -> memref<128x128xf32, #tpu.memory_space<vmem_shared>>
      tpu.wait_dma2 semaphore(%run_scoped3A : memref<!tpu.dma_semaphore, #tpu.memory_space<semaphore_mem>>) src(%dma_wait3A_114 : memref<128x128xf32, #tpu.memory_space<vmem_shared>>) dst(%arg8 : memref<128x128xf32, #tpu.memory_space<vmem>>)
      tpu.yield
    }) : () -> ()
    %mul3A_96 = arith.constant 632 : i32
    %mul3A_97 = arith.muli %arg1, %mul3A_96 : i32
    %add3A_98 = arith.constant 384 : i32
    %add3A_99 = arith.addi %mul3A_97, %add3A_98 : i32
    "tpu.region"() ({
      %run_scoped3A = tpu.sem_alloc : memref<!tpu.dma_semaphore, #tpu.memory_space<semaphore_mem>>
      %dma_start3A_108 = arith.constant 0 : i32
      %dma_start3A_109 = tpu.memref_slice %arg5[%arg0, %add3A_99, %dma_start3A_108] : memref<2x10112x128xf32, #tpu.memory_space<hbm>> -> memref<1x128x128xf32, #tpu.memory_space<hbm>>
      %dma_start3A_110 = tpu.memref_squeeze %dma_start3A_109 : memref<1x128x128xf32, #tpu.memory_space<hbm>> -> memref<128x128xf32, #tpu.memory_space<hbm>>
      %dma_start3A_111 = arith.constant 0 : i32
      %dma_start3A_112 = tpu.memref_slice %arg5[%arg0, %add3A_99, %dma_start3A_111] : memref<2x10112x128xf32, #tpu.memory_space<hbm>> -> memref<1x128x128xf32, #tpu.memory_space<hbm>>
      %dma_start3A_113 = tpu.memref_squeeze %dma_start3A_112 : memref<1x128x128xf32, #tpu.memory_space<hbm>> -> memref<128x128xf32, #tpu.memory_space<hbm>>
      tpu.enqueue_dma source(%arg8 : memref<128x128xf32, #tpu.memory_space<vmem>>) target(%dma_start3A_113 : memref<128x128xf32, #tpu.memory_space<hbm>>) target_semaphore(%run_scoped3A : memref<!tpu.dma_semaphore, #tpu.memory_space<semaphore_mem>>)
      %dma_wait3A = arith.constant 0 : i32
      %dma_wait3A_114 = tpu.memref_slice %arg5[%arg0, %add3A_99, %dma_wait3A] : memref<2x10112x128xf32, #tpu.memory_space<hbm>> -> memref<1x128x128xf32, #tpu.memory_space<hbm>>
      %dma_wait3A_115 = tpu.memref_squeeze %dma_wait3A_114 : memref<1x128x128xf32, #tpu.memory_space<hbm>> -> memref<128x128xf32, #tpu.memory_space<hbm>>
      %dma_wait3A_116 = arith.constant 0 : i32
      %dma_wait3A_117 = tpu.memref_slice %arg5[%arg0, %add3A_99, %dma_wait3A_116] : memref<2x10112x128xf32, #tpu.memory_space<hbm>> -> memref<1x128x128xf32, #tpu.memory_space<hbm>>
      %dma_wait3A_118 = tpu.memref_squeeze %dma_wait3A_117 : memref<1x128x128xf32, #tpu.memory_space<hbm>> -> memref<128x128xf32, #tpu.memory_space<hbm>>
      tpu.wait_dma2 semaphore(%run_scoped3A : memref<!tpu.dma_semaphore, #tpu.memory_space<semaphore_mem>>) src(%arg8 : memref<128x128xf32, #tpu.memory_space<vmem>>) dst(%dma_wait3A_118 : memref<128x128xf32, #tpu.memory_space<hbm>>)
      tpu.yield
    }) : () -> ()
    %mul3A_100 = arith.constant 632 : i32
    %mul3A_101 = arith.muli %arg1, %mul3A_100 : i32
    %add3A_102 = arith.constant 512 : i32
    %add3A_103 = arith.addi %mul3A_101, %add3A_102 : i32
    "tpu.region"() ({
      %run_scoped3A = tpu.sem_alloc : memref<!tpu.dma_semaphore, #tpu.memory_space<semaphore_mem>>
      %dma_start3A_108 = arith.constant 0 : i32
      %dma_start3A_109 = arith.constant 0 : i32
      %dma_start3A_110 = tpu.memref_slice %arg9[%dma_start3A_108, %dma_start3A_109] : memref<128x128xf32, #tpu.memory_space<vmem>> -> memref<120x128xf32, #tpu.memory_space<vmem>>
      %dma_start3A_111 = arith.constant 0 : i32
      %dma_start3A_112 = tpu.memref_slice %arg10[%add3A_103, %dma_start3A_111] : memref<10112x128xf32, #tpu.memory_space<vmem_shared>> -> memref<120x128xf32, #tpu.memory_space<vmem_shared>>
      %dma_start3A_113 = arith.constant 0 : i32
      %dma_start3A_114 = arith.constant 0 : i32
      %dma_start3A_115 = tpu.memref_slice %arg9[%dma_start3A_113, %dma_start3A_114] : memref<128x128xf32, #tpu.memory_space<vmem>> -> memref<120x128xf32, #tpu.memory_space<vmem>>
      %dma_start3A_116 = arith.constant 0 : i32
      %dma_start3A_117 = tpu.memref_slice %arg10[%add3A_103, %dma_start3A_116] : memref<10112x128xf32, #tpu.memory_space<vmem_shared>> -> memref<120x128xf32, #tpu.memory_space<vmem_shared>>
      tpu.enqueue_dma source(%dma_start3A_117 : memref<120x128xf32, #tpu.memory_space<vmem_shared>>) target(%dma_start3A_115 : memref<120x128xf32, #tpu.memory_space<vmem>>) target_semaphore(%run_scoped3A : memref<!tpu.dma_semaphore, #tpu.memory_space<semaphore_mem>>)
      %dma_wait3A = arith.constant 0 : i32
      %dma_wait3A_118 = arith.constant 0 : i32
      %dma_wait3A_119 = tpu.memref_slice %arg9[%dma_wait3A, %dma_wait3A_118] : memref<128x128xf32, #tpu.memory_space<vmem>> -> memref<120x128xf32, #tpu.memory_space<vmem>>
      %dma_wait3A_120 = arith.constant 0 : i32
      %dma_wait3A_121 = tpu.memref_slice %arg10[%add3A_103, %dma_wait3A_120] : memref<10112x128xf32, #tpu.memory_space<vmem_shared>> -> memref<120x128xf32, #tpu.memory_space<vmem_shared>>
      %dma_wait3A_122 = arith.constant 0 : i32
      %dma_wait3A_123 = arith.constant 0 : i32
      %dma_wait3A_124 = tpu.memref_slice %arg9[%dma_wait3A_122, %dma_wait3A_123] : memref<128x128xf32, #tpu.memory_space<vmem>> -> memref<120x128xf32, #tpu.memory_space<vmem>>
      %dma_wait3A_125 = arith.constant 0 : i32
      %dma_wait3A_126 = tpu.memref_slice %arg10[%add3A_103, %dma_wait3A_125] : memref<10112x128xf32, #tpu.memory_space<vmem_shared>> -> memref<120x128xf32, #tpu.memory_space<vmem_shared>>
      tpu.wait_dma2 semaphore(%run_scoped3A : memref<!tpu.dma_semaphore, #tpu.memory_space<semaphore_mem>>) src(%dma_wait3A_126 : memref<120x128xf32, #tpu.memory_space<vmem_shared>>) dst(%dma_wait3A_124 : memref<120x128xf32, #tpu.memory_space<vmem>>)
      tpu.yield
    }) : () -> ()
    %mul3A_104 = arith.constant 632 : i32
    %mul3A_105 = arith.muli %arg1, %mul3A_104 : i32
    %add3A_106 = arith.constant 512 : i32
    %add3A_107 = arith.addi %mul3A_105, %add3A_106 : i32
    "tpu.region"() ({
      %run_scoped3A = tpu.sem_alloc : memref<!tpu.dma_semaphore, #tpu.memory_space<semaphore_mem>>
      %dma_start3A_108 = arith.constant 0 : i32
      %dma_start3A_109 = arith.constant 0 : i32
      %dma_start3A_110 = tpu.memref_slice %arg9[%dma_start3A_108, %dma_start3A_109] : memref<128x128xf32, #tpu.memory_space<vmem>> -> memref<120x128xf32, #tpu.memory_space<vmem>>
      %dma_start3A_111 = arith.constant 0 : i32
      %dma_start3A_112 = tpu.memref_slice %arg5[%arg0, %add3A_107, %dma_start3A_111] : memref<2x10112x128xf32, #tpu.memory_space<hbm>> -> memref<1x120x128xf32, #tpu.memory_space<hbm>>
      %dma_start3A_113 = tpu.memref_squeeze %dma_start3A_112 : memref<1x120x128xf32, #tpu.memory_space<hbm>> -> memref<120x128xf32, #tpu.memory_space<hbm>>
      %dma_start3A_114 = arith.constant 0 : i32
      %dma_start3A_115 = tpu.memref_slice %arg5[%arg0, %add3A_107, %dma_start3A_114] : memref<2x10112x128xf32, #tpu.memory_space<hbm>> -> memref<1x120x128xf32, #tpu.memory_space<hbm>>
      %dma_start3A_116 = tpu.memref_squeeze %dma_start3A_115 : memref<1x120x128xf32, #tpu.memory_space<hbm>> -> memref<120x128xf32, #tpu.memory_space<hbm>>
      %dma_start3A_117 = arith.constant 0 : i32
      %dma_start3A_118 = arith.constant 0 : i32
      %dma_start3A_119 = tpu.memref_slice %arg9[%dma_start3A_117, %dma_start3A_118] : memref<128x128xf32, #tpu.memory_space<vmem>> -> memref<120x128xf32, #tpu.memory_space<vmem>>
      tpu.enqueue_dma source(%dma_start3A_119 : memref<120x128xf32, #tpu.memory_space<vmem>>) target(%dma_start3A_116 : memref<120x128xf32, #tpu.memory_space<hbm>>) target_semaphore(%run_scoped3A : memref<!tpu.dma_semaphore, #tpu.memory_space<semaphore_mem>>)
      %dma_wait3A = arith.constant 0 : i32
      %dma_wait3A_120 = arith.constant 0 : i32
      %dma_wait3A_121 = tpu.memref_slice %arg9[%dma_wait3A, %dma_wait3A_120] : memref<128x128xf32, #tpu.memory_space<vmem>> -> memref<120x128xf32, #tpu.memory_space<vmem>>
      %dma_wait3A_122 = arith.constant 0 : i32
      %dma_wait3A_123 = tpu.memref_slice %arg5[%arg0, %add3A_107, %dma_wait3A_122] : memref<2x10112x128xf32, #tpu.memory_space<hbm>> -> memref<1x120x128xf32, #tpu.memory_space<hbm>>
      %dma_wait3A_124 = tpu.memref_squeeze %dma_wait3A_123 : memref<1x120x128xf32, #tpu.memory_space<hbm>> -> memref<120x128xf32, #tpu.memory_space<hbm>>
      %dma_wait3A_125 = arith.constant 0 : i32
      %dma_wait3A_126 = tpu.memref_slice %arg5[%arg0, %add3A_107, %dma_wait3A_125] : memref<2x10112x128xf32, #tpu.memory_space<hbm>> -> memref<1x120x128xf32, #tpu.memory_space<hbm>>
      %dma_wait3A_127 = tpu.memref_squeeze %dma_wait3A_126 : memref<1x120x128xf32, #tpu.memory_space<hbm>> -> memref<120x128xf32, #tpu.memory_space<hbm>>
      %dma_wait3A_128 = arith.constant 0 : i32
      %dma_wait3A_129 = arith.constant 0 : i32
      %dma_wait3A_130 = tpu.memref_slice %arg9[%dma_wait3A_128, %dma_wait3A_129] : memref<128x128xf32, #tpu.memory_space<vmem>> -> memref<120x128xf32, #tpu.memory_space<vmem>>
      tpu.wait_dma2 semaphore(%run_scoped3A : memref<!tpu.dma_semaphore, #tpu.memory_space<semaphore_mem>>) src(%dma_wait3A_130 : memref<120x128xf32, #tpu.memory_space<vmem>>) dst(%dma_wait3A_127 : memref<120x128xf32, #tpu.memory_space<hbm>>)
      tpu.yield
    }) : () -> ()
    return
  }
}

#map = affine_map<(d0, d1) -> (0, 0)>
#map1 = affine_map<(d0, d1) -> (0)>
module attributes {stable_mosaic.version = 14 : i64} {
  func.func @k(%arg0: i32, %arg1: i32, %arg2: memref<2560x128xi32, #tpu.memory_space<hbm>>, %arg3: memref<2560x128xi32, #tpu.memory_space<hbm>>, %arg4: memref<20480xf32, #tpu.memory_space<hbm>>, %arg5: memref<80x128xi32, #tpu.memory_space<vmem>>, %arg6: memref<80x128xi32, #tpu.memory_space<vmem>>, %arg7: memref<128xf32, #tpu.memory_space<vmem>>, %arg8: memref<128xf32, #tpu.memory_space<vmem>>, %arg9: memref<640xf32, #tpu.memory_space<vmem>>, %arg10: memref<10240xf32, #tpu.memory_space<vmem_shared>>, %arg11: memref<!tpu.dma_semaphore, #tpu.memory_space<semaphore_mem>>, %arg12: memref<!tpu.dma_semaphore, #tpu.memory_space<semaphore_mem>>) attributes {dimension_semantics = [#tpu.dimension_semantics<core_parallel>, #tpu.dimension_semantics<subcore_parallel>], iteration_bounds = array<i64: 2, 16>, scalar_prefetch = 0 : i64, scratch_operands = 8 : i64, tpu.core_type = #tpu.core_type<sc_vector_subcore>, window_params = [{transform_indices = #map}, {transform_indices = #map}, {transform_indices = #map1}]} {
    %mul3A = arith.constant 2 : i32
    %mul3A_0 = arith.muli %arg1, %mul3A : i32
    %add3A = arith.addi %mul3A_0, %arg0 : i32
    %mul3A_1 = arith.constant 80 : i32
    %mul3A_2 = arith.muli %add3A, %mul3A_1 : i32
    "tpu.region"() ({
      %run_scoped3A = tpu.sem_alloc : memref<!tpu.dma_semaphore, #tpu.memory_space<semaphore_mem>>
      %dma_start3A = arith.constant 0 : i32
      %dma_start3A_354 = tpu.memref_slice %arg2[%mul3A_2, %dma_start3A] : memref<2560x128xi32, #tpu.memory_space<hbm>> -> memref<80x128xi32, #tpu.memory_space<hbm>>
      %dma_start3A_355 = arith.constant 0 : i32
      %dma_start3A_356 = tpu.memref_slice %arg2[%mul3A_2, %dma_start3A_355] : memref<2560x128xi32, #tpu.memory_space<hbm>> -> memref<80x128xi32, #tpu.memory_space<hbm>>
      tpu.enqueue_dma source(%dma_start3A_356 : memref<80x128xi32, #tpu.memory_space<hbm>>) target(%arg5 : memref<80x128xi32, #tpu.memory_space<vmem>>) target_semaphore(%run_scoped3A : memref<!tpu.dma_semaphore, #tpu.memory_space<semaphore_mem>>)
      %dma_wait3A = arith.constant 0 : i32
      %dma_wait3A_357 = tpu.memref_slice %arg2[%mul3A_2, %dma_wait3A] : memref<2560x128xi32, #tpu.memory_space<hbm>> -> memref<80x128xi32, #tpu.memory_space<hbm>>
      %dma_wait3A_358 = arith.constant 0 : i32
      %dma_wait3A_359 = tpu.memref_slice %arg2[%mul3A_2, %dma_wait3A_358] : memref<2560x128xi32, #tpu.memory_space<hbm>> -> memref<80x128xi32, #tpu.memory_space<hbm>>
      tpu.wait_dma2 semaphore(%run_scoped3A : memref<!tpu.dma_semaphore, #tpu.memory_space<semaphore_mem>>) src(%dma_wait3A_359 : memref<80x128xi32, #tpu.memory_space<hbm>>) dst(%arg5 : memref<80x128xi32, #tpu.memory_space<vmem>>)
      tpu.yield
    }) : () -> ()
    %mul3A_3 = arith.constant 80 : i32
    %mul3A_4 = arith.muli %add3A, %mul3A_3 : i32
    "tpu.region"() ({
      %run_scoped3A = tpu.sem_alloc : memref<!tpu.dma_semaphore, #tpu.memory_space<semaphore_mem>>
      %dma_start3A = arith.constant 0 : i32
      %dma_start3A_354 = tpu.memref_slice %arg3[%mul3A_4, %dma_start3A] : memref<2560x128xi32, #tpu.memory_space<hbm>> -> memref<80x128xi32, #tpu.memory_space<hbm>>
      %dma_start3A_355 = arith.constant 0 : i32
      %dma_start3A_356 = tpu.memref_slice %arg3[%mul3A_4, %dma_start3A_355] : memref<2560x128xi32, #tpu.memory_space<hbm>> -> memref<80x128xi32, #tpu.memory_space<hbm>>
      tpu.enqueue_dma source(%dma_start3A_356 : memref<80x128xi32, #tpu.memory_space<hbm>>) target(%arg6 : memref<80x128xi32, #tpu.memory_space<vmem>>) target_semaphore(%run_scoped3A : memref<!tpu.dma_semaphore, #tpu.memory_space<semaphore_mem>>)
      %dma_wait3A = arith.constant 0 : i32
      %dma_wait3A_357 = tpu.memref_slice %arg3[%mul3A_4, %dma_wait3A] : memref<2560x128xi32, #tpu.memory_space<hbm>> -> memref<80x128xi32, #tpu.memory_space<hbm>>
      %dma_wait3A_358 = arith.constant 0 : i32
      %dma_wait3A_359 = tpu.memref_slice %arg3[%mul3A_4, %dma_wait3A_358] : memref<2560x128xi32, #tpu.memory_space<hbm>> -> memref<80x128xi32, #tpu.memory_space<hbm>>
      tpu.wait_dma2 semaphore(%run_scoped3A : memref<!tpu.dma_semaphore, #tpu.memory_space<semaphore_mem>>) src(%dma_wait3A_359 : memref<80x128xi32, #tpu.memory_space<hbm>>) dst(%arg6 : memref<80x128xi32, #tpu.memory_space<vmem>>)
      tpu.yield
    }) : () -> ()
    %broadcast_in_dim3A = arith.constant 1.000000e+00 : f32
    %broadcast_in_dim3A_5 = vector.broadcast %broadcast_in_dim3A : f32 to vector<16xf32>
    %swap3A = arith.constant 0 : index
    %swap3A_6 = tpu.vector_load %arg7[%swap3A] {strides = array<i32>} : memref<128xf32, #tpu.memory_space<vmem>>, vector<16xf32>,
    %swap3A_7 = vector.shape_cast %swap3A_6 : vector<16xf32> to vector<16xf32>
    %swap3A_8 = vector.shape_cast %broadcast_in_dim3A_5 : vector<16xf32> to vector<16xf32>
    tpu.vector_store %arg7[%swap3A], %swap3A_8 {strides = array<i32>} : memref<128xf32, #tpu.memory_space<vmem>>, vector<16xf32>,
    %broadcast_in_dim3A_9 = arith.constant 1.000000e+00 : f32
    %broadcast_in_dim3A_10 = vector.broadcast %broadcast_in_dim3A_9 : f32 to vector<16xf32>
    %swap3A_11 = arith.constant 0 : index
    %swap3A_12 = tpu.vector_load %arg8[%swap3A_11] {strides = array<i32>} : memref<128xf32, #tpu.memory_space<vmem>>, vector<16xf32>,
    %swap3A_13 = vector.shape_cast %swap3A_12 : vector<16xf32> to vector<16xf32>
    %swap3A_14 = vector.shape_cast %broadcast_in_dim3A_10 : vector<16xf32> to vector<16xf32>
    tpu.vector_store %arg8[%swap3A_11], %swap3A_14 {strides = array<i32>} : memref<128xf32, #tpu.memory_space<vmem>>, vector<16xf32>,
    %broadcast_in_dim3A_15 = arith.constant 1.000000e+00 : f32
    %broadcast_in_dim3A_16 = vector.broadcast %broadcast_in_dim3A_15 : f32 to vector<16xf32>
    %swap3A_17 = arith.constant 16 : index
    %swap3A_18 = tpu.vector_load %arg7[%swap3A_17] {strides = array<i32>} : memref<128xf32, #tpu.memory_space<vmem>>, vector<16xf32>,
    %swap3A_19 = vector.shape_cast %swap3A_18 : vector<16xf32> to vector<16xf32>
    %swap3A_20 = vector.shape_cast %broadcast_in_dim3A_16 : vector<16xf32> to vector<16xf32>
    tpu.vector_store %arg7[%swap3A_17], %swap3A_20 {strides = array<i32>} : memref<128xf32, #tpu.memory_space<vmem>>, vector<16xf32>,
    %broadcast_in_dim3A_21 = arith.constant 1.000000e+00 : f32
    %broadcast_in_dim3A_22 = vector.broadcast %broadcast_in_dim3A_21 : f32 to vector<16xf32>
    %swap3A_23 = arith.constant 16 : index
    %swap3A_24 = tpu.vector_load %arg8[%swap3A_23] {strides = array<i32>} : memref<128xf32, #tpu.memory_space<vmem>>, vector<16xf32>,
    %swap3A_25 = vector.shape_cast %swap3A_24 : vector<16xf32> to vector<16xf32>
    %swap3A_26 = vector.shape_cast %broadcast_in_dim3A_22 : vector<16xf32> to vector<16xf32>
    tpu.vector_store %arg8[%swap3A_23], %swap3A_26 {strides = array<i32>} : memref<128xf32, #tpu.memory_space<vmem>>, vector<16xf32>,
    %broadcast_in_dim3A_27 = arith.constant 1.000000e+00 : f32
    %broadcast_in_dim3A_28 = vector.broadcast %broadcast_in_dim3A_27 : f32 to vector<16xf32>
    %swap3A_29 = arith.constant 32 : index
    %swap3A_30 = tpu.vector_load %arg7[%swap3A_29] {strides = array<i32>} : memref<128xf32, #tpu.memory_space<vmem>>, vector<16xf32>,
    %swap3A_31 = vector.shape_cast %swap3A_30 : vector<16xf32> to vector<16xf32>
    %swap3A_32 = vector.shape_cast %broadcast_in_dim3A_28 : vector<16xf32> to vector<16xf32>
    tpu.vector_store %arg7[%swap3A_29], %swap3A_32 {strides = array<i32>} : memref<128xf32, #tpu.memory_space<vmem>>, vector<16xf32>,
    %broadcast_in_dim3A_33 = arith.constant 1.000000e+00 : f32
    %broadcast_in_dim3A_34 = vector.broadcast %broadcast_in_dim3A_33 : f32 to vector<16xf32>
    %swap3A_35 = arith.constant 32 : index
    %swap3A_36 = tpu.vector_load %arg8[%swap3A_35] {strides = array<i32>} : memref<128xf32, #tpu.memory_space<vmem>>, vector<16xf32>,
    %swap3A_37 = vector.shape_cast %swap3A_36 : vector<16xf32> to vector<16xf32>
    %swap3A_38 = vector.shape_cast %broadcast_in_dim3A_34 : vector<16xf32> to vector<16xf32>
    tpu.vector_store %arg8[%swap3A_35], %swap3A_38 {strides = array<i32>} : memref<128xf32, #tpu.memory_space<vmem>>, vector<16xf32>,
    %broadcast_in_dim3A_39 = arith.constant 1.000000e+00 : f32
    %broadcast_in_dim3A_40 = vector.broadcast %broadcast_in_dim3A_39 : f32 to vector<16xf32>
    %swap3A_41 = arith.constant 48 : index
    %swap3A_42 = tpu.vector_load %arg7[%swap3A_41] {strides = array<i32>} : memref<128xf32, #tpu.memory_space<vmem>>, vector<16xf32>,
    %swap3A_43 = vector.shape_cast %swap3A_42 : vector<16xf32> to vector<16xf32>
    %swap3A_44 = vector.shape_cast %broadcast_in_dim3A_40 : vector<16xf32> to vector<16xf32>
    tpu.vector_store %arg7[%swap3A_41], %swap3A_44 {strides = array<i32>} : memref<128xf32, #tpu.memory_space<vmem>>, vector<16xf32>,
    %broadcast_in_dim3A_45 = arith.constant 1.000000e+00 : f32
    %broadcast_in_dim3A_46 = vector.broadcast %broadcast_in_dim3A_45 : f32 to vector<16xf32>
    %swap3A_47 = arith.constant 48 : index
    %swap3A_48 = tpu.vector_load %arg8[%swap3A_47] {strides = array<i32>} : memref<128xf32, #tpu.memory_space<vmem>>, vector<16xf32>,
    %swap3A_49 = vector.shape_cast %swap3A_48 : vector<16xf32> to vector<16xf32>
    %swap3A_50 = vector.shape_cast %broadcast_in_dim3A_46 : vector<16xf32> to vector<16xf32>
    tpu.vector_store %arg8[%swap3A_47], %swap3A_50 {strides = array<i32>} : memref<128xf32, #tpu.memory_space<vmem>>, vector<16xf32>,
    %broadcast_in_dim3A_51 = arith.constant 1.000000e+00 : f32
    %broadcast_in_dim3A_52 = vector.broadcast %broadcast_in_dim3A_51 : f32 to vector<16xf32>
    %swap3A_53 = arith.constant 64 : index
    %swap3A_54 = tpu.vector_load %arg7[%swap3A_53] {strides = array<i32>} : memref<128xf32, #tpu.memory_space<vmem>>, vector<16xf32>,
    %swap3A_55 = vector.shape_cast %swap3A_54 : vector<16xf32> to vector<16xf32>
    %swap3A_56 = vector.shape_cast %broadcast_in_dim3A_52 : vector<16xf32> to vector<16xf32>
    tpu.vector_store %arg7[%swap3A_53], %swap3A_56 {strides = array<i32>} : memref<128xf32, #tpu.memory_space<vmem>>, vector<16xf32>,
    %broadcast_in_dim3A_57 = arith.constant 1.000000e+00 : f32
    %broadcast_in_dim3A_58 = vector.broadcast %broadcast_in_dim3A_57 : f32 to vector<16xf32>
    %swap3A_59 = arith.constant 64 : index
    %swap3A_60 = tpu.vector_load %arg8[%swap3A_59] {strides = array<i32>} : memref<128xf32, #tpu.memory_space<vmem>>, vector<16xf32>,
    %swap3A_61 = vector.shape_cast %swap3A_60 : vector<16xf32> to vector<16xf32>
    %swap3A_62 = vector.shape_cast %broadcast_in_dim3A_58 : vector<16xf32> to vector<16xf32>
    tpu.vector_store %arg8[%swap3A_59], %swap3A_62 {strides = array<i32>} : memref<128xf32, #tpu.memory_space<vmem>>, vector<16xf32>,
    %broadcast_in_dim3A_63 = arith.constant 1.000000e+00 : f32
    %broadcast_in_dim3A_64 = vector.broadcast %broadcast_in_dim3A_63 : f32 to vector<16xf32>
    %swap3A_65 = arith.constant 80 : index
    %swap3A_66 = tpu.vector_load %arg7[%swap3A_65] {strides = array<i32>} : memref<128xf32, #tpu.memory_space<vmem>>, vector<16xf32>,
    %swap3A_67 = vector.shape_cast %swap3A_66 : vector<16xf32> to vector<16xf32>
    %swap3A_68 = vector.shape_cast %broadcast_in_dim3A_64 : vector<16xf32> to vector<16xf32>
    tpu.vector_store %arg7[%swap3A_65], %swap3A_68 {strides = array<i32>} : memref<128xf32, #tpu.memory_space<vmem>>, vector<16xf32>,
    %broadcast_in_dim3A_69 = arith.constant 1.000000e+00 : f32
    %broadcast_in_dim3A_70 = vector.broadcast %broadcast_in_dim3A_69 : f32 to vector<16xf32>
    %swap3A_71 = arith.constant 80 : index
    %swap3A_72 = tpu.vector_load %arg8[%swap3A_71] {strides = array<i32>} : memref<128xf32, #tpu.memory_space<vmem>>, vector<16xf32>,
    %swap3A_73 = vector.shape_cast %swap3A_72 : vector<16xf32> to vector<16xf32>
    %swap3A_74 = vector.shape_cast %broadcast_in_dim3A_70 : vector<16xf32> to vector<16xf32>
    tpu.vector_store %arg8[%swap3A_71], %swap3A_74 {strides = array<i32>} : memref<128xf32, #tpu.memory_space<vmem>>, vector<16xf32>,
    %broadcast_in_dim3A_75 = arith.constant 1.000000e+00 : f32
    %broadcast_in_dim3A_76 = vector.broadcast %broadcast_in_dim3A_75 : f32 to vector<16xf32>
    %swap3A_77 = arith.constant 96 : index
    %swap3A_78 = tpu.vector_load %arg7[%swap3A_77] {strides = array<i32>} : memref<128xf32, #tpu.memory_space<vmem>>, vector<16xf32>,
    %swap3A_79 = vector.shape_cast %swap3A_78 : vector<16xf32> to vector<16xf32>
    %swap3A_80 = vector.shape_cast %broadcast_in_dim3A_76 : vector<16xf32> to vector<16xf32>
    tpu.vector_store %arg7[%swap3A_77], %swap3A_80 {strides = array<i32>} : memref<128xf32, #tpu.memory_space<vmem>>, vector<16xf32>,
    %broadcast_in_dim3A_81 = arith.constant 1.000000e+00 : f32
    %broadcast_in_dim3A_82 = vector.broadcast %broadcast_in_dim3A_81 : f32 to vector<16xf32>
    %swap3A_83 = arith.constant 96 : index
    %swap3A_84 = tpu.vector_load %arg8[%swap3A_83] {strides = array<i32>} : memref<128xf32, #tpu.memory_space<vmem>>, vector<16xf32>,
    %swap3A_85 = vector.shape_cast %swap3A_84 : vector<16xf32> to vector<16xf32>
    %swap3A_86 = vector.shape_cast %broadcast_in_dim3A_82 : vector<16xf32> to vector<16xf32>
    tpu.vector_store %arg8[%swap3A_83], %swap3A_86 {strides = array<i32>} : memref<128xf32, #tpu.memory_space<vmem>>, vector<16xf32>,
    %broadcast_in_dim3A_87 = arith.constant 1.000000e+00 : f32
    %broadcast_in_dim3A_88 = vector.broadcast %broadcast_in_dim3A_87 : f32 to vector<16xf32>
    %swap3A_89 = arith.constant 112 : index
    %swap3A_90 = tpu.vector_load %arg7[%swap3A_89] {strides = array<i32>} : memref<128xf32, #tpu.memory_space<vmem>>, vector<16xf32>,
    %swap3A_91 = vector.shape_cast %swap3A_90 : vector<16xf32> to vector<16xf32>
    %swap3A_92 = vector.shape_cast %broadcast_in_dim3A_88 : vector<16xf32> to vector<16xf32>
    tpu.vector_store %arg7[%swap3A_89], %swap3A_92 {strides = array<i32>} : memref<128xf32, #tpu.memory_space<vmem>>, vector<16xf32>,
    %broadcast_in_dim3A_93 = arith.constant 1.000000e+00 : f32
    %broadcast_in_dim3A_94 = vector.broadcast %broadcast_in_dim3A_93 : f32 to vector<16xf32>
    %swap3A_95 = arith.constant 112 : index
    %swap3A_96 = tpu.vector_load %arg8[%swap3A_95] {strides = array<i32>} : memref<128xf32, #tpu.memory_space<vmem>>, vector<16xf32>,
    %swap3A_97 = vector.shape_cast %swap3A_96 : vector<16xf32> to vector<16xf32>
    %swap3A_98 = vector.shape_cast %broadcast_in_dim3A_94 : vector<16xf32> to vector<16xf32>
    tpu.vector_store %arg8[%swap3A_95], %swap3A_98 {strides = array<i32>} : memref<128xf32, #tpu.memory_space<vmem>>, vector<16xf32>,
    %broadcast_in_dim3A_99 = arith.constant 0.000000e+00 : f32
    %broadcast_in_dim3A_100 = vector.broadcast %broadcast_in_dim3A_99 : f32 to vector<16xf32>
    %swap3A_101 = arith.constant 0 : index
    %swap3A_102 = tpu.vector_load %arg9[%swap3A_101] {strides = array<i32>} : memref<640xf32, #tpu.memory_space<vmem>>, vector<16xf32>,
    %swap3A_103 = vector.shape_cast %swap3A_102 : vector<16xf32> to vector<16xf32>
    %swap3A_104 = vector.shape_cast %broadcast_in_dim3A_100 : vector<16xf32> to vector<16xf32>
    tpu.vector_store %arg9[%swap3A_101], %swap3A_104 {strides = array<i32>} : memref<640xf32, #tpu.memory_space<vmem>>, vector<16xf32>,
    %broadcast_in_dim3A_105 = arith.constant 0.000000e+00 : f32
    %broadcast_in_dim3A_106 = vector.broadcast %broadcast_in_dim3A_105 : f32 to vector<16xf32>
    %swap3A_107 = arith.constant 16 : index
    %swap3A_108 = tpu.vector_load %arg9[%swap3A_107] {strides = array<i32>} : memref<640xf32, #tpu.memory_space<vmem>>, vector<16xf32>,
    %swap3A_109 = vector.shape_cast %swap3A_108 : vector<16xf32> to vector<16xf32>
    %swap3A_110 = vector.shape_cast %broadcast_in_dim3A_106 : vector<16xf32> to vector<16xf32>
    tpu.vector_store %arg9[%swap3A_107], %swap3A_110 {strides = array<i32>} : memref<640xf32, #tpu.memory_space<vmem>>, vector<16xf32>,
    %broadcast_in_dim3A_111 = arith.constant 0.000000e+00 : f32
    %broadcast_in_dim3A_112 = vector.broadcast %broadcast_in_dim3A_111 : f32 to vector<16xf32>
    %swap3A_113 = arith.constant 32 : index
    %swap3A_114 = tpu.vector_load %arg9[%swap3A_113] {strides = array<i32>} : memref<640xf32, #tpu.memory_space<vmem>>, vector<16xf32>,
    %swap3A_115 = vector.shape_cast %swap3A_114 : vector<16xf32> to vector<16xf32>
    %swap3A_116 = vector.shape_cast %broadcast_in_dim3A_112 : vector<16xf32> to vector<16xf32>
    tpu.vector_store %arg9[%swap3A_113], %swap3A_116 {strides = array<i32>} : memref<640xf32, #tpu.memory_space<vmem>>, vector<16xf32>,
    %broadcast_in_dim3A_117 = arith.constant 0.000000e+00 : f32
    %broadcast_in_dim3A_118 = vector.broadcast %broadcast_in_dim3A_117 : f32 to vector<16xf32>
    %swap3A_119 = arith.constant 48 : index
    %swap3A_120 = tpu.vector_load %arg9[%swap3A_119] {strides = array<i32>} : memref<640xf32, #tpu.memory_space<vmem>>, vector<16xf32>,
    %swap3A_121 = vector.shape_cast %swap3A_120 : vector<16xf32> to vector<16xf32>
    %swap3A_122 = vector.shape_cast %broadcast_in_dim3A_118 : vector<16xf32> to vector<16xf32>
    tpu.vector_store %arg9[%swap3A_119], %swap3A_122 {strides = array<i32>} : memref<640xf32, #tpu.memory_space<vmem>>, vector<16xf32>,
    %broadcast_in_dim3A_123 = arith.constant 0.000000e+00 : f32
    %broadcast_in_dim3A_124 = vector.broadcast %broadcast_in_dim3A_123 : f32 to vector<16xf32>
    %swap3A_125 = arith.constant 64 : index
    %swap3A_126 = tpu.vector_load %arg9[%swap3A_125] {strides = array<i32>} : memref<640xf32, #tpu.memory_space<vmem>>, vector<16xf32>,
    %swap3A_127 = vector.shape_cast %swap3A_126 : vector<16xf32> to vector<16xf32>
    %swap3A_128 = vector.shape_cast %broadcast_in_dim3A_124 : vector<16xf32> to vector<16xf32>
    tpu.vector_store %arg9[%swap3A_125], %swap3A_128 {strides = array<i32>} : memref<640xf32, #tpu.memory_space<vmem>>, vector<16xf32>,
    %broadcast_in_dim3A_129 = arith.constant 0.000000e+00 : f32
    %broadcast_in_dim3A_130 = vector.broadcast %broadcast_in_dim3A_129 : f32 to vector<16xf32>
    %swap3A_131 = arith.constant 80 : index
    %swap3A_132 = tpu.vector_load %arg9[%swap3A_131] {strides = array<i32>} : memref<640xf32, #tpu.memory_space<vmem>>, vector<16xf32>,
    %swap3A_133 = vector.shape_cast %swap3A_132 : vector<16xf32> to vector<16xf32>
    %swap3A_134 = vector.shape_cast %broadcast_in_dim3A_130 : vector<16xf32> to vector<16xf32>
    tpu.vector_store %arg9[%swap3A_131], %swap3A_134 {strides = array<i32>} : memref<640xf32, #tpu.memory_space<vmem>>, vector<16xf32>,
    %broadcast_in_dim3A_135 = arith.constant 0.000000e+00 : f32
    %broadcast_in_dim3A_136 = vector.broadcast %broadcast_in_dim3A_135 : f32 to vector<16xf32>
    %swap3A_137 = arith.constant 96 : index
    %swap3A_138 = tpu.vector_load %arg9[%swap3A_137] {strides = array<i32>} : memref<640xf32, #tpu.memory_space<vmem>>, vector<16xf32>,
    %swap3A_139 = vector.shape_cast %swap3A_138 : vector<16xf32> to vector<16xf32>
    %swap3A_140 = vector.shape_cast %broadcast_in_dim3A_136 : vector<16xf32> to vector<16xf32>
    tpu.vector_store %arg9[%swap3A_137], %swap3A_140 {strides = array<i32>} : memref<640xf32, #tpu.memory_space<vmem>>, vector<16xf32>,
    %broadcast_in_dim3A_141 = arith.constant 0.000000e+00 : f32
    %broadcast_in_dim3A_142 = vector.broadcast %broadcast_in_dim3A_141 : f32 to vector<16xf32>
    %swap3A_143 = arith.constant 112 : index
    %swap3A_144 = tpu.vector_load %arg9[%swap3A_143] {strides = array<i32>} : memref<640xf32, #tpu.memory_space<vmem>>, vector<16xf32>,
    %swap3A_145 = vector.shape_cast %swap3A_144 : vector<16xf32> to vector<16xf32>
    %swap3A_146 = vector.shape_cast %broadcast_in_dim3A_142 : vector<16xf32> to vector<16xf32>
    tpu.vector_store %arg9[%swap3A_143], %swap3A_146 {strides = array<i32>} : memref<640xf32, #tpu.memory_space<vmem>>, vector<16xf32>,
    %broadcast_in_dim3A_147 = arith.constant 0.000000e+00 : f32
    %broadcast_in_dim3A_148 = vector.broadcast %broadcast_in_dim3A_147 : f32 to vector<16xf32>
    %swap3A_149 = arith.constant 128 : index
    %swap3A_150 = tpu.vector_load %arg9[%swap3A_149] {strides = array<i32>} : memref<640xf32, #tpu.memory_space<vmem>>, vector<16xf32>,
    %swap3A_151 = vector.shape_cast %swap3A_150 : vector<16xf32> to vector<16xf32>
    %swap3A_152 = vector.shape_cast %broadcast_in_dim3A_148 : vector<16xf32> to vector<16xf32>
    tpu.vector_store %arg9[%swap3A_149], %swap3A_152 {strides = array<i32>} : memref<640xf32, #tpu.memory_space<vmem>>, vector<16xf32>,
    %broadcast_in_dim3A_153 = arith.constant 0.000000e+00 : f32
    %broadcast_in_dim3A_154 = vector.broadcast %broadcast_in_dim3A_153 : f32 to vector<16xf32>
    %swap3A_155 = arith.constant 144 : index
    %swap3A_156 = tpu.vector_load %arg9[%swap3A_155] {strides = array<i32>} : memref<640xf32, #tpu.memory_space<vmem>>, vector<16xf32>,
    %swap3A_157 = vector.shape_cast %swap3A_156 : vector<16xf32> to vector<16xf32>
    %swap3A_158 = vector.shape_cast %broadcast_in_dim3A_154 : vector<16xf32> to vector<16xf32>
    tpu.vector_store %arg9[%swap3A_155], %swap3A_158 {strides = array<i32>} : memref<640xf32, #tpu.memory_space<vmem>>, vector<16xf32>,
    %broadcast_in_dim3A_159 = arith.constant 0.000000e+00 : f32
    %broadcast_in_dim3A_160 = vector.broadcast %broadcast_in_dim3A_159 : f32 to vector<16xf32>
    %swap3A_161 = arith.constant 160 : index
    %swap3A_162 = tpu.vector_load %arg9[%swap3A_161] {strides = array<i32>} : memref<640xf32, #tpu.memory_space<vmem>>, vector<16xf32>,
    %swap3A_163 = vector.shape_cast %swap3A_162 : vector<16xf32> to vector<16xf32>
    %swap3A_164 = vector.shape_cast %broadcast_in_dim3A_160 : vector<16xf32> to vector<16xf32>
    tpu.vector_store %arg9[%swap3A_161], %swap3A_164 {strides = array<i32>} : memref<640xf32, #tpu.memory_space<vmem>>, vector<16xf32>,
    %broadcast_in_dim3A_165 = arith.constant 0.000000e+00 : f32
    %broadcast_in_dim3A_166 = vector.broadcast %broadcast_in_dim3A_165 : f32 to vector<16xf32>
    %swap3A_167 = arith.constant 176 : index
    %swap3A_168 = tpu.vector_load %arg9[%swap3A_167] {strides = array<i32>} : memref<640xf32, #tpu.memory_space<vmem>>, vector<16xf32>,
    %swap3A_169 = vector.shape_cast %swap3A_168 : vector<16xf32> to vector<16xf32>
    %swap3A_170 = vector.shape_cast %broadcast_in_dim3A_166 : vector<16xf32> to vector<16xf32>
    tpu.vector_store %arg9[%swap3A_167], %swap3A_170 {strides = array<i32>} : memref<640xf32, #tpu.memory_space<vmem>>, vector<16xf32>,
    %broadcast_in_dim3A_171 = arith.constant 0.000000e+00 : f32
    %broadcast_in_dim3A_172 = vector.broadcast %broadcast_in_dim3A_171 : f32 to vector<16xf32>
    %swap3A_173 = arith.constant 192 : index
    %swap3A_174 = tpu.vector_load %arg9[%swap3A_173] {strides = array<i32>} : memref<640xf32, #tpu.memory_space<vmem>>, vector<16xf32>,
    %swap3A_175 = vector.shape_cast %swap3A_174 : vector<16xf32> to vector<16xf32>
    %swap3A_176 = vector.shape_cast %broadcast_in_dim3A_172 : vector<16xf32> to vector<16xf32>
    tpu.vector_store %arg9[%swap3A_173], %swap3A_176 {strides = array<i32>} : memref<640xf32, #tpu.memory_space<vmem>>, vector<16xf32>,
    %broadcast_in_dim3A_177 = arith.constant 0.000000e+00 : f32
    %broadcast_in_dim3A_178 = vector.broadcast %broadcast_in_dim3A_177 : f32 to vector<16xf32>
    %swap3A_179 = arith.constant 208 : index
    %swap3A_180 = tpu.vector_load %arg9[%swap3A_179] {strides = array<i32>} : memref<640xf32, #tpu.memory_space<vmem>>, vector<16xf32>,
    %swap3A_181 = vector.shape_cast %swap3A_180 : vector<16xf32> to vector<16xf32>
    %swap3A_182 = vector.shape_cast %broadcast_in_dim3A_178 : vector<16xf32> to vector<16xf32>
    tpu.vector_store %arg9[%swap3A_179], %swap3A_182 {strides = array<i32>} : memref<640xf32, #tpu.memory_space<vmem>>, vector<16xf32>,
    %broadcast_in_dim3A_183 = arith.constant 0.000000e+00 : f32
    %broadcast_in_dim3A_184 = vector.broadcast %broadcast_in_dim3A_183 : f32 to vector<16xf32>
    %swap3A_185 = arith.constant 224 : index
    %swap3A_186 = tpu.vector_load %arg9[%swap3A_185] {strides = array<i32>} : memref<640xf32, #tpu.memory_space<vmem>>, vector<16xf32>,
    %swap3A_187 = vector.shape_cast %swap3A_186 : vector<16xf32> to vector<16xf32>
    %swap3A_188 = vector.shape_cast %broadcast_in_dim3A_184 : vector<16xf32> to vector<16xf32>
    tpu.vector_store %arg9[%swap3A_185], %swap3A_188 {strides = array<i32>} : memref<640xf32, #tpu.memory_space<vmem>>, vector<16xf32>,
    %broadcast_in_dim3A_189 = arith.constant 0.000000e+00 : f32
    %broadcast_in_dim3A_190 = vector.broadcast %broadcast_in_dim3A_189 : f32 to vector<16xf32>
    %swap3A_191 = arith.constant 240 : index
    %swap3A_192 = tpu.vector_load %arg9[%swap3A_191] {strides = array<i32>} : memref<640xf32, #tpu.memory_space<vmem>>, vector<16xf32>,
    %swap3A_193 = vector.shape_cast %swap3A_192 : vector<16xf32> to vector<16xf32>
    %swap3A_194 = vector.shape_cast %broadcast_in_dim3A_190 : vector<16xf32> to vector<16xf32>
    tpu.vector_store %arg9[%swap3A_191], %swap3A_194 {strides = array<i32>} : memref<640xf32, #tpu.memory_space<vmem>>, vector<16xf32>,
    %broadcast_in_dim3A_195 = arith.constant 0.000000e+00 : f32
    %broadcast_in_dim3A_196 = vector.broadcast %broadcast_in_dim3A_195 : f32 to vector<16xf32>
    %swap3A_197 = arith.constant 256 : index
    %swap3A_198 = tpu.vector_load %arg9[%swap3A_197] {strides = array<i32>} : memref<640xf32, #tpu.memory_space<vmem>>, vector<16xf32>,
    %swap3A_199 = vector.shape_cast %swap3A_198 : vector<16xf32> to vector<16xf32>
    %swap3A_200 = vector.shape_cast %broadcast_in_dim3A_196 : vector<16xf32> to vector<16xf32>
    tpu.vector_store %arg9[%swap3A_197], %swap3A_200 {strides = array<i32>} : memref<640xf32, #tpu.memory_space<vmem>>, vector<16xf32>,
    %broadcast_in_dim3A_201 = arith.constant 0.000000e+00 : f32
    %broadcast_in_dim3A_202 = vector.broadcast %broadcast_in_dim3A_201 : f32 to vector<16xf32>
    %swap3A_203 = arith.constant 272 : index
    %swap3A_204 = tpu.vector_load %arg9[%swap3A_203] {strides = array<i32>} : memref<640xf32, #tpu.memory_space<vmem>>, vector<16xf32>,
    %swap3A_205 = vector.shape_cast %swap3A_204 : vector<16xf32> to vector<16xf32>
    %swap3A_206 = vector.shape_cast %broadcast_in_dim3A_202 : vector<16xf32> to vector<16xf32>
    tpu.vector_store %arg9[%swap3A_203], %swap3A_206 {strides = array<i32>} : memref<640xf32, #tpu.memory_space<vmem>>, vector<16xf32>,
    %broadcast_in_dim3A_207 = arith.constant 0.000000e+00 : f32
    %broadcast_in_dim3A_208 = vector.broadcast %broadcast_in_dim3A_207 : f32 to vector<16xf32>
    %swap3A_209 = arith.constant 288 : index
    %swap3A_210 = tpu.vector_load %arg9[%swap3A_209] {strides = array<i32>} : memref<640xf32, #tpu.memory_space<vmem>>, vector<16xf32>,
    %swap3A_211 = vector.shape_cast %swap3A_210 : vector<16xf32> to vector<16xf32>
    %swap3A_212 = vector.shape_cast %broadcast_in_dim3A_208 : vector<16xf32> to vector<16xf32>
    tpu.vector_store %arg9[%swap3A_209], %swap3A_212 {strides = array<i32>} : memref<640xf32, #tpu.memory_space<vmem>>, vector<16xf32>,
    %broadcast_in_dim3A_213 = arith.constant 0.000000e+00 : f32
    %broadcast_in_dim3A_214 = vector.broadcast %broadcast_in_dim3A_213 : f32 to vector<16xf32>
    %swap3A_215 = arith.constant 304 : index
    %swap3A_216 = tpu.vector_load %arg9[%swap3A_215] {strides = array<i32>} : memref<640xf32, #tpu.memory_space<vmem>>, vector<16xf32>,
    %swap3A_217 = vector.shape_cast %swap3A_216 : vector<16xf32> to vector<16xf32>
    %swap3A_218 = vector.shape_cast %broadcast_in_dim3A_214 : vector<16xf32> to vector<16xf32>
    tpu.vector_store %arg9[%swap3A_215], %swap3A_218 {strides = array<i32>} : memref<640xf32, #tpu.memory_space<vmem>>, vector<16xf32>,
    %broadcast_in_dim3A_219 = arith.constant 0.000000e+00 : f32
    %broadcast_in_dim3A_220 = vector.broadcast %broadcast_in_dim3A_219 : f32 to vector<16xf32>
    %swap3A_221 = arith.constant 320 : index
    %swap3A_222 = tpu.vector_load %arg9[%swap3A_221] {strides = array<i32>} : memref<640xf32, #tpu.memory_space<vmem>>, vector<16xf32>,
    %swap3A_223 = vector.shape_cast %swap3A_222 : vector<16xf32> to vector<16xf32>
    %swap3A_224 = vector.shape_cast %broadcast_in_dim3A_220 : vector<16xf32> to vector<16xf32>
    tpu.vector_store %arg9[%swap3A_221], %swap3A_224 {strides = array<i32>} : memref<640xf32, #tpu.memory_space<vmem>>, vector<16xf32>,
    %broadcast_in_dim3A_225 = arith.constant 0.000000e+00 : f32
    %broadcast_in_dim3A_226 = vector.broadcast %broadcast_in_dim3A_225 : f32 to vector<16xf32>
    %swap3A_227 = arith.constant 336 : index
    %swap3A_228 = tpu.vector_load %arg9[%swap3A_227] {strides = array<i32>} : memref<640xf32, #tpu.memory_space<vmem>>, vector<16xf32>,
    %swap3A_229 = vector.shape_cast %swap3A_228 : vector<16xf32> to vector<16xf32>
    %swap3A_230 = vector.shape_cast %broadcast_in_dim3A_226 : vector<16xf32> to vector<16xf32>
    tpu.vector_store %arg9[%swap3A_227], %swap3A_230 {strides = array<i32>} : memref<640xf32, #tpu.memory_space<vmem>>, vector<16xf32>,
    %broadcast_in_dim3A_231 = arith.constant 0.000000e+00 : f32
    %broadcast_in_dim3A_232 = vector.broadcast %broadcast_in_dim3A_231 : f32 to vector<16xf32>
    %swap3A_233 = arith.constant 352 : index
    %swap3A_234 = tpu.vector_load %arg9[%swap3A_233] {strides = array<i32>} : memref<640xf32, #tpu.memory_space<vmem>>, vector<16xf32>,
    %swap3A_235 = vector.shape_cast %swap3A_234 : vector<16xf32> to vector<16xf32>
    %swap3A_236 = vector.shape_cast %broadcast_in_dim3A_232 : vector<16xf32> to vector<16xf32>
    tpu.vector_store %arg9[%swap3A_233], %swap3A_236 {strides = array<i32>} : memref<640xf32, #tpu.memory_space<vmem>>, vector<16xf32>,
    %broadcast_in_dim3A_237 = arith.constant 0.000000e+00 : f32
    %broadcast_in_dim3A_238 = vector.broadcast %broadcast_in_dim3A_237 : f32 to vector<16xf32>
    %swap3A_239 = arith.constant 368 : index
    %swap3A_240 = tpu.vector_load %arg9[%swap3A_239] {strides = array<i32>} : memref<640xf32, #tpu.memory_space<vmem>>, vector<16xf32>,
    %swap3A_241 = vector.shape_cast %swap3A_240 : vector<16xf32> to vector<16xf32>
    %swap3A_242 = vector.shape_cast %broadcast_in_dim3A_238 : vector<16xf32> to vector<16xf32>
    tpu.vector_store %arg9[%swap3A_239], %swap3A_242 {strides = array<i32>} : memref<640xf32, #tpu.memory_space<vmem>>, vector<16xf32>,
    %broadcast_in_dim3A_243 = arith.constant 0.000000e+00 : f32
    %broadcast_in_dim3A_244 = vector.broadcast %broadcast_in_dim3A_243 : f32 to vector<16xf32>
    %swap3A_245 = arith.constant 384 : index
    %swap3A_246 = tpu.vector_load %arg9[%swap3A_245] {strides = array<i32>} : memref<640xf32, #tpu.memory_space<vmem>>, vector<16xf32>,
    %swap3A_247 = vector.shape_cast %swap3A_246 : vector<16xf32> to vector<16xf32>
    %swap3A_248 = vector.shape_cast %broadcast_in_dim3A_244 : vector<16xf32> to vector<16xf32>
    tpu.vector_store %arg9[%swap3A_245], %swap3A_248 {strides = array<i32>} : memref<640xf32, #tpu.memory_space<vmem>>, vector<16xf32>,
    %broadcast_in_dim3A_249 = arith.constant 0.000000e+00 : f32
    %broadcast_in_dim3A_250 = vector.broadcast %broadcast_in_dim3A_249 : f32 to vector<16xf32>
    %swap3A_251 = arith.constant 400 : index
    %swap3A_252 = tpu.vector_load %arg9[%swap3A_251] {strides = array<i32>} : memref<640xf32, #tpu.memory_space<vmem>>, vector<16xf32>,
    %swap3A_253 = vector.shape_cast %swap3A_252 : vector<16xf32> to vector<16xf32>
    %swap3A_254 = vector.shape_cast %broadcast_in_dim3A_250 : vector<16xf32> to vector<16xf32>
    tpu.vector_store %arg9[%swap3A_251], %swap3A_254 {strides = array<i32>} : memref<640xf32, #tpu.memory_space<vmem>>, vector<16xf32>,
    %broadcast_in_dim3A_255 = arith.constant 0.000000e+00 : f32
    %broadcast_in_dim3A_256 = vector.broadcast %broadcast_in_dim3A_255 : f32 to vector<16xf32>
    %swap3A_257 = arith.constant 416 : index
    %swap3A_258 = tpu.vector_load %arg9[%swap3A_257] {strides = array<i32>} : memref<640xf32, #tpu.memory_space<vmem>>, vector<16xf32>,
    %swap3A_259 = vector.shape_cast %swap3A_258 : vector<16xf32> to vector<16xf32>
    %swap3A_260 = vector.shape_cast %broadcast_in_dim3A_256 : vector<16xf32> to vector<16xf32>
    tpu.vector_store %arg9[%swap3A_257], %swap3A_260 {strides = array<i32>} : memref<640xf32, #tpu.memory_space<vmem>>, vector<16xf32>,
    %broadcast_in_dim3A_261 = arith.constant 0.000000e+00 : f32
    %broadcast_in_dim3A_262 = vector.broadcast %broadcast_in_dim3A_261 : f32 to vector<16xf32>
    %swap3A_263 = arith.constant 432 : index
    %swap3A_264 = tpu.vector_load %arg9[%swap3A_263] {strides = array<i32>} : memref<640xf32, #tpu.memory_space<vmem>>, vector<16xf32>,
    %swap3A_265 = vector.shape_cast %swap3A_264 : vector<16xf32> to vector<16xf32>
    %swap3A_266 = vector.shape_cast %broadcast_in_dim3A_262 : vector<16xf32> to vector<16xf32>
    tpu.vector_store %arg9[%swap3A_263], %swap3A_266 {strides = array<i32>} : memref<640xf32, #tpu.memory_space<vmem>>, vector<16xf32>,
    %broadcast_in_dim3A_267 = arith.constant 0.000000e+00 : f32
    %broadcast_in_dim3A_268 = vector.broadcast %broadcast_in_dim3A_267 : f32 to vector<16xf32>
    %swap3A_269 = arith.constant 448 : index
    %swap3A_270 = tpu.vector_load %arg9[%swap3A_269] {strides = array<i32>} : memref<640xf32, #tpu.memory_space<vmem>>, vector<16xf32>,
    %swap3A_271 = vector.shape_cast %swap3A_270 : vector<16xf32> to vector<16xf32>
    %swap3A_272 = vector.shape_cast %broadcast_in_dim3A_268 : vector<16xf32> to vector<16xf32>
    tpu.vector_store %arg9[%swap3A_269], %swap3A_272 {strides = array<i32>} : memref<640xf32, #tpu.memory_space<vmem>>, vector<16xf32>,
    %broadcast_in_dim3A_273 = arith.constant 0.000000e+00 : f32
    %broadcast_in_dim3A_274 = vector.broadcast %broadcast_in_dim3A_273 : f32 to vector<16xf32>
    %swap3A_275 = arith.constant 464 : index
    %swap3A_276 = tpu.vector_load %arg9[%swap3A_275] {strides = array<i32>} : memref<640xf32, #tpu.memory_space<vmem>>, vector<16xf32>,
    %swap3A_277 = vector.shape_cast %swap3A_276 : vector<16xf32> to vector<16xf32>
    %swap3A_278 = vector.shape_cast %broadcast_in_dim3A_274 : vector<16xf32> to vector<16xf32>
    tpu.vector_store %arg9[%swap3A_275], %swap3A_278 {strides = array<i32>} : memref<640xf32, #tpu.memory_space<vmem>>, vector<16xf32>,
    %broadcast_in_dim3A_279 = arith.constant 0.000000e+00 : f32
    %broadcast_in_dim3A_280 = vector.broadcast %broadcast_in_dim3A_279 : f32 to vector<16xf32>
    %swap3A_281 = arith.constant 480 : index
    %swap3A_282 = tpu.vector_load %arg9[%swap3A_281] {strides = array<i32>} : memref<640xf32, #tpu.memory_space<vmem>>, vector<16xf32>,
    %swap3A_283 = vector.shape_cast %swap3A_282 : vector<16xf32> to vector<16xf32>
    %swap3A_284 = vector.shape_cast %broadcast_in_dim3A_280 : vector<16xf32> to vector<16xf32>
    tpu.vector_store %arg9[%swap3A_281], %swap3A_284 {strides = array<i32>} : memref<640xf32, #tpu.memory_space<vmem>>, vector<16xf32>,
    %broadcast_in_dim3A_285 = arith.constant 0.000000e+00 : f32
    %broadcast_in_dim3A_286 = vector.broadcast %broadcast_in_dim3A_285 : f32 to vector<16xf32>
    %swap3A_287 = arith.constant 496 : index
    %swap3A_288 = tpu.vector_load %arg9[%swap3A_287] {strides = array<i32>} : memref<640xf32, #tpu.memory_space<vmem>>, vector<16xf32>,
    %swap3A_289 = vector.shape_cast %swap3A_288 : vector<16xf32> to vector<16xf32>
    %swap3A_290 = vector.shape_cast %broadcast_in_dim3A_286 : vector<16xf32> to vector<16xf32>
    tpu.vector_store %arg9[%swap3A_287], %swap3A_290 {strides = array<i32>} : memref<640xf32, #tpu.memory_space<vmem>>, vector<16xf32>,
    %broadcast_in_dim3A_291 = arith.constant 0.000000e+00 : f32
    %broadcast_in_dim3A_292 = vector.broadcast %broadcast_in_dim3A_291 : f32 to vector<16xf32>
    %swap3A_293 = arith.constant 512 : index
    %swap3A_294 = tpu.vector_load %arg9[%swap3A_293] {strides = array<i32>} : memref<640xf32, #tpu.memory_space<vmem>>, vector<16xf32>,
    %swap3A_295 = vector.shape_cast %swap3A_294 : vector<16xf32> to vector<16xf32>
    %swap3A_296 = vector.shape_cast %broadcast_in_dim3A_292 : vector<16xf32> to vector<16xf32>
    tpu.vector_store %arg9[%swap3A_293], %swap3A_296 {strides = array<i32>} : memref<640xf32, #tpu.memory_space<vmem>>, vector<16xf32>,
    %broadcast_in_dim3A_297 = arith.constant 0.000000e+00 : f32
    %broadcast_in_dim3A_298 = vector.broadcast %broadcast_in_dim3A_297 : f32 to vector<16xf32>
    %swap3A_299 = arith.constant 528 : index
    %swap3A_300 = tpu.vector_load %arg9[%swap3A_299] {strides = array<i32>} : memref<640xf32, #tpu.memory_space<vmem>>, vector<16xf32>,
    %swap3A_301 = vector.shape_cast %swap3A_300 : vector<16xf32> to vector<16xf32>
    %swap3A_302 = vector.shape_cast %broadcast_in_dim3A_298 : vector<16xf32> to vector<16xf32>
    tpu.vector_store %arg9[%swap3A_299], %swap3A_302 {strides = array<i32>} : memref<640xf32, #tpu.memory_space<vmem>>, vector<16xf32>,
    %broadcast_in_dim3A_303 = arith.constant 0.000000e+00 : f32
    %broadcast_in_dim3A_304 = vector.broadcast %broadcast_in_dim3A_303 : f32 to vector<16xf32>
    %swap3A_305 = arith.constant 544 : index
    %swap3A_306 = tpu.vector_load %arg9[%swap3A_305] {strides = array<i32>} : memref<640xf32, #tpu.memory_space<vmem>>, vector<16xf32>,
    %swap3A_307 = vector.shape_cast %swap3A_306 : vector<16xf32> to vector<16xf32>
    %swap3A_308 = vector.shape_cast %broadcast_in_dim3A_304 : vector<16xf32> to vector<16xf32>
    tpu.vector_store %arg9[%swap3A_305], %swap3A_308 {strides = array<i32>} : memref<640xf32, #tpu.memory_space<vmem>>, vector<16xf32>,
    %broadcast_in_dim3A_309 = arith.constant 0.000000e+00 : f32
    %broadcast_in_dim3A_310 = vector.broadcast %broadcast_in_dim3A_309 : f32 to vector<16xf32>
    %swap3A_311 = arith.constant 560 : index
    %swap3A_312 = tpu.vector_load %arg9[%swap3A_311] {strides = array<i32>} : memref<640xf32, #tpu.memory_space<vmem>>, vector<16xf32>,
    %swap3A_313 = vector.shape_cast %swap3A_312 : vector<16xf32> to vector<16xf32>
    %swap3A_314 = vector.shape_cast %broadcast_in_dim3A_310 : vector<16xf32> to vector<16xf32>
    tpu.vector_store %arg9[%swap3A_311], %swap3A_314 {strides = array<i32>} : memref<640xf32, #tpu.memory_space<vmem>>, vector<16xf32>,
    %broadcast_in_dim3A_315 = arith.constant 0.000000e+00 : f32
    %broadcast_in_dim3A_316 = vector.broadcast %broadcast_in_dim3A_315 : f32 to vector<16xf32>
    %swap3A_317 = arith.constant 576 : index
    %swap3A_318 = tpu.vector_load %arg9[%swap3A_317] {strides = array<i32>} : memref<640xf32, #tpu.memory_space<vmem>>, vector<16xf32>,
    %swap3A_319 = vector.shape_cast %swap3A_318 : vector<16xf32> to vector<16xf32>
    %swap3A_320 = vector.shape_cast %broadcast_in_dim3A_316 : vector<16xf32> to vector<16xf32>
    tpu.vector_store %arg9[%swap3A_317], %swap3A_320 {strides = array<i32>} : memref<640xf32, #tpu.memory_space<vmem>>, vector<16xf32>,
    %broadcast_in_dim3A_321 = arith.constant 0.000000e+00 : f32
    %broadcast_in_dim3A_322 = vector.broadcast %broadcast_in_dim3A_321 : f32 to vector<16xf32>
    %swap3A_323 = arith.constant 592 : index
    %swap3A_324 = tpu.vector_load %arg9[%swap3A_323] {strides = array<i32>} : memref<640xf32, #tpu.memory_space<vmem>>, vector<16xf32>,
    %swap3A_325 = vector.shape_cast %swap3A_324 : vector<16xf32> to vector<16xf32>
    %swap3A_326 = vector.shape_cast %broadcast_in_dim3A_322 : vector<16xf32> to vector<16xf32>
    tpu.vector_store %arg9[%swap3A_323], %swap3A_326 {strides = array<i32>} : memref<640xf32, #tpu.memory_space<vmem>>, vector<16xf32>,
    %broadcast_in_dim3A_327 = arith.constant 0.000000e+00 : f32
    %broadcast_in_dim3A_328 = vector.broadcast %broadcast_in_dim3A_327 : f32 to vector<16xf32>
    %swap3A_329 = arith.constant 608 : index
    %swap3A_330 = tpu.vector_load %arg9[%swap3A_329] {strides = array<i32>} : memref<640xf32, #tpu.memory_space<vmem>>, vector<16xf32>,
    %swap3A_331 = vector.shape_cast %swap3A_330 : vector<16xf32> to vector<16xf32>
    %swap3A_332 = vector.shape_cast %broadcast_in_dim3A_328 : vector<16xf32> to vector<16xf32>
    tpu.vector_store %arg9[%swap3A_329], %swap3A_332 {strides = array<i32>} : memref<640xf32, #tpu.memory_space<vmem>>, vector<16xf32>,
    %broadcast_in_dim3A_333 = arith.constant 0.000000e+00 : f32
    %broadcast_in_dim3A_334 = vector.broadcast %broadcast_in_dim3A_333 : f32 to vector<16xf32>
    %swap3A_335 = arith.constant 624 : index
    %swap3A_336 = tpu.vector_load %arg9[%swap3A_335] {strides = array<i32>} : memref<640xf32, #tpu.memory_space<vmem>>, vector<16xf32>,
    %swap3A_337 = vector.shape_cast %swap3A_336 : vector<16xf32> to vector<16xf32>
    %swap3A_338 = vector.shape_cast %broadcast_in_dim3A_334 : vector<16xf32> to vector<16xf32>
    tpu.vector_store %arg9[%swap3A_335], %swap3A_338 {strides = array<i32>} : memref<640xf32, #tpu.memory_space<vmem>>, vector<16xf32>,
    %mul3A_339 = arith.constant 640 : i32
    %mul3A_340 = arith.muli %arg1, %mul3A_339 : i32
    "tpu.region"() ({
      %run_scoped3A = tpu.sem_alloc : memref<!tpu.dma_semaphore, #tpu.memory_space<semaphore_mem>>
      %dma_start3A = tpu.memref_slice %arg10[%mul3A_340] : memref<10240xf32, #tpu.memory_space<vmem_shared>> -> memref<640xf32, #tpu.memory_space<vmem_shared>>
      %dma_start3A_354 = tpu.memref_slice %arg10[%mul3A_340] : memref<10240xf32, #tpu.memory_space<vmem_shared>> -> memref<640xf32, #tpu.memory_space<vmem_shared>>
      tpu.enqueue_dma source(%arg9 : memref<640xf32, #tpu.memory_space<vmem>>) target(%dma_start3A_354 : memref<640xf32, #tpu.memory_space<vmem_shared>>) target_semaphore(%run_scoped3A : memref<!tpu.dma_semaphore, #tpu.memory_space<semaphore_mem>>)
      %dma_wait3A = tpu.memref_slice %arg10[%mul3A_340] : memref<10240xf32, #tpu.memory_space<vmem_shared>> -> memref<640xf32, #tpu.memory_space<vmem_shared>>
      %dma_wait3A_355 = tpu.memref_slice %arg10[%mul3A_340] : memref<10240xf32, #tpu.memory_space<vmem_shared>> -> memref<640xf32, #tpu.memory_space<vmem_shared>>
      tpu.wait_dma2 semaphore(%run_scoped3A : memref<!tpu.dma_semaphore, #tpu.memory_space<semaphore_mem>>) src(%arg9 : memref<640xf32, #tpu.memory_space<vmem>>) dst(%dma_wait3A_355 : memref<640xf32, #tpu.memory_space<vmem_shared>>)
      tpu.yield
    }) : () -> ()
    %barrier3A = arith.constant 0 : index
    tpu.barrier barrier_id(%barrier3A)
    %scan3A = arith.constant 0 : i32
    %scan3A_341 = arith.constant 0 : i32
    %scan3A_342 = arith.constant 80 : i32
    %scan3A_343 = arith.addi %scan3A_341, %scan3A_342 : i32
    %scan3A_344 = arith.constant 1 : i32
    scf.for %scan3A_354 = %scan3A_341 to %scan3A_343 step %scan3A_344  : i32 {
      "tpu.region"() ({
        %run_scoped3A = tpu.sem_alloc : memref<!tpu.dma_semaphore, #tpu.memory_space<semaphore_mem>>
        %dma_start3A = arith.constant 0 : i32
        %dma_start3A_355 = tpu.memref_slice %arg6[%scan3A_354, %dma_start3A] : memref<80x128xi32, #tpu.memory_space<vmem>> -> memref<1x128xi32, #tpu.memory_space<vmem>>
        %dma_start3A_356 = tpu.memref_squeeze %dma_start3A_355 : memref<1x128xi32, #tpu.memory_space<vmem>> -> memref<128xi32, #tpu.memory_space<vmem>>
        %dma_start3A_357 = arith.constant 0 : i32
        %dma_start3A_358 = tpu.memref_slice %arg10[%dma_start3A_357] : memref<10240xf32, #tpu.memory_space<vmem_shared>> -> memref<10240xf32, #tpu.memory_space<vmem_shared>>
        tpu.enqueue_indirect_dma source(%arg7 : memref<128xf32, #tpu.memory_space<vmem>>) target(%dma_start3A_358 : memref<10240xf32, #tpu.memory_space<vmem_shared>>) offsets(%dma_start3A_356 : memref<128xi32, #tpu.memory_space<vmem>>) semaphore(%run_scoped3A : memref<!tpu.dma_semaphore, #tpu.memory_space<semaphore_mem>>) {add = true}
        %dma_wait3A = arith.constant 0 : i32
        %dma_wait3A_359 = tpu.memref_slice %arg6[%scan3A_354, %dma_wait3A] : memref<80x128xi32, #tpu.memory_space<vmem>> -> memref<1x128xi32, #tpu.memory_space<vmem>>
        %dma_wait3A_360 = tpu.memref_squeeze %dma_wait3A_359 : memref<1x128xi32, #tpu.memory_space<vmem>> -> memref<128xi32, #tpu.memory_space<vmem>>
        %dma_wait3A_361 = arith.constant 0 : i32
        %dma_wait3A_362 = tpu.memref_slice %arg10[%dma_wait3A_361] : memref<10240xf32, #tpu.memory_space<vmem_shared>> -> memref<10240xf32, #tpu.memory_space<vmem_shared>>
        tpu.wait_indirect_dma semaphore(%run_scoped3A : memref<!tpu.dma_semaphore, #tpu.memory_space<semaphore_mem>>) src(%arg7 : memref<128xf32, #tpu.memory_space<vmem>>) dst(%dma_wait3A_362 : memref<10240xf32, #tpu.memory_space<vmem_shared>>)
        tpu.yield
      }) : () -> ()
    }
    %scan3A_345 = arith.constant 80 : i32
    %barrier3A_346 = arith.constant 0 : index
    tpu.barrier barrier_id(%barrier3A_346)
    %mul3A_347 = arith.constant 640 : i32
    %mul3A_348 = arith.muli %arg1, %mul3A_347 : i32
    "tpu.region"() ({
      %run_scoped3A = tpu.sem_alloc : memref<!tpu.dma_semaphore, #tpu.memory_space<semaphore_mem>>
      %dma_start3A = tpu.memref_slice %arg10[%mul3A_348] : memref<10240xf32, #tpu.memory_space<vmem_shared>> -> memref<640xf32, #tpu.memory_space<vmem_shared>>
      %dma_start3A_354 = tpu.memref_slice %arg10[%mul3A_348] : memref<10240xf32, #tpu.memory_space<vmem_shared>> -> memref<640xf32, #tpu.memory_space<vmem_shared>>
      tpu.enqueue_dma source(%dma_start3A_354 : memref<640xf32, #tpu.memory_space<vmem_shared>>) target(%arg9 : memref<640xf32, #tpu.memory_space<vmem>>) target_semaphore(%run_scoped3A : memref<!tpu.dma_semaphore, #tpu.memory_space<semaphore_mem>>)
      %dma_wait3A = tpu.memref_slice %arg10[%mul3A_348] : memref<10240xf32, #tpu.memory_space<vmem_shared>> -> memref<640xf32, #tpu.memory_space<vmem_shared>>
      %dma_wait3A_355 = tpu.memref_slice %arg10[%mul3A_348] : memref<10240xf32, #tpu.memory_space<vmem_shared>> -> memref<640xf32, #tpu.memory_space<vmem_shared>>
      tpu.wait_dma2 semaphore(%run_scoped3A : memref<!tpu.dma_semaphore, #tpu.memory_space<semaphore_mem>>) src(%dma_wait3A_355 : memref<640xf32, #tpu.memory_space<vmem_shared>>) dst(%arg9 : memref<640xf32, #tpu.memory_space<vmem>>)
      tpu.yield
    }) : () -> ()
    %mul3A_349 = arith.constant 10240 : i32
    %mul3A_350 = arith.muli %arg0, %mul3A_349 : i32
    %mul3A_351 = arith.constant 640 : i32
    %mul3A_352 = arith.muli %arg1, %mul3A_351 : i32
    %add3A_353 = arith.addi %mul3A_350, %mul3A_352 : i32
    "tpu.region"() ({
      %run_scoped3A = tpu.sem_alloc : memref<!tpu.dma_semaphore, #tpu.memory_space<semaphore_mem>>
      %dma_start3A = tpu.memref_slice %arg4[%add3A_353] : memref<20480xf32, #tpu.memory_space<hbm>> -> memref<640xf32, #tpu.memory_space<hbm>>
      %dma_start3A_354 = tpu.memref_slice %arg4[%add3A_353] : memref<20480xf32, #tpu.memory_space<hbm>> -> memref<640xf32, #tpu.memory_space<hbm>>
      tpu.enqueue_dma source(%arg9 : memref<640xf32, #tpu.memory_space<vmem>>) target(%dma_start3A_354 : memref<640xf32, #tpu.memory_space<hbm>>) target_semaphore(%run_scoped3A : memref<!tpu.dma_semaphore, #tpu.memory_space<semaphore_mem>>)
      %dma_wait3A = tpu.memref_slice %arg4[%add3A_353] : memref<20480xf32, #tpu.memory_space<hbm>> -> memref<640xf32, #tpu.memory_space<hbm>>
      %dma_wait3A_355 = tpu.memref_slice %arg4[%add3A_353] : memref<20480xf32, #tpu.memory_space<hbm>> -> memref<640xf32, #tpu.memory_space<hbm>>
      tpu.wait_dma2 semaphore(%run_scoped3A : memref<!tpu.dma_semaphore, #tpu.memory_space<semaphore_mem>>) src(%arg9 : memref<640xf32, #tpu.memory_space<vmem>>) dst(%dma_wait3A_355 : memref<640xf32, #tpu.memory_space<hbm>>)
      tpu.yield
    }) : () -> ()
    return
  }
}

module attributes {stable_mosaic.version = 14 : i64} {
  func.func @body(%arg0: i32, %arg1: memref<1000x128xf32, #tpu.memory_space<vmem>>, %arg2: memref<128x128xf32, #tpu.memory_space<vmem>>, %arg3: memref<1000x2xf32, #tpu.memory_space<vmem>>, %arg4: memref<1000x128xf32, #tpu.memory_space<vmem>>, %arg5: memref<1000x1xf32, #tpu.memory_space<vmem>>) attributes {dimension_semantics = [#tpu.dimension_semantics<arbitrary>], iteration_bounds = array<i64: 10>, scalar_prefetch = 0 : i64, scratch_operands = 0 : i64, tpu.core_type = #tpu.core_type<tc>, window_params = [{transform_indices = @transform_0, window_bounds = array<i64: 1000, 128>}, {pipeline_mode = #tpu.pipeline_mode<synchronous>, transform_indices = @transform_1, window_bounds = array<i64: 128, 128>}, {transform_indices = @transform_2, window_bounds = array<i64: 1000, 2>}, {transform_indices = @transform_3, window_bounds = array<i64: 1000, 128>}, {transform_indices = @transform_4, window_bounds = array<i64: 1000, 1>}]} {
    %get3A = arith.constant 0 : index
    %get3A_0 = arith.constant 0 : index
    %get3A_1 = vector.load %arg3[%get3A, %get3A_0] : memref<1000x2xf32, #tpu.memory_space<vmem>>, vector<1000x2xf32>
    %slice3A = vector.extract_strided_slice %get3A_1 {offsets = [0, 0], sizes = [1000, 1], strides = [1, 1]} : vector<1000x2xf32> to vector<1000x1xf32>
    %slice3A_2 = vector.extract_strided_slice %get3A_1 {offsets = [0, 1], sizes = [1000, 1], strides = [1, 1]} : vector<1000x2xf32> to vector<1000x1xf32>
    %add3A = arith.addf %slice3A, %slice3A_2 : vector<1000x1xf32>
    %add3A_3 = arith.constant 1.000000e+00 : f32
    %add3A_4 = vector.broadcast %add3A_3 : f32 to vector<1000x1xf32>
    %add3A_5 = arith.addf %add3A, %add3A_4 : vector<1000x1xf32>
    %rsqrt3A = math.rsqrt %add3A_5 : vector<1000x1xf32>
    %get3A_6 = arith.constant 0 : index
    %get3A_7 = arith.constant 0 : index
    %get3A_8 = vector.load %arg1[%get3A_6, %get3A_7] : memref<1000x128xf32, #tpu.memory_space<vmem>>, vector<1000x128xf32>
    %get3A_9 = arith.constant 0 : index
    %get3A_10 = arith.constant 0 : index
    %get3A_11 = vector.load %arg2[%get3A_9, %get3A_10] : memref<128x128xf32, #tpu.memory_space<vmem>>, vector<128x128xf32>
    %dot_general3A = arith.constant dense<0.000000e+00> : vector<1000x128xf32>
    %dot_general3A_12 = tpu.matmul %get3A_8, %get3A_11, %dot_general3A {dimension_numbers = #tpu.dot_dimension_numbers<[1], [0], [0], [1], [0, 0, 1, 1], [], []>, transpose_lhs_hint = false} : vector<1000x128xf32>, vector<128x128xf32>, vector<1000x128xf32> -> vector<1000x128xf32>
    %mul3A = vector.broadcast %rsqrt3A : vector<1000x1xf32> to vector<1000x128xf32>
    %mul3A_13 = arith.mulf %dot_general3A_12, %mul3A : vector<1000x128xf32>
    %swap3A = arith.constant 0 : index
    %swap3A_14 = arith.constant 0 : index
    %swap3A_15 = vector.load %arg4[%swap3A, %swap3A_14] : memref<1000x128xf32, #tpu.memory_space<vmem>>, vector<1000x128xf32>
    tpu.vector_store %arg4[%swap3A, %swap3A_14], %mul3A_13 {strides = array<i32>} : memref<1000x128xf32, #tpu.memory_space<vmem>>, vector<1000x128xf32>,
    %swap3A_16 = arith.constant 0 : index
    %swap3A_17 = arith.constant 0 : index
    %swap3A_18 = vector.load %arg5[%swap3A_16, %swap3A_17] : memref<1000x1xf32, #tpu.memory_space<vmem>>, vector<1000x1xf32>
    tpu.vector_store %arg5[%swap3A_16, %swap3A_17], %rsqrt3A {strides = array<i32>} : memref<1000x1xf32, #tpu.memory_space<vmem>>, vector<1000x1xf32>,
    return
  }
  func.func @transform_0(%arg0: i32) -> (i32, i32) {
    %c0_i32 = arith.constant 0 : i32
    %c0_i32_0 = arith.constant 0 : i32
    return %arg0, %c0_i32 : i32, i32
  }
  func.func @transform_1(%arg0: i32) -> (i32, i32) {
    %c0_i32 = arith.constant 0 : i32
    %c0_i32_0 = arith.constant 0 : i32
    %c0_i32_1 = arith.constant 0 : i32
    return %c0_i32, %c0_i32_0 : i32, i32
  }
  func.func @transform_2(%arg0: i32) -> (i32, i32) {
    %c0_i32 = arith.constant 0 : i32
    %c0_i32_0 = arith.constant 0 : i32
    return %arg0, %c0_i32 : i32, i32
  }
  func.func @transform_3(%arg0: i32) -> (i32, i32) {
    %c0_i32 = arith.constant 0 : i32
    %c0_i32_0 = arith.constant 0 : i32
    return %arg0, %c0_i32 : i32, i32
  }
  func.func @transform_4(%arg0: i32) -> (i32, i32) {
    %c0_i32 = arith.constant 0 : i32
    %c0_i32_0 = arith.constant 0 : i32
    return %arg0, %c0_i32 : i32, i32
  }
}

module attributes {stable_mosaic.version = 14 : i64} {
  func.func @body(%arg0: i32, %arg1: memref<1x1000x128xf32, #tpu.memory_space<vmem>>, %arg2: memref<1x1000x128xf32, #tpu.memory_space<vmem>>, %arg3: memref<1000x128xf32, #tpu.memory_space<vmem>>, %arg4: memref<1000x1xf32, #tpu.memory_space<vmem>>, %arg5: memref<1x128xf32, #tpu.memory_space<vmem>>, %arg6: memref<128x128xf32, #tpu.memory_space<vmem>>, %arg7: memref<128x1xf32, #tpu.memory_space<vmem>>, %arg8: memref<1000x1xf32, #tpu.memory_space<vmem>>) attributes {dimension_semantics = [#tpu.dimension_semantics<arbitrary>], iteration_bounds = array<i64: 10>, scalar_prefetch = 0 : i64, scratch_operands = 0 : i64, tpu.core_type = #tpu.core_type<tc>, window_params = [{transform_indices = @transform_0, window_bounds = array<i64: 1, 1000, 128>}, {transform_indices = @transform_1, window_bounds = array<i64: 1, 1000, 128>}, {transform_indices = @transform_2, window_bounds = array<i64: 1000, 128>}, {transform_indices = @transform_3, window_bounds = array<i64: 1000, 1>}, {pipeline_mode = #tpu.pipeline_mode<synchronous>, transform_indices = @transform_4, window_bounds = array<i64: 1, 128>}, {pipeline_mode = #tpu.pipeline_mode<synchronous>, transform_indices = @transform_5, window_bounds = array<i64: 128, 128>}, {pipeline_mode = #tpu.pipeline_mode<synchronous>, transform_indices = @transform_6, window_bounds = array<i64: 128, 1>}, {transform_indices = @transform_7, window_bounds = array<i64: 1000, 1>}]} {
    %get3A = arith.constant 0 : index
    %get3A_0 = arith.constant 0 : index
    %get3A_1 = vector.load %arg4[%get3A, %get3A_0] : memref<1000x1xf32, #tpu.memory_space<vmem>>, vector<1000x1xf32>
    %get3A_2 = arith.constant 0 : index
    %get3A_3 = arith.constant 0 : index
    %get3A_4 = arith.constant 0 : index
    %get3A_5 = vector.load %arg1[%get3A_2, %get3A_3, %get3A_4] : memref<1x1000x128xf32, #tpu.memory_space<vmem>>, vector<1x1000x128xf32>
    %get3A_6 = vector.shape_cast %get3A_5 : vector<1x1000x128xf32> to vector<1000x128xf32>
    %get3A_7 = arith.constant 0 : index
    %get3A_8 = arith.constant 0 : index
    %get3A_9 = arith.constant 0 : index
    %get3A_10 = vector.load %arg2[%get3A_7, %get3A_8, %get3A_9] : memref<1x1000x128xf32, #tpu.memory_space<vmem>>, vector<1x1000x128xf32>
    %get3A_11 = vector.shape_cast %get3A_10 : vector<1x1000x128xf32> to vector<1000x128xf32>
    %add3A = arith.addf %get3A_6, %get3A_11 : vector<1000x128xf32>
    %get3A_12 = arith.constant 0 : index
    %get3A_13 = arith.constant 0 : index
    %get3A_14 = vector.load %arg3[%get3A_12, %get3A_13] : memref<1000x128xf32, #tpu.memory_space<vmem>>, vector<1000x128xf32>
    %add3A_15 = arith.addf %add3A, %get3A_14 : vector<1000x128xf32>
    %mul3A = vector.broadcast %get3A_1 : vector<1000x1xf32> to vector<1000x128xf32>
    %mul3A_16 = arith.mulf %add3A_15, %mul3A : vector<1000x128xf32>
    %get3A_17 = arith.constant 0 : index
    %get3A_18 = arith.constant 0 : index
    %get3A_19 = vector.load %arg5[%get3A_17, %get3A_18] : memref<1x128xf32, #tpu.memory_space<vmem>>, vector<1x128xf32>
    %add3A_20 = vector.broadcast %get3A_19 : vector<1x128xf32> to vector<1000x128xf32>
    %add3A_21 = arith.addf %mul3A_16, %add3A_20 : vector<1000x128xf32>
    %max3A = arith.constant 0.000000e+00 : f32
    %max3A_22 = vector.broadcast %max3A : f32 to vector<1000x128xf32>
    %max3A_23 = arith.maximumf %add3A_21, %max3A_22 : vector<1000x128xf32>
    %get3A_24 = arith.constant 0 : index
    %get3A_25 = arith.constant 0 : index
    %get3A_26 = vector.load %arg6[%get3A_24, %get3A_25] : memref<128x128xf32, #tpu.memory_space<vmem>>, vector<128x128xf32>
    %dot_general3A = arith.constant dense<0.000000e+00> : vector<1000x128xf32>
    %dot_general3A_27 = tpu.matmul %max3A_23, %get3A_26, %dot_general3A {dimension_numbers = #tpu.dot_dimension_numbers<[1], [0], [0], [1], [0, 0, 1, 1], [], []>, transpose_lhs_hint = false} : vector<1000x128xf32>, vector<128x128xf32>, vector<1000x128xf32> -> vector<1000x128xf32>
    %get3A_28 = arith.constant 0 : index
    %get3A_29 = arith.constant 0 : index
    %get3A_30 = vector.load %arg7[%get3A_28, %get3A_29] : memref<128x1xf32, #tpu.memory_space<vmem>>, vector<128x1xf32>
    %dot_general3A_31 = arith.constant dense<0.000000e+00> : vector<1000x1xf32>
    %dot_general3A_32 = tpu.matmul %dot_general3A_27, %get3A_30, %dot_general3A_31 {dimension_numbers = #tpu.dot_dimension_numbers<[1], [0], [0], [1], [0, 0, 1, 1], [], []>, transpose_lhs_hint = false} : vector<1000x128xf32>, vector<128x1xf32>, vector<1000x1xf32> -> vector<1000x1xf32>
    %mul3A_33 = arith.mulf %dot_general3A_32, %get3A_1 : vector<1000x1xf32>
    %swap3A = arith.constant 0 : index
    %swap3A_34 = arith.constant 0 : index
    %swap3A_35 = vector.load %arg8[%swap3A, %swap3A_34] : memref<1000x1xf32, #tpu.memory_space<vmem>>, vector<1000x1xf32>
    tpu.vector_store %arg8[%swap3A, %swap3A_34], %mul3A_33 {strides = array<i32>} : memref<1000x1xf32, #tpu.memory_space<vmem>>, vector<1000x1xf32>,
    return
  }
  func.func @transform_0(%arg0: i32) -> (i32, i32, i32) {
    %c0_i32 = arith.constant 0 : i32
    %c0_i32_0 = arith.constant 0 : i32
    %c0_i32_1 = arith.constant 0 : i32
    return %c0_i32, %arg0, %c0_i32_0 : i32, i32, i32
  }
  func.func @transform_1(%arg0: i32) -> (i32, i32, i32) {
    %c1_i32 = arith.constant 1 : i32
    %c0_i32 = arith.constant 0 : i32
    %c0_i32_0 = arith.constant 0 : i32
    return %c1_i32, %arg0, %c0_i32 : i32, i32, i32
  }
  func.func @transform_2(%arg0: i32) -> (i32, i32) {
    %c0_i32 = arith.constant 0 : i32
    %c0_i32_0 = arith.constant 0 : i32
    return %arg0, %c0_i32 : i32, i32
  }
  func.func @transform_3(%arg0: i32) -> (i32, i32) {
    %c0_i32 = arith.constant 0 : i32
    %c0_i32_0 = arith.constant 0 : i32
    return %arg0, %c0_i32 : i32, i32
  }
  func.func @transform_4(%arg0: i32) -> (i32, i32) {
    %c0_i32 = arith.constant 0 : i32
    %c0_i32_0 = arith.constant 0 : i32
    %c0_i32_1 = arith.constant 0 : i32
    return %c0_i32, %c0_i32_0 : i32, i32
  }
  func.func @transform_5(%arg0: i32) -> (i32, i32) {
    %c0_i32 = arith.constant 0 : i32
    %c0_i32_0 = arith.constant 0 : i32
    %c0_i32_1 = arith.constant 0 : i32
    return %c0_i32, %c0_i32_0 : i32, i32
  }
  func.func @transform_6(%arg0: i32) -> (i32, i32) {
    %c0_i32 = arith.constant 0 : i32
    %c0_i32_0 = arith.constant 0 : i32
    %c0_i32_1 = arith.constant 0 : i32
    return %c0_i32, %c0_i32_0 : i32, i32
  }
  func.func @transform_7(%arg0: i32) -> (i32, i32) {
    %c0_i32 = arith.constant 0 : i32
    %c0_i32_0 = arith.constant 0 : i32
    return %arg0, %c0_i32 : i32, i32
  }
}

module attributes {stable_mosaic.version = 14 : i64} {
  func.func @body(%arg0: i32, %arg1: memref<1000x2xf32, #tpu.memory_space<vmem>>, %arg2: memref<1000x1xf32, #tpu.memory_space<vmem>>, %arg3: memref<1000x1xf32, #tpu.memory_space<vmem>>, %arg4: memref<1x128xf32, #tpu.memory_space<vmem>>, %arg5: memref<128x1xf32, #tpu.memory_space<vmem>>, %arg6: memref<1x1xf32, #tpu.memory_space<vmem>>, %arg7: memref<1000x1xf32, #tpu.memory_space<vmem>>) attributes {dimension_semantics = [#tpu.dimension_semantics<arbitrary>], iteration_bounds = array<i64: 10>, scalar_prefetch = 0 : i64, scratch_operands = 0 : i64, tpu.core_type = #tpu.core_type<tc>, window_params = [{transform_indices = @transform_0, window_bounds = array<i64: 1000, 2>}, {transform_indices = @transform_1, window_bounds = array<i64: 1000, 1>}, {transform_indices = @transform_2, window_bounds = array<i64: 1000, 1>}, {pipeline_mode = #tpu.pipeline_mode<synchronous>, transform_indices = @transform_3, window_bounds = array<i64: 1, 128>}, {pipeline_mode = #tpu.pipeline_mode<synchronous>, transform_indices = @transform_4, window_bounds = array<i64: 128, 1>}, {pipeline_mode = #tpu.pipeline_mode<synchronous>, transform_indices = @transform_5, window_bounds = array<i64: 1, 1>}, {transform_indices = @transform_6, window_bounds = array<i64: 1000, 1>}]} {
    %get3A = arith.constant 0 : index
    %get3A_0 = arith.constant 0 : index
    %get3A_1 = vector.load %arg1[%get3A, %get3A_0] : memref<1000x2xf32, #tpu.memory_space<vmem>>, vector<1000x2xf32>
    %get3A_2 = arith.constant 0 : index
    %get3A_3 = arith.constant 0 : index
    %get3A_4 = vector.load %arg4[%get3A_2, %get3A_3] : memref<1x128xf32, #tpu.memory_space<vmem>>, vector<1x128xf32>
    %get3A_5 = arith.constant 0 : index
    %get3A_6 = arith.constant 0 : index
    %get3A_7 = vector.load %arg5[%get3A_5, %get3A_6] : memref<128x1xf32, #tpu.memory_space<vmem>>, vector<128x1xf32>
    %dot_general3A = arith.constant dense<0.000000e+00> : vector<1x1xf32>
    %dot_general3A_8 = tpu.matmul %get3A_4, %get3A_7, %dot_general3A {dimension_numbers = #tpu.dot_dimension_numbers<[1], [0], [0], [1], [0, 0, 1, 1], [], []>, transpose_lhs_hint = false} : vector<1x128xf32>, vector<128x1xf32>, vector<1x1xf32> -> vector<1x1xf32>
    %slice3A = vector.extract_strided_slice %get3A_1 {offsets = [0, 0], sizes = [1000, 1], strides = [1, 1]} : vector<1000x2xf32> to vector<1000x1xf32>
    %slice3A_9 = vector.extract_strided_slice %get3A_1 {offsets = [0, 1], sizes = [1000, 1], strides = [1, 1]} : vector<1000x2xf32> to vector<1000x1xf32>
    %add3A = arith.addf %slice3A, %slice3A_9 : vector<1000x1xf32>
    %get3A_10 = arith.constant 0 : index
    %get3A_11 = arith.constant 0 : index
    %get3A_12 = vector.load %arg2[%get3A_10, %get3A_11] : memref<1000x1xf32, #tpu.memory_space<vmem>>, vector<1000x1xf32>
    %add3A_13 = arith.addf %add3A, %get3A_12 : vector<1000x1xf32>
    %get3A_14 = arith.constant 0 : index
    %get3A_15 = arith.constant 0 : index
    %get3A_16 = vector.load %arg3[%get3A_14, %get3A_15] : memref<1000x1xf32, #tpu.memory_space<vmem>>, vector<1000x1xf32>
    %mul3A = arith.mulf %add3A_13, %get3A_16 : vector<1000x1xf32>
    %add3A_17 = vector.broadcast %dot_general3A_8 : vector<1x1xf32> to vector<1000x1xf32>
    %add3A_18 = arith.addf %mul3A, %add3A_17 : vector<1000x1xf32>
    %get3A_19 = arith.constant 0 : index
    %get3A_20 = arith.constant 0 : index
    %get3A_21 = vector.load %arg6[%get3A_19, %get3A_20] : memref<1x1xf32, #tpu.memory_space<vmem>>, vector<1x1xf32>
    %add3A_22 = vector.broadcast %get3A_21 : vector<1x1xf32> to vector<1000x1xf32>
    %add3A_23 = arith.addf %add3A_18, %add3A_22 : vector<1000x1xf32>
    %swap3A = arith.constant 0 : index
    %swap3A_24 = arith.constant 0 : index
    %swap3A_25 = vector.load %arg7[%swap3A, %swap3A_24] : memref<1000x1xf32, #tpu.memory_space<vmem>>, vector<1000x1xf32>
    tpu.vector_store %arg7[%swap3A, %swap3A_24], %add3A_23 {strides = array<i32>} : memref<1000x1xf32, #tpu.memory_space<vmem>>, vector<1000x1xf32>,
    return
  }
  func.func @transform_0(%arg0: i32) -> (i32, i32) {
    %c0_i32 = arith.constant 0 : i32
    %c0_i32_0 = arith.constant 0 : i32
    return %arg0, %c0_i32 : i32, i32
  }
  func.func @transform_1(%arg0: i32) -> (i32, i32) {
    %c0_i32 = arith.constant 0 : i32
    %c0_i32_0 = arith.constant 0 : i32
    return %arg0, %c0_i32 : i32, i32
  }
  func.func @transform_2(%arg0: i32) -> (i32, i32) {
    %c0_i32 = arith.constant 0 : i32
    %c0_i32_0 = arith.constant 0 : i32
    return %arg0, %c0_i32 : i32, i32
  }
  func.func @transform_3(%arg0: i32) -> (i32, i32) {
    %c0_i32 = arith.constant 0 : i32
    %c0_i32_0 = arith.constant 0 : i32
    %c0_i32_1 = arith.constant 0 : i32
    return %c0_i32, %c0_i32_0 : i32, i32
  }
  func.func @transform_4(%arg0: i32) -> (i32, i32) {
    %c0_i32 = arith.constant 0 : i32
    %c0_i32_0 = arith.constant 0 : i32
    %c0_i32_1 = arith.constant 0 : i32
    return %c0_i32, %c0_i32_0 : i32, i32
  }
  func.func @transform_5(%arg0: i32) -> (i32, i32) {
    %c0_i32 = arith.constant 0 : i32
    %c0_i32_0 = arith.constant 0 : i32
    %c0_i32_1 = arith.constant 0 : i32
    return %c0_i32, %c0_i32_0 : i32, i32
  }
  func.func @transform_6(%arg0: i32) -> (i32, i32) {
    %c0_i32 = arith.constant 0 : i32
    %c0_i32_0 = arith.constant 0 : i32
    return %arg0, %c0_i32 : i32, i32
  }
}

</mosaic_0001>

<sc_bundles>
// kernel: kernel.11.cloned.1.call-start
scs
__scs_entry_jumppad:
0x0: {  	(pc) =	sbr.rel $0x88, $3  }
0x1: {  	(tag) =	ssettag $0x0;
	lr =	simm.s32 $0x1  }
0x2: {  	[smem:$0x3F99] =	sst lr;
	_ =	strace $0xD0000000  }
0x3: {  	_ = 	snop  }
0x4: {  	_ = 	snop  }
0x5: {  	_ = 	snop  }
0x6: {  	_ = 	snop  }
0x7: {  	_ = 	snop  }
__scs_overlays_trampoline_lowered:
0x8: {  	[smem:$0x3FA8] =	sst s0  }
0x9: {  	[smem:$0x3FA9] =	sst s1  }
0xa: {  	[smem:$0x3FAA] =	sst s2  }
0xb: {  	[smem:$0x3FAB] =	sst s3  }
0xc: {  	[smem:$0x3FAC] =	sst s4  }
0xd: {  	[smem:$0x3FAD] =	sst s5  }
0xe: {  	[smem:$0x3FAE] =	sst s6  }
0xf: {  	[smem:$0x3FAF] =	sst s7  }
0x10: {  	[smem:$0x3FB0] =	sst s8  }
0x11: {  	[smem:$0x3FB1] =	sst s9;
	s0 =	simm.s32 @!p0 $0x0  }
0x12: {  	s1 =	sld [smem:$0x3F97];
	s0 =	simm.s32 @p0 $0x1  }
0x13: {  	[smem:$0x3FB2] =	sst s0;
	s0 =	simm.s32 @!p1 $0x0  }
0x14: {  	s2 =	sld [smem:$0x3F96];
	s0 =	simm.s32 @p1 $0x1  }
0x15: {  	[smem:$0x3FB3] =	sst s0;
	s0 =	simm.s32 @!p2 $0x0  }
0x16: {  	s3 =	sld [smem:$0x3FDB];
	s0 =	simm.s32 @p2 $0x1  }
0x17: {  	s4 =	simm.s32 $0x1BF5;
	[smem:$0x3FB5] =	sst s0  }
0x18: {  	s0 =	sld [smem:$0x3F98];
	_ =	swait.ge [sflag:s4], $0x0  }
0x19: {  	s7 =	sld [smem:$0x3F99]  }
0x1a: {  	s8 =	sadd.s32 $0xFFFFE003, lr  }
0x1b: {  	s9 =	sadd.s32 $0xFFFFFEF7, lr;
	s5 =	simm.s32 $0xFFFFFFFF;
	p2 =	slt.u32 s8, $0xFFFFF086  }
0x1c: {  	p1 =	slt.u32 s9, $0xF7A;
	s5 =	simm.s32 @!p2 $0x0  }
0x1d: {  	s5 =	simm.s32 @p1 $0x1;
	p0 =	seq.s32 s7, s2  }
0x1e: {  	s7 =	smul.u32 @!p0 $0xF7A, s2;
	p2 =	seq.s32 @!p0 s5, $0x0  }
0x1f: {  	s9 =	smul.u32 $0xF7A, s1;
	s8 =	simm.s32 @!p0 $0x1BF5;
	p2 =	por !p2, p0  }
0x20: {  	[sflag:s8] =	ssyncset.s32 @!p0 $0xFFFFF086;
	s6 =	sadd.s32 @!p0 s3, s7;
	s7 =	simm.s32 @!p0 $0x108  }
0x21: {  	s3 =	sadd.s32 s3, s9;
	s6 =	sadd.s32 @!p0 $0x88, s6;
	s7 =	simm.s32 @p2 $0x1082  }
0x22: {  	[simem:s7], [sflag:s8] =	dma.local @!p0 [hbm:s6], $0xF7A  }
0x23: {  	s9 =	sor.u32 $0xD0000000, s2;
	s6 =	simm.s32 $0x108;
	_ =	swait.ge @!p0 [sflag:s8], $0x0  }
0x24: {  	s3 =	sadd.s32 $0x88, s3;
	s6 =	simm.s32 @!p1 $0x1082;
	[sflag:s4] =	ssyncset.s32 $0xFFFFF086  }
0x25: {  	[simem:s6], [sflag:s4] =	dma.local [hbm:s3], $0xF7A  }
0x26: {  	[smem:$0x3F99] =	sst s1;
	(tag) =	ssettag s2;
	_ =	strace s9  }
0x27: {  	s1 =	sld [smem:$0x3FA9]  }
0x28: {  	s2 =	sld [smem:$0x3FAA]  }
0x29: {  	s4 =	sld [smem:$0x3FAC]  }
0x2a: {  	p0 =	seq.s32 s5, $0x0;
	s5 =	sld [smem:$0x3FAD]  }
0x2b: {  	s6 =	sld [smem:$0x3FAE]  }
0x2c: {  	s7 =	sld [smem:$0x3FAF]  }
0x2d: {  	s3 =	simm.s32 $0x108;
	s8 =	sld [smem:$0x3FB0]  }
0x2e: {  	s3 =	simm.s32 @!p0 $0x1082;
	s9 =	sld [smem:$0x3FB1]  }
0x2f: {  	lr =	sadd.s32 s0, s3;
	s0 =	sld [smem:$0x3FA8]  }
0x30: {  	s3 =	sld [smem:$0x3FAB]  }
0x31: {  	[smem:$0x3FB4] =	sst s10  }
0x32: {  	s10 =	sld [smem:$0x3FB2];
	_ =	sdelay $0x3  }
0x33: {  	p0 =	seq.s32 s10, $0x1;
	s10 =	sld [smem:$0x3FB4];
	_ =	sdelay $0x3  }
0x34: {  	[smem:$0x3FB4] =	sst s10  }
0x35: {  	s10 =	sld [smem:$0x3FB3];
	_ =	sdelay $0x3  }
0x36: {  	p1 =	seq.s32 s10, $0x1;
	s10 =	sld [smem:$0x3FB4];
	_ =	sdelay $0x3  }
0x37: {  	[smem:$0x3FB4] =	sst s10  }
0x38: {  	s10 =	sld [smem:$0x3FB5]  }
0x39: {  	_ = 	snop;
	(pc) =	sbr.ind lr, $3  }
0x3a: {  	_ = 	snop  }
0x3b: {  	_ = 	snop  }
0x3c: {  	p2 =	seq.s32 s10, $0x1;
	s10 =	sld [smem:$0x3FB4]  }
0x3d: {  	_ =	shalt  }
0x3e: {  	_ =	shalt  }
0x3f: {  	_ =	shalt  }
0x40: {  	_ =	shalt  }
0x41: {  	_ =	shalt  }
0x42: {  	_ =	shalt  }
0x43: {  	_ =	shalt  }
0x44: {  	_ =	shalt  }
0x45: {  	_ =	shalt  }
0x46: {  	_ =	shalt  }
0x47: {  	_ =	shalt  }
0x48: {  	_ =	shalt  }
0x49: {  	_ =	shalt  }
0x4a: {  	_ =	shalt  }
0x4b: {  	_ =	shalt  }
0x4c: {  	_ =	shalt  }
0x4d: {  	_ =	shalt  }
0x4e: {  	_ =	shalt  }
0x4f: {  	_ =	shalt  }
0x50: {  	_ =	shalt  }
0x51: {  	_ =	shalt  }
0x52: {  	_ =	shalt  }
0x53: {  	_ =	shalt  }
0x54: {  	_ =	shalt  }
0x55: {  	_ =	shalt  }
0x56: {  	_ =	shalt  }
0x57: {  	_ =	shalt  }
0x58: {  	_ =	shalt  }
0x59: {  	_ =	shalt  }
0x5a: {  	_ =	shalt  }
0x5b: {  	_ =	shalt  }
0x5c: {  	_ =	shalt  }
0x5d: {  	_ =	shalt  }
0x5e: {  	_ =	shalt  }
0x5f: {  	_ =	shalt  }
0x60: {  	_ =	shalt  }
0x61: {  	_ =	shalt  }
0x62: {  	_ =	shalt  }
0x63: {  	_ =	shalt  }
0x64: {  	_ =	shalt  }
0x65: {  	_ =	shalt  }
0x66: {  	_ =	shalt  }
0x67: {  	_ =	shalt  }
0x68: {  	_ =	shalt  }
0x69: {  	_ =	shalt  }
0x6a: {  	_ =	shalt  }
0x6b: {  	_ =	shalt  }
0x6c: {  	_ =	shalt  }
0x6d: {  	_ =	shalt  }
0x6e: {  	_ =	shalt  }
0x6f: {  	_ =	shalt  }
0x70: {  	_ =	shalt  }
0x71: {  	_ =	shalt  }
0x72: {  	_ =	shalt  }
0x73: {  	_ =	shalt  }
0x74: {  	_ =	shalt  }
0x75: {  	_ =	shalt  }
0x76: {  	_ =	shalt  }
0x77: {  	_ =	shalt  }
0x78: {  	_ =	shalt  }
0x79: {  	_ =	shalt  }
0x7a: {  	_ =	shalt  }
0x7b: {  	_ =	shalt  }
0x7c: {  	_ =	shalt  }
0x7d: {  	_ =	shalt  }
0x7e: {  	_ =	shalt  }
0x7f: {  	_ =	shalt  }
0x80: {  	_ =	shalt  }
0x81: {  	_ =	shalt  }
0x82: {  	_ =	shalt  }
0x83: {  	_ =	shalt  }
0x84: {  	_ =	shalt  }
0x85: {  	_ =	shalt  }
0x86: {  	_ =	shalt  }
0x87: {  	_ =	shalt  }
.Lfunc_end0:
.L_simem_size_0:
called_computation.1_lowered:
.L_overlay_start_0:
0x88: {  	s2 =	sld [smem:$0x3FD9]  }
0x89: {  	s3 =	sld [smem:$0x3FFE];
	_ =	sdelay $0x1  }
0x8a: {  	s1 =	srdreg.scid  }
0x8b: {  	s0 =	sand.u32 $0x1, s1  }
0x8c: {  	s16 =	sshll.u32 s0, $0xA;
	s2 =	sadd.s32 s3, s2  }
0x8d: {  	s2 =	sadd.s32 s2, s16  }
0x8e: {  	[smem:$0x3FC0] =	sst s2  }
0x8f: {  	_ = 	snop  }
0x90: {  	(tm) =	ssettm $0x1  }
0x91: {  	s17 =	sld [smem:$0x3FFB];
	_ =	sdelay $0x3  }
0x92: {  	_ =	strace s17  }
0x93: {  	s2 =	sld [smem:$0x3FFC];
	_ =	sdelay $0x3  }
0x94: {  	_ =	strace s2  }
0x95: {  	s2 =	sld [smem:$0x3FFD];
	_ =	sdelay $0x3  }
0x96: {  	_ =	strace s2  }
0x97: {  	_ =	strace $0x8FFFFFFF  }
0x98: {  	s18 =	sld [smem:$0x3FDB];
	_ =	sdelay $0x1  }
0x99: {  	s19 =	simm.s32 $_scs_section_size  }
0x9a: {  	s4 =	simm.s32 $_size__tile_overlayer_lowered;
	s5 =	simm.s32 $_tile_overlayer_lowered  }
0x9b: {  	s22 =	simm.s32 $0x1BFF;
	s21 =	sshll.u32 s5, $0x1;
	s2 =	sadd.s32 s19, s18  }
0x9c: {  	s6 =	simm.s32 $0x0;
	s20 =	sshll.u32 s4, $0x1;
	s4 =	sadd.s32 s21, s2  }
0x9d: {  	[timem:s6], [sflag:s22] =	dma.local [hbm:s4], s20  }
0x9e: {  	_ =	swait.ge [sflag:s22], s20  }
0x9f: {  	s3 =	ssub.s32 $0x0, s20;
	[sflag:s22] =	ssyncset.done $0x0  }
0xa0: {  	[sflag:s22] =	ssyncadd.s32 s3;
	_ =	sdelay $0x1  }
0xa1: {  	s23 =	simm.s32 $0x1B8B  }
0xa2: {  	_ =	swait.ge [sflag:s23], $0x1  }
0xa3: {  	[sflag:s23] =	ssyncset.done $0x0  }
0xa4: {  	s25 =	simm.s32 $0x1B8E;
	s24 =	sld [smem:$0x3FFE];
	[sflag:s23] =	ssyncadd.s32 $0xFFFFFFFF  }
0xa5: {  	s26 =	simm.s32 $execute0_lowered;
	[smem:$0x3FD2] =	sst s25  }
0xa6: {  	s4 =	sshll.u32 s26, $0x1;
	_ =	strace $0x80000049;
	[dreg:$0x1] =	wrdreg $0xFFFFFFFF  }
0xa7: {  	s28 =	simm.s32 $_size_execute0_lowered;
	s2 =	sadd.s32 s2, s4;
	[dreg:$0x0] =	wrdreg $0x0  }
0xa8: {  	s4 =	sshll.u32 s28, $0x1;
	[dreg:$0x2] =	wrdreg s2  }
0xa9: {  	[dreg:$0x3] =	wrdreg s4  }
0xaa: {  	[dreg:$0x4] =	wrdreg $0xC0  }
0xab: {  	_ =	task [dreg:s6], $0x5FFFF  }
0xac: {  	[dreg:$0x1] =	wrdreg $0xFFFFFFFF  }
0xad: {  	[dreg:$0x0] =	wrdreg $0x60  }
0xae: {  	[dreg:$0x2] =	wrdreg s24  }
0xaf: {  	[dreg:$0x3] =	wrdreg $0xA8000  }
0xb0: {  	[dreg:$0x4] =	wrdreg $0x9  }
0xb1: {  	_ =	task.clear_ibuf [dreg:s6], $0x5FFFF;
	_ =	strace $0x90000049  }
0xb2: {  	s29 =	simm.s32 $0x9;
	_ =	strace $0x8000004B  }
0xb3: {  	_ =	swait.ge [sflag:s29], $0x1  }
0xb4: {  	[sflag:s29] =	ssyncadd.s32 $0xFFFFFFFF  }
0xb5: {  	_ =	strace $0x9000004B  }
0xb6: {  	_ =	sfence  }
0xb7: {  	s30 =	sld [smem:$0x0];
	_ =	sdelay $0x2  }
0xb8: {  	s31 =	sshll.u32 s1, $0xD;
	s1 =	sshrl.u32 s1, $0x2  }
0xb9: {  	s3 =	sand.u32 $0x4000, s31;
	s1 =	sadd.s32 s1, s30  }
0xba: {  	s0 =	sor.u32 s3, s0;
	s1 =	sshll.u32 s1, $0x11  }
0xbb: {  	s0 =	sor.u32 s1, s0  }
0xbc: {  	s0 =	sadd.s32 $0x8F2B, s0  }
0xbd: {  	[sflag:s0] =	ssyncadd.remote.s32 $0x1  }
0xbe: {  	_ =	sfence.sel $0xFFFF  }
0xbf: {  	[dreg:$0x0] =	wrdreg $0xFFFFFFFF;
	(pc) =	sbr.abs _section_cstart, $3  }
0xc0: {  	[dreg:$0x1] =	wrdreg $0xFFFFFFFF  }
0xc1: {  	_ =	task.clear_ibuf [dreg:s6], $0x2FFFF;
	_ =	strace $0x9FFFFFFF  }
0xc2: {  	(tm) =	ssettm $0x7FFFFFFF  }
0xc3: {  	_ =	shalt  }
tec
execute0_lowered:
.L_overlay_start_1:
0x0: {  	(tag) =	ssettag $0x1  }
0x1: {  	s0 =	rddreg [dreg:$0x0]  }
0x2: {  	s1 =	rddreg [dreg:$0x1];
	s2 =	simm.s32 $0x0  }
0x3: {  	s5 =	srdreg.scid;
	s9 =	stileid.u32;
	s28 =	simm.s32 $0x1380  }
0x4: {  	s29 =	simm.s32 $0x2700;
	s30 =	simm.s32 $0x2780;
	s31 =	simm.s32 $0x0  }
0x5: {  	[smem:$0x7FF] =	sst s2;
	s4 =	sadd.s32 $0x15E00, s0;
	s3 =	sadd.s32 $0xBE00, s0  }
0x6: {  	s13 =	sadd.s32 $0x1E00, s0;
	s10 =	sand.u32 $0x1, s5;
	s6 =	smul.u32 $0x4F000, s9  }
0x7: {  	s0 =	sadd.s32 $0x3D000, s0;
	s8 =	sshll.u32 s9, $0x1;
	s12 =	smul.u32 $0x13C00, s9  }
0x8: {  	_ =	strace $0x8000004A;
	s5 =	ssub.s32 $0x2, s10;
	s8 =	sor.u32 s10, s8  }
0x9: {  	s20 =	smul.u32 $0x13C000, s10;
	s7 =	sshrl.u32 s5, $0x1;
	s25 =	sshrl.u32 s6, $0x2  }
0xa: {  	s14 =	sadd.s32 $0x4000, s12;
	s16 =	sadd.s32 $0x8000, s12;
	s11 =	smul.u32 $0x500, s8  }
0xb: {  	s17 =	sadd.s32 $0xC000, s12;
	s18 =	sadd.s32 $0x10000, s12;
	s15 =	smul.u32 $0x2800, s8  }
0xc: {  	s19 =	ssub.s32 s5, s7;
	s5 =	sadd.s32 s25, s1;
	s6 =	sadd.s32 s14, s1  }
0xd: {  	s7 =	sadd.s32 s16, s1;
	s8 =	sadd.s32 s17, s1;
	s9 =	sadd.s32 s18, s1  }
0xe: {  	s21 =	sadd.s32 s12, s20;
	s14 =	sadd.s32 s20, s14;
	s23 =	sadd.s32 s20, s16  }
0xf: {  	s24 =	sadd.s32 s20, s17;
	s25 =	sadd.s32 s20, s18;
	s26 =	sadd.s32 s3, s11  }
0x10: {  	s11 =	sadd.s32 s13, s11;
	s15 =	sshrl.u32 s15, $0x3;
	s21 =	sshrl.u32 s21, $0x3  }
0x11: {  	s22 =	sshrl.u32 s14, $0x3;
	s20 =	sshrl.u32 s25, $0x3;
	s19 =	smax.u32 s19, $0x1  }
0x12: {  	s25 =	simm.s32 $0x6800;
	[dreg:$0x3] =	wrdreg s26;
	s15 =	sadd.s32 $0x280, s15  }
0x13: {  	s14 =	sadd.s32 s0, s21;
	s26 =	sshrl.u32 s24, $0x3;
	s18 =	sadd.s32 s0, s20  }
0x14: {  	s20 =	simm.s32 $0x2800;
	s21 =	simm.s32 $0x3;
	s24 =	simm.s32 $0x1  }
0x15: {  	s12 =	sadd.s32 s3, s15;
	s13 =	sadd.s32 s13, s15;
	s15 =	sadd.s32 s0, s22  }
0x16: {  	s3 =	sshrl.u32 s23, $0x3;
	s17 =	sadd.s32 s0, s26;
	s22 =	simm.s32 $0x1400  }
0x17: {  	v0 =	vimm.f32 $0.0e+00;
	s23 =	simm.s32 $0x80;
	s26 =	simm.s32 $0x2;
	s16 =	sadd.s32 s0, s3  }
.LBB2_1:
0x18: {  	s0 =	simm.s32 $0x0;
	s3 =	simm.s32 $0x200  }
.LBB2_2:
0x19: {  	p0 =	sne.s32 s3, $0xFE00;
	[tilespmem:s0+$0x2870] =	vst v0  }
0x1a: {  	[tilespmem:s0+$0x2800] =	vst v0  }
0x1b: {  	[tilespmem:s0+$0x2810] =	vst v0  }
.Ltmp0:
0x1c: {  	[tilespmem:s0+$0x2820] =	vst v0;
	(pc) =	sbr.rel @p0 .LBB2_2-.Ltmp0, $4  }
0x1d: {  	[tilespmem:s0+$0x2830] =	vst v0  }
0x1e: {  	[tilespmem:s0+$0x2840] =	vst v0  }
0x1f: {  	[tilespmem:s0+$0x2850] =	vst v0  }
0x20: {  	[tilespmem:s0+$0x2860] =	vst v0;
	s0 =	sshra.s32 s3, $0x2;
	s3 =	sadd.s32 $0x200, s3  }
0x21: {  	[tilespmem:s0+$0x2870] =	vst v0  }
0x22: {  	[tilespmem:s0+$0x2800] =	vst v0  }
0x23: {  	[tilespmem:s0+$0x2810] =	vst v0  }
0x24: {  	[tilespmem:s0+$0x2820] =	vst v0  }
0x25: {  	[tilespmem:s0+$0x2830] =	vst v0  }
0x26: {  	[tilespmem:s0+$0x2840] =	vst v0  }
0x27: {  	[tilespmem:s0+$0x2850] =	vst v0  }
0x28: {  	[tilespmem:s0+$0x2860] =	vst v0  }
0x29: {  	[spmem:s5] =	stream.linear.scatter [tilespmem:s20], [sflag:$0x3], $0x4000, $0x38;
	[tilespmem:$0x1E400] =	vst v63  }
0x2a: {  	_ =	swait.ge [sflag:s21], $0x4000  }
0x2b: {  	[sflag:s21] =	ssyncset.done $0x0  }
0x2c: {  	[sflag:s21] =	ssyncadd.s32 $0xFFFFC000  }
0x2d: {  	[spmem:s6] =	stream.linear.scatter [tilespmem:s20], [sflag:$0x3], $0x4000, $0x38;
	[tilespmem:$0x1E400] =	vst v63  }
0x2e: {  	_ =	swait.ge [sflag:s21], $0x4000  }
0x2f: {  	[sflag:s21] =	ssyncset.done $0x0  }
0x30: {  	[sflag:s21] =	ssyncadd.s32 $0xFFFFC000  }
0x31: {  	[spmem:s7] =	stream.linear.scatter [tilespmem:s20], [sflag:$0x3], $0x4000, $0x38;
	[tilespmem:$0x1E400] =	vst v63  }
0x32: {  	_ =	swait.ge [sflag:s21], $0x4000  }
0x33: {  	[sflag:s21] =	ssyncset.done $0x0  }
0x34: {  	[sflag:s21] =	ssyncadd.s32 $0xFFFFC000  }
0x35: {  	[spmem:s8] =	stream.linear.scatter [tilespmem:s20], [sflag:$0x3], $0x4000, $0x38;
	[tilespmem:$0x1E400] =	vst v63  }
0x36: {  	_ =	swait.ge [sflag:s21], $0x4000  }
0x37: {  	[sflag:s21] =	ssyncset.done $0x0  }
0x38: {  	[sflag:s21] =	ssyncadd.s32 $0xFFFFC000  }
0x39: {  	[spmem:s9] =	stream.linear.scatter [tilespmem:s20], [sflag:$0x3], $0x3C00, $0x38;
	[tilespmem:$0x1E400] =	vst v63  }
0x3a: {  	_ =	swait.ge [sflag:s21], $0x3C00  }
0x3b: {  	[sflag:s21] =	ssyncset.done $0x0  }
0x3c: {  	[sflag:s21] =	ssyncadd.s32 $0xFFFFC400  }
0x3d: {  	[bflag:$0x0] =	sbarrier.arrive $0xFFFF  }
0x3e: {  	s10 =	simm.s32 $0x0;
	s3 =	rddreg [dreg:$0x3]  }
0x3f: {  	[tilespmem:s10], [sflag:$0x3] =	stream.linear.gather [hbm4b:s3+s10], $0x1400, $0x38;
	[tilespmem:$0x1E400] =	vst v63  }
0x40: {  	_ =	swait.ge [sflag:s21], $0x1400  }
0x41: {  	[sflag:s21] =	ssyncset.done $0x0  }
0x42: {  	[sflag:s21] =	ssyncadd.s32 $0xFFFFEC00  }
0x43: {  	[tilespmem:s22], [sflag:$0x3] =	stream.linear.gather [hbm4b:s11+s10], $0x1400, $0x38;
	[tilespmem:$0x1E400] =	vst v63  }
0x44: {  	_ =	swait.ge [sflag:s21], $0x1400  }
0x45: {  	[sflag:s21] =	ssyncset.done $0x0  }
0x46: {  	[sflag:s21] =	ssyncadd.s32 $0xFFFFEC00  }
0x47: {  	[tilespmem:s20], [sflag:$0x1] =	stream.indirect.gather [hbm4b:s4+s23], $0x80, s10, s23, $0xb8;
	[tilespmem:$0x1E400] =	vst v63  }
0x48: {  	_ =	swait.ge [sflag:s24], $0x4000  }
0x49: {  	[sflag:s24] =	ssyncset.done $0x0  }
0x4a: {  	s3 =	simm.s32 $0x80;
	[sflag:s24] =	ssyncadd.s32 $0xFFFFC000  }
0x4b: {  	[tilespmem:s25], [sflag:$0x2] =	stream.indirect.gather [hbm4b:s4+s23], $0x80, s3, s23, $0xb8;
	[tilespmem:$0x1E400] =	vst v63  }
0x4c: {  	s10 =	simm.s32 $0x1400  }
0x4d: {  	[spmem:s1] =	stream.indirect.scatter.add.f32 [tilespmem:s20], [sflag:$0x3], $0x80, s10, s23, $0xb8;
	[tilespmem:$0x1E400] =	vst v63  }
0x4e: {  	_ =	swait.ge [sflag:s21], $0x4000  }
0x4f: {  	[sflag:s21] =	ssyncset.done $0x0  }
0x50: {  	[sflag:s21] =	ssyncadd.s32 $0xFFFFC000  }
0x51: {  	_ =	swait.ge [sflag:s26], $0x4000  }
0x52: {  	[sflag:s26] =	ssyncset.done $0x0  }
0x53: {  	s3 =	simm.s32 $0x100;
	[sflag:s26] =	ssyncadd.s32 $0xFFFFC000  }
0x54: {  	[tilespmem:s20], [sflag:$0x1] =	stream.indirect.gather [hbm4b:s4+s23], $0x80, s3, s23, $0xb8;
	[tilespmem:$0x1E400] =	vst v63  }
0x55: {  	s10 =	simm.s32 $0x1480  }
0x56: {  	[spmem:s1] =	stream.indirect.scatter.add.f32 [tilespmem:s25], [sflag:$0x3], $0x80, s10, s23, $0xb8;
	[tilespmem:$0x1E400] =	vst v63  }
0x57: {  	_ =	swait.ge [sflag:s21], $0x4000  }
0x58: {  	s0 =	simm.s32 $0x400;
	[sflag:s21] =	ssyncset.done $0x0  }
.LBB2_4:
0x59: {  	p0 =	sne.s32 s0, $0x4800  }
0x5a: {  	[sflag:s21] =	ssyncadd.s32 $0xFFFFC000;
	s3 =	smov.u32 s0;
	s0 =	sadd.s32 $0x400, s0  }
0x5b: {  	_ = 	snop  }
0x5c: {  	_ =	swait.ge [sflag:s24], $0x4000  }
0x5d: {  	s3 =	sshra.s32 s3, $0x2;
	[sflag:s24] =	ssyncset.done $0x0  }
0x5e: {  	s10 =	sadd.s32 $0x80, s3;
	[sflag:s24] =	ssyncadd.s32 $0xFFFFC000  }
0x5f: {  	[tilespmem:s25], [sflag:$0x2] =	stream.indirect.gather [hbm4b:s4+s23], $0x80, s10, s23, $0xb8;
	[tilespmem:$0x1E400] =	vst v63  }
0x60: {  	s10 =	sadd.s32 $0x1400, s3  }
0x61: {  	[spmem:s1] =	stream.indirect.scatter.add.f32 [tilespmem:s20], [sflag:$0x3], $0x80, s10, s23, $0xb8;
	[tilespmem:$0x1E400] =	vst v63  }
0x62: {  	_ =	swait.ge [sflag:s21], $0x4000  }
0x63: {  	[sflag:s21] =	ssyncset.done $0x0  }
0x64: {  	[sflag:s21] =	ssyncadd.s32 $0xFFFFC000  }
0x65: {  	_ =	swait.ge [sflag:s26], $0x4000  }
0x66: {  	[sflag:s26] =	ssyncset.done $0x0  }
0x67: {  	s10 =	sadd.s32 $0x100, s3;
	[sflag:s26] =	ssyncadd.s32 $0xFFFFC000  }
0x68: {  	[tilespmem:s20], [sflag:$0x1] =	stream.indirect.gather [hbm4b:s4+s23], $0x80, s10, s23, $0xb8;
	[tilespmem:$0x1E400] =	vst v63  }
.Ltmp1:
0x69: {  	_ = 	snop;
	(pc) =	sbr.rel @p0 .LBB2_4-.Ltmp1, $4  }
0x6a: {  	s3 =	sadd.s32 $0x1480, s3  }
0x6b: {  	[spmem:s1] =	stream.indirect.scatter.add.f32 [tilespmem:s25], [sflag:$0x3], $0x80, s3, s23, $0xb8;
	[tilespmem:$0x1E400] =	vst v63  }
0x6c: {  	_ =	swait.ge [sflag:s21], $0x4000  }
0x6d: {  	[sflag:s21] =	ssyncset.done $0x0  }
0x6e: {  	[sflag:s21] =	ssyncadd.s32 $0xFFFFC000  }
0x6f: {  	_ =	swait.ge [sflag:s24], $0x4000  }
0x70: {  	[sflag:s24] =	ssyncset.done $0x0  }
0x71: {  	[sflag:s24] =	ssyncadd.s32 $0xFFFFC000  }
0x72: {  	[tilespmem:s25], [sflag:$0x2] =	stream.indirect.gather [hbm4b:s4+s23], $0x80, s28, s23, $0xb8;
	[tilespmem:$0x1E400] =	vst v63  }
0x73: {  	_ = 	snop  }
0x74: {  	[spmem:s1] =	stream.indirect.scatter.add.f32 [tilespmem:s20], [sflag:$0x3], $0x80, s29, s23, $0xb8;
	[tilespmem:$0x1E400] =	vst v63  }
0x75: {  	_ =	swait.ge [sflag:s21], $0x4000  }
0x76: {  	[sflag:s21] =	ssyncset.done $0x0  }
0x77: {  	[sflag:s21] =	ssyncadd.s32 $0xFFFFC000  }
0x78: {  	_ =	swait.ge [sflag:s26], $0x4000  }
0x79: {  	[sflag:s26] =	ssyncset.done $0x0  }
0x7a: {  	[sflag:s26] =	ssyncadd.s32 $0xFFFFC000  }
0x7b: {  	[spmem:s1] =	stream.indirect.scatter.add.f32 [tilespmem:s25], [sflag:$0x3], $0x80, s30, s23, $0xb8;
	[tilespmem:$0x1E400] =	vst v63  }
0x7c: {  	_ =	swait.ge [sflag:s21], $0x4000  }
0x7d: {  	[sflag:s21] =	ssyncset.done $0x0  }
0x7e: {  	s0 =	simm.s32 $0x0;
	[sflag:s21] =	ssyncadd.s32 $0xFFFFC000  }
0x7f: {  	[tilespmem:s0], [sflag:$0x3] =	stream.linear.gather [hbm4b:s12+s0], $0x1400, $0x38;
	[tilespmem:$0x1E400] =	vst v63  }
0x80: {  	_ =	swait.ge [sflag:s21], $0x1400  }
0x81: {  	[sflag:s21] =	ssyncset.done $0x0  }
0x82: {  	[sflag:s21] =	ssyncadd.s32 $0xFFFFEC00  }
0x83: {  	[tilespmem:s22], [sflag:$0x3] =	stream.linear.gather [hbm4b:s13+s0], $0x1400, $0x38;
	[tilespmem:$0x1E400] =	vst v63  }
0x84: {  	_ =	swait.ge [sflag:s21], $0x1400  }
0x85: {  	[sflag:s21] =	ssyncset.done $0x0  }
0x86: {  	[sflag:s21] =	ssyncadd.s32 $0xFFFFEC00  }
0x87: {  	[tilespmem:s20], [sflag:$0x1] =	stream.indirect.gather [hbm4b:s4+s23], $0x80, s0, s23, $0xb8;
	[tilespmem:$0x1E400] =	vst v63  }
0x88: {  	_ =	swait.ge [sflag:s24], $0x4000  }
0x89: {  	[sflag:s24] =	ssyncset.done $0x0  }
0x8a: {  	s3 =	simm.s32 $0x80;
	[sflag:s24] =	ssyncadd.s32 $0xFFFFC000  }
0x8b: {  	[tilespmem:s25], [sflag:$0x2] =	stream.indirect.gather [hbm4b:s4+s23], $0x80, s3, s23, $0xb8;
	[tilespmem:$0x1E400] =	vst v63  }
0x8c: {  	s10 =	simm.s32 $0x1400  }
0x8d: {  	[spmem:s1] =	stream.indirect.scatter.add.f32 [tilespmem:s20], [sflag:$0x3], $0x80, s10, s23, $0xb8;
	[tilespmem:$0x1E400] =	vst v63  }
0x8e: {  	_ =	swait.ge [sflag:s21], $0x4000  }
0x8f: {  	[sflag:s21] =	ssyncset.done $0x0  }
0x90: {  	[sflag:s21] =	ssyncadd.s32 $0xFFFFC000  }
0x91: {  	_ =	swait.ge [sflag:s26], $0x4000  }
0x92: {  	[sflag:s26] =	ssyncset.done $0x0  }
0x93: {  	s3 =	simm.s32 $0x100;
	[sflag:s26] =	ssyncadd.s32 $0xFFFFC000  }
0x94: {  	[tilespmem:s20], [sflag:$0x1] =	stream.indirect.gather [hbm4b:s4+s23], $0x80, s3, s23, $0xb8;
	[tilespmem:$0x1E400] =	vst v63  }
0x95: {  	s10 =	simm.s32 $0x1480  }
0x96: {  	[spmem:s1] =	stream.indirect.scatter.add.f32 [tilespmem:s25], [sflag:$0x3], $0x80, s10, s23, $0xb8;
	[tilespmem:$0x1E400] =	vst v63  }
0x97: {  	_ =	swait.ge [sflag:s21], $0x4000  }
0x98: {  	s0 =	simm.s32 $0x400;
	[sflag:s21] =	ssyncset.done $0x0  }
.LBB2_6:
0x99: {  	p0 =	sne.s32 s0, $0x4800  }
0x9a: {  	[sflag:s21] =	ssyncadd.s32 $0xFFFFC000;
	s3 =	smov.u32 s0;
	s0 =	sadd.s32 $0x400, s0  }
0x9b: {  	_ = 	snop  }
0x9c: {  	_ =	swait.ge [sflag:s24], $0x4000  }
0x9d: {  	s3 =	sshra.s32 s3, $0x2;
	[sflag:s24] =	ssyncset.done $0x0  }
0x9e: {  	s10 =	sadd.s32 $0x80, s3;
	[sflag:s24] =	ssyncadd.s32 $0xFFFFC000  }
0x9f: {  	[tilespmem:s25], [sflag:$0x2] =	stream.indirect.gather [hbm4b:s4+s23], $0x80, s10, s23, $0xb8;
	[tilespmem:$0x1E400] =	vst v63  }
0xa0: {  	s10 =	sadd.s32 $0x1400, s3  }
0xa1: {  	[spmem:s1] =	stream.indirect.scatter.add.f32 [tilespmem:s20], [sflag:$0x3], $0x80, s10, s23, $0xb8;
	[tilespmem:$0x1E400] =	vst v63  }
0xa2: {  	_ =	swait.ge [sflag:s21], $0x4000  }
0xa3: {  	[sflag:s21] =	ssyncset.done $0x0  }
0xa4: {  	[sflag:s21] =	ssyncadd.s32 $0xFFFFC000  }
0xa5: {  	_ =	swait.ge [sflag:s26], $0x4000  }
0xa6: {  	[sflag:s26] =	ssyncset.done $0x0  }
0xa7: {  	s10 =	sadd.s32 $0x100, s3;
	[sflag:s26] =	ssyncadd.s32 $0xFFFFC000  }
0xa8: {  	[tilespmem:s20], [sflag:$0x1] =	stream.indirect.gather [hbm4b:s4+s23], $0x80, s10, s23, $0xb8;
	[tilespmem:$0x1E400] =	vst v63  }
.Ltmp2:
0xa9: {  	_ = 	snop;
	(pc) =	sbr.rel @p0 .LBB2_6-.Ltmp2, $4  }
0xaa: {  	s3 =	sadd.s32 $0x1480, s3  }
0xab: {  	[spmem:s1] =	stream.indirect.scatter.add.f32 [tilespmem:s25], [sflag:$0x3], $0x80, s3, s23, $0xb8;
	[tilespmem:$0x1E400] =	vst v63  }
0xac: {  	_ =	swait.ge [sflag:s21], $0x4000  }
0xad: {  	[sflag:s21] =	ssyncset.done $0x0  }
0xae: {  	[sflag:s21] =	ssyncadd.s32 $0xFFFFC000  }
0xaf: {  	_ =	swait.ge [sflag:s24], $0x4000  }
0xb0: {  	[sflag:s24] =	ssyncset.done $0x0  }
0xb1: {  	[sflag:s24] =	ssyncadd.s32 $0xFFFFC000  }
0xb2: {  	[tilespmem:s25], [sflag:$0x2] =	stream.indirect.gather [hbm4b:s4+s23], $0x80, s28, s23, $0xb8;
	[tilespmem:$0x1E400] =	vst v63  }
0xb3: {  	_ = 	snop  }
0xb4: {  	[spmem:s1] =	stream.indirect.scatter.add.f32 [tilespmem:s20], [sflag:$0x3], $0x80, s29, s23, $0xb8;
	[tilespmem:$0x1E400] =	vst v63  }
0xb5: {  	_ =	swait.ge [sflag:s21], $0x4000  }
0xb6: {  	[sflag:s21] =	ssyncset.done $0x0  }
0xb7: {  	[sflag:s21] =	ssyncadd.s32 $0xFFFFC000  }
0xb8: {  	_ =	swait.ge [sflag:s26], $0x4000  }
0xb9: {  	[sflag:s26] =	ssyncset.done $0x0  }
0xba: {  	[sflag:s26] =	ssyncadd.s32 $0xFFFFC000  }
0xbb: {  	[spmem:s1] =	stream.indirect.scatter.add.f32 [tilespmem:s25], [sflag:$0x3], $0x80, s30, s23, $0xb8;
	[tilespmem:$0x1E400] =	vst v63  }
0xbc: {  	_ =	swait.ge [sflag:s21], $0x4000  }
0xbd: {  	[sflag:s21] =	ssyncset.done $0x0  }
0xbe: {  	[sflag:s21] =	ssyncadd.s32 $0xFFFFC000  }
0xbf: {  	[bflag:$0x0] =	sbarrier.arrive $0xFFFF  }
0xc0: {  	[tilespmem:s20], [sflag:$0x3] =	stream.linear.gather [spmem:s5], $0x4000, $0x38;
	[tilespmem:$0x1E400] =	vst v63  }
0xc1: {  	_ =	swait.ge [sflag:s21], $0x4000  }
0xc2: {  	[sflag:s21] =	ssyncset.done $0x0  }
0xc3: {  	[sflag:s21] =	ssyncadd.s32 $0xFFFFC000  }
0xc4: {  	[hbm4b:s14+s2] =	stream.linear.scatter [tilespmem:s20], [sflag:$0x3], $0x4000, $0x38;
	[tilespmem:$0x1E400] =	vst v63  }
0xc5: {  	_ =	swait.ge [sflag:s21], $0x4000  }
0xc6: {  	[sflag:s21] =	ssyncset.done $0x0  }
0xc7: {  	[sflag:s21] =	ssyncadd.s32 $0xFFFFC000  }
0xc8: {  	[tilespmem:s20], [sflag:$0x3] =	stream.linear.gather [spmem:s6], $0x4000, $0x38;
	[tilespmem:$0x1E400] =	vst v63  }
0xc9: {  	_ =	swait.ge [sflag:s21], $0x4000  }
0xca: {  	[sflag:s21] =	ssyncset.done $0x0  }
0xcb: {  	[sflag:s21] =	ssyncadd.s32 $0xFFFFC000  }
0xcc: {  	[hbm4b:s15+s2] =	stream.linear.scatter [tilespmem:s20], [sflag:$0x3], $0x4000, $0x38;
	[tilespmem:$0x1E400] =	vst v63  }
0xcd: {  	_ =	swait.ge [sflag:s21], $0x4000  }
0xce: {  	[sflag:s21] =	ssyncset.done $0x0  }
0xcf: {  	[sflag:s21] =	ssyncadd.s32 $0xFFFFC000  }
0xd0: {  	[tilespmem:s20], [sflag:$0x3] =	stream.linear.gather [spmem:s7], $0x4000, $0x38;
	[tilespmem:$0x1E400] =	vst v63  }
0xd1: {  	_ =	swait.ge [sflag:s21], $0x4000  }
0xd2: {  	[sflag:s21] =	ssyncset.done $0x0  }
0xd3: {  	[sflag:s21] =	ssyncadd.s32 $0xFFFFC000  }
0xd4: {  	[hbm4b:s16+s2] =	stream.linear.scatter [tilespmem:s20], [sflag:$0x3], $0x4000, $0x38;
	[tilespmem:$0x1E400] =	vst v63  }
0xd5: {  	_ =	swait.ge [sflag:s21], $0x4000  }
0xd6: {  	[sflag:s21] =	ssyncset.done $0x0  }
0xd7: {  	[sflag:s21] =	ssyncadd.s32 $0xFFFFC000  }
0xd8: {  	[tilespmem:s20], [sflag:$0x3] =	stream.linear.gather [spmem:s8], $0x4000, $0x38;
	[tilespmem:$0x1E400] =	vst v63  }
0xd9: {  	_ =	swait.ge [sflag:s21], $0x4000  }
0xda: {  	[sflag:s21] =	ssyncset.done $0x0  }
0xdb: {  	[sflag:s21] =	ssyncadd.s32 $0xFFFFC000  }
0xdc: {  	[hbm4b:s17+s2] =	stream.linear.scatter [tilespmem:s20], [sflag:$0x3], $0x4000, $0x38;
	[tilespmem:$0x1E400] =	vst v63  }
0xdd: {  	_ =	swait.ge [sflag:s21], $0x4000  }
0xde: {  	[sflag:s21] =	ssyncset.done $0x0  }
0xdf: {  	[sflag:s21] =	ssyncadd.s32 $0xFFFFC000  }
0xe0: {  	[tilespmem:s25], [sflag:$0x3] =	stream.linear.gather [spmem:s9], $0x3C00, $0x38;
	[tilespmem:$0x1E400] =	vst v63  }
0xe1: {  	s31 =	sadd.s32 $0x1, s31;
	_ =	swait.ge [sflag:s21], $0x3C00  }
0xe2: {  	p0 =	sne.s32 s31, s19;
	[sflag:s21] =	ssyncset.done $0x0  }
.Ltmp3:
0xe3: {  	[sflag:s21] =	ssyncadd.s32 $0xFFFFC400;
	(pc) =	sbr.rel @p0 .LBB2_1-.Ltmp3, $4  }
0xe4: {  	[hbm4b:s18+s2] =	stream.linear.scatter [tilespmem:s25], [sflag:$0x3], $0x3C00, $0x38;
	[tilespmem:$0x1E400] =	vst v63  }
0xe5: {  	_ =	swait.ge [sflag:s21], $0x3C00  }
0xe6: {  	[sflag:s21] =	ssyncset.done $0x0  }
0xe7: {  	[sflag:s21] =	ssyncadd.s32 $0xFFFFC400  }
0xe8: {  	_ =	sfence.sel $0x180000  }
0xe9: {  	[bflag:$0x0] =	sbarrier.arrive $0xFFFF  }
0xea: {  	_ =	strace $0x9000004A  }
0xeb: {  	s0 =	stileid.u32;
	[bflag:$0x2] =	sbarrier.arrive $0xFFFF  }
0xec: {  	p0 =	sne.s32 s0, $0x0;
	s0 =	rddreg [dreg:$0x2]  }
0xed: {  	s0 =	sadd.s32 @!p0 $0x100000, s0  }
0xee: {  	[sflag:s0] =	ssyncadd.tile.s32 @!p0 $0x1;
	_ =	shalt  }
.Lfunc_end2:
_tile_overlayer_lowered:
.L_overlay_start_2:
0xef: {  	(tag) =	ssettag $0x2  }
0xf0: {  	s0 =	rddreg [dreg:$0x0];
	s2 =	stileid.u32  }
0xf1: {  	s1 =	rddreg [dreg:$0x1];
	p0 =	sne.s32 s2, $0x0  }
0xf2: {  	s3 =	rddreg [dreg:$0x2];
	[bflag:$0x3] =	sbarrier.arrive $0xFFFF;
	s2 =	simm.s32 @!p0 $0x1C03  }
0xf3: {  	[timem:s3], [sflag:s2] =	dma.local @!p0 [hbm:s0], s1  }
0xf4: {  	s0 =	simm.s32 @!p0 $0x3  }
0xf5: {  	_ =	swait.ge @!p0 [sflag:s0], s1  }
0xf6: {  	s1 =	ssub.s32 @!p0 $0x0, s1;
	[sflag:s0] =	ssyncset.done @!p0 $0x0  }
0xf7: {  	[sflag:s0] =	ssyncadd.s32 @!p0 s1  }
0xf8: {  	[bflag:$0x3] =	sbarrier.arrive $0xFFFF  }
0xf9: {  	_ =	shalt  }

// kernel: kernel.14.cloned.1.call-start
scs
__scs_entry_jumppad:
0x0: {  	(pc) =	sbr.rel $0x88, $3  }
0x1: {  	(tag) =	ssettag $0x0;
	lr =	simm.s32 $0x1  }
0x2: {  	[smem:$0x3F99] =	sst lr;
	_ =	strace $0xD0000000  }
0x3: {  	_ = 	snop  }
0x4: {  	_ = 	snop  }
0x5: {  	_ = 	snop  }
0x6: {  	_ = 	snop  }
0x7: {  	_ = 	snop  }
__scs_overlays_trampoline_lowered:
0x8: {  	[smem:$0x3FA8] =	sst s0  }
0x9: {  	[smem:$0x3FA9] =	sst s1  }
0xa: {  	[smem:$0x3FAA] =	sst s2  }
0xb: {  	[smem:$0x3FAB] =	sst s3  }
0xc: {  	[smem:$0x3FAC] =	sst s4  }
0xd: {  	[smem:$0x3FAD] =	sst s5  }
0xe: {  	[smem:$0x3FAE] =	sst s6  }
0xf: {  	[smem:$0x3FAF] =	sst s7  }
0x10: {  	[smem:$0x3FB0] =	sst s8  }
0x11: {  	[smem:$0x3FB1] =	sst s9;
	s0 =	simm.s32 @!p0 $0x0  }
0x12: {  	s1 =	sld [smem:$0x3F97];
	s0 =	simm.s32 @p0 $0x1  }
0x13: {  	[smem:$0x3FB2] =	sst s0;
	s0 =	simm.s32 @!p1 $0x0  }
0x14: {  	s2 =	sld [smem:$0x3F96];
	s0 =	simm.s32 @p1 $0x1  }
0x15: {  	[smem:$0x3FB3] =	sst s0;
	s0 =	simm.s32 @!p2 $0x0  }
0x16: {  	s3 =	sld [smem:$0x3FDB];
	s0 =	simm.s32 @p2 $0x1  }
0x17: {  	s4 =	simm.s32 $0x1BF5;
	[smem:$0x3FB5] =	sst s0  }
0x18: {  	s0 =	sld [smem:$0x3F98];
	_ =	swait.ge [sflag:s4], $0x0  }
0x19: {  	s7 =	sld [smem:$0x3F99]  }
0x1a: {  	s8 =	sadd.s32 $0xFFFFE003, lr  }
0x1b: {  	s9 =	sadd.s32 $0xFFFFFEF7, lr;
	s5 =	simm.s32 $0xFFFFFFFF;
	p2 =	slt.u32 s8, $0xFFFFF086  }
0x1c: {  	p1 =	slt.u32 s9, $0xF7A;
	s5 =	simm.s32 @!p2 $0x0  }
0x1d: {  	s5 =	simm.s32 @p1 $0x1;
	p0 =	seq.s32 s7, s2  }
0x1e: {  	s7 =	smul.u32 @!p0 $0xF7A, s2;
	p2 =	seq.s32 @!p0 s5, $0x0  }
0x1f: {  	s9 =	smul.u32 $0xF7A, s1;
	s8 =	simm.s32 @!p0 $0x1BF5;
	p2 =	por !p2, p0  }
0x20: {  	[sflag:s8] =	ssyncset.s32 @!p0 $0xFFFFF086;
	s6 =	sadd.s32 @!p0 s3, s7;
	s7 =	simm.s32 @!p0 $0x108  }
0x21: {  	s3 =	sadd.s32 s3, s9;
	s6 =	sadd.s32 @!p0 $0x88, s6;
	s7 =	simm.s32 @p2 $0x1082  }
0x22: {  	[simem:s7], [sflag:s8] =	dma.local @!p0 [hbm:s6], $0xF7A  }
0x23: {  	s9 =	sor.u32 $0xD0000000, s2;
	s6 =	simm.s32 $0x108;
	_ =	swait.ge @!p0 [sflag:s8], $0x0  }
0x24: {  	s3 =	sadd.s32 $0x88, s3;
	s6 =	simm.s32 @!p1 $0x1082;
	[sflag:s4] =	ssyncset.s32 $0xFFFFF086  }
0x25: {  	[simem:s6], [sflag:s4] =	dma.local [hbm:s3], $0xF7A  }
0x26: {  	[smem:$0x3F99] =	sst s1;
	(tag) =	ssettag s2;
	_ =	strace s9  }
0x27: {  	s1 =	sld [smem:$0x3FA9]  }
0x28: {  	s2 =	sld [smem:$0x3FAA]  }
0x29: {  	s4 =	sld [smem:$0x3FAC]  }
0x2a: {  	p0 =	seq.s32 s5, $0x0;
	s5 =	sld [smem:$0x3FAD]  }
0x2b: {  	s6 =	sld [smem:$0x3FAE]  }
0x2c: {  	s7 =	sld [smem:$0x3FAF]  }
0x2d: {  	s3 =	simm.s32 $0x108;
	s8 =	sld [smem:$0x3FB0]  }
0x2e: {  	s3 =	simm.s32 @!p0 $0x1082;
	s9 =	sld [smem:$0x3FB1]  }
0x2f: {  	lr =	sadd.s32 s0, s3;
	s0 =	sld [smem:$0x3FA8]  }
0x30: {  	s3 =	sld [smem:$0x3FAB]  }
0x31: {  	[smem:$0x3FB4] =	sst s10  }
0x32: {  	s10 =	sld [smem:$0x3FB2];
	_ =	sdelay $0x3  }
0x33: {  	p0 =	seq.s32 s10, $0x1;
	s10 =	sld [smem:$0x3FB4];
	_ =	sdelay $0x3  }
0x34: {  	[smem:$0x3FB4] =	sst s10  }
0x35: {  	s10 =	sld [smem:$0x3FB3];
	_ =	sdelay $0x3  }
0x36: {  	p1 =	seq.s32 s10, $0x1;
	s10 =	sld [smem:$0x3FB4];
	_ =	sdelay $0x3  }
0x37: {  	[smem:$0x3FB4] =	sst s10  }
0x38: {  	s10 =	sld [smem:$0x3FB5]  }
0x39: {  	_ = 	snop;
	(pc) =	sbr.ind lr, $3  }
0x3a: {  	_ = 	snop  }
0x3b: {  	_ = 	snop  }
0x3c: {  	p2 =	seq.s32 s10, $0x1;
	s10 =	sld [smem:$0x3FB4]  }
0x3d: {  	_ =	shalt  }
0x3e: {  	_ =	shalt  }
0x3f: {  	_ =	shalt  }
0x40: {  	_ =	shalt  }
0x41: {  	_ =	shalt  }
0x42: {  	_ =	shalt  }
0x43: {  	_ =	shalt  }
0x44: {  	_ =	shalt  }
0x45: {  	_ =	shalt  }
0x46: {  	_ =	shalt  }
0x47: {  	_ =	shalt  }
0x48: {  	_ =	shalt  }
0x49: {  	_ =	shalt  }
0x4a: {  	_ =	shalt  }
0x4b: {  	_ =	shalt  }
0x4c: {  	_ =	shalt  }
0x4d: {  	_ =	shalt  }
0x4e: {  	_ =	shalt  }
0x4f: {  	_ =	shalt  }
0x50: {  	_ =	shalt  }
0x51: {  	_ =	shalt  }
0x52: {  	_ =	shalt  }
0x53: {  	_ =	shalt  }
0x54: {  	_ =	shalt  }
0x55: {  	_ =	shalt  }
0x56: {  	_ =	shalt  }
0x57: {  	_ =	shalt  }
0x58: {  	_ =	shalt  }
0x59: {  	_ =	shalt  }
0x5a: {  	_ =	shalt  }
0x5b: {  	_ =	shalt  }
0x5c: {  	_ =	shalt  }
0x5d: {  	_ =	shalt  }
0x5e: {  	_ =	shalt  }
0x5f: {  	_ =	shalt  }
0x60: {  	_ =	shalt  }
0x61: {  	_ =	shalt  }
0x62: {  	_ =	shalt  }
0x63: {  	_ =	shalt  }
0x64: {  	_ =	shalt  }
0x65: {  	_ =	shalt  }
0x66: {  	_ =	shalt  }
0x67: {  	_ =	shalt  }
0x68: {  	_ =	shalt  }
0x69: {  	_ =	shalt  }
0x6a: {  	_ =	shalt  }
0x6b: {  	_ =	shalt  }
0x6c: {  	_ =	shalt  }
0x6d: {  	_ =	shalt  }
0x6e: {  	_ =	shalt  }
0x6f: {  	_ =	shalt  }
0x70: {  	_ =	shalt  }
0x71: {  	_ =	shalt  }
0x72: {  	_ =	shalt  }
0x73: {  	_ =	shalt  }
0x74: {  	_ =	shalt  }
0x75: {  	_ =	shalt  }
0x76: {  	_ =	shalt  }
0x77: {  	_ =	shalt  }
0x78: {  	_ =	shalt  }
0x79: {  	_ =	shalt  }
0x7a: {  	_ =	shalt  }
0x7b: {  	_ =	shalt  }
0x7c: {  	_ =	shalt  }
0x7d: {  	_ =	shalt  }
0x7e: {  	_ =	shalt  }
0x7f: {  	_ =	shalt  }
0x80: {  	_ =	shalt  }
0x81: {  	_ =	shalt  }
0x82: {  	_ =	shalt  }
0x83: {  	_ =	shalt  }
0x84: {  	_ =	shalt  }
0x85: {  	_ =	shalt  }
0x86: {  	_ =	shalt  }
0x87: {  	_ =	shalt  }
.Lfunc_end0:
.L_simem_size_0:
called_computation.2_lowered:
.L_overlay_start_0:
0x88: {  	s2 =	sld [smem:$0x3FD9]  }
0x89: {  	s3 =	sld [smem:$0x3FFE];
	_ =	sdelay $0x1  }
0x8a: {  	s1 =	srdreg.scid  }
0x8b: {  	s0 =	sand.u32 $0x1, s1  }
0x8c: {  	s16 =	sshll.u32 s0, $0xA;
	s2 =	sadd.s32 s3, s2  }
0x8d: {  	s2 =	sadd.s32 s2, s16  }
0x8e: {  	[smem:$0x3FC0] =	sst s2  }
0x8f: {  	_ = 	snop  }
0x90: {  	(tm) =	ssettm $0x1  }
0x91: {  	s17 =	sld [smem:$0x3FFB];
	_ =	sdelay $0x3  }
0x92: {  	_ =	strace s17  }
0x93: {  	s2 =	sld [smem:$0x3FFC];
	_ =	sdelay $0x3  }
0x94: {  	_ =	strace s2  }
0x95: {  	s2 =	sld [smem:$0x3FFD];
	_ =	sdelay $0x3  }
0x96: {  	_ =	strace s2  }
0x97: {  	_ =	strace $0x8FFFFFFF  }
0x98: {  	s18 =	sld [smem:$0x3FDB];
	_ =	sdelay $0x1  }
0x99: {  	s19 =	simm.s32 $_scs_section_size  }
0x9a: {  	s4 =	simm.s32 $_size__tile_overlayer_lowered;
	s5 =	simm.s32 $_tile_overlayer_lowered  }
0x9b: {  	s22 =	simm.s32 $0x1BFF;
	s21 =	sshll.u32 s5, $0x1;
	s2 =	sadd.s32 s19, s18  }
0x9c: {  	s6 =	simm.s32 $0x0;
	s20 =	sshll.u32 s4, $0x1;
	s4 =	sadd.s32 s21, s2  }
0x9d: {  	[timem:s6], [sflag:s22] =	dma.local [hbm:s4], s20  }
0x9e: {  	_ =	swait.ge [sflag:s22], s20  }
0x9f: {  	s3 =	ssub.s32 $0x0, s20;
	[sflag:s22] =	ssyncset.done $0x0  }
0xa0: {  	[sflag:s22] =	ssyncadd.s32 s3;
	_ =	sdelay $0x1  }
0xa1: {  	s23 =	simm.s32 $0x1B8B  }
0xa2: {  	_ =	swait.ge [sflag:s23], $0x1  }
0xa3: {  	[sflag:s23] =	ssyncset.done $0x0  }
0xa4: {  	s25 =	simm.s32 $0x1B8E;
	s24 =	sld [smem:$0x3FFE];
	[sflag:s23] =	ssyncadd.s32 $0xFFFFFFFF  }
0xa5: {  	s26 =	simm.s32 $execute0_lowered;
	[smem:$0x3FD2] =	sst s25  }
0xa6: {  	s4 =	sshll.u32 s26, $0x1;
	_ =	strace $0x8000004C;
	[dreg:$0x1] =	wrdreg $0xFFFFFFFF  }
0xa7: {  	s28 =	simm.s32 $_size_execute0_lowered;
	s2 =	sadd.s32 s2, s4;
	[dreg:$0x0] =	wrdreg $0x0  }
0xa8: {  	s4 =	sshll.u32 s28, $0x1;
	[dreg:$0x2] =	wrdreg s2  }
0xa9: {  	[dreg:$0x3] =	wrdreg s4  }
0xaa: {  	[dreg:$0x4] =	wrdreg $0xC0  }
0xab: {  	_ =	task [dreg:s6], $0x5FFFF  }
0xac: {  	[dreg:$0x1] =	wrdreg $0xFFFFFFFF  }
0xad: {  	[dreg:$0x0] =	wrdreg $0x60  }
0xae: {  	[dreg:$0x2] =	wrdreg s24  }
0xaf: {  	[dreg:$0x3] =	wrdreg $0x53800  }
0xb0: {  	[dreg:$0x4] =	wrdreg $0x9  }
0xb1: {  	_ =	task.clear_ibuf [dreg:s6], $0x5FFFF;
	_ =	strace $0x9000004C  }
0xb2: {  	s29 =	simm.s32 $0x9;
	_ =	strace $0x8000004E  }
0xb3: {  	_ =	swait.ge [sflag:s29], $0x1  }
0xb4: {  	[sflag:s29] =	ssyncadd.s32 $0xFFFFFFFF  }
0xb5: {  	_ =	strace $0x9000004E  }
0xb6: {  	_ =	sfence  }
0xb7: {  	s30 =	sld [smem:$0x0];
	_ =	sdelay $0x2  }
0xb8: {  	s31 =	sshll.u32 s1, $0xD;
	s1 =	sshrl.u32 s1, $0x2  }
0xb9: {  	s3 =	sand.u32 $0x4000, s31;
	s1 =	sadd.s32 s1, s30  }
0xba: {  	s0 =	sor.u32 s3, s0;
	s1 =	sshll.u32 s1, $0x11  }
0xbb: {  	s0 =	sor.u32 s1, s0  }
0xbc: {  	s0 =	sadd.s32 $0x8F2B, s0  }
0xbd: {  	[sflag:s0] =	ssyncadd.remote.s32 $0x1  }
0xbe: {  	_ =	sfence.sel $0xFFFF  }
0xbf: {  	[dreg:$0x0] =	wrdreg $0xFFFFFFFF;
	(pc) =	sbr.abs _section_cstart, $3  }
0xc0: {  	[dreg:$0x1] =	wrdreg $0xFFFFFFFF  }
0xc1: {  	_ =	task.clear_ibuf [dreg:s6], $0x2FFFF;
	_ =	strace $0x9FFFFFFF  }
0xc2: {  	(tm) =	ssettm $0x7FFFFFFF  }
0xc3: {  	_ =	shalt  }
tec
execute0_lowered:
.L_overlay_start_1:
0x0: {  	(tag) =	ssettag $0x1  }
0x1: {  	s5 =	rddreg [dreg:$0x0]  }
0x2: {  	s2 =	rddreg [dreg:$0x1];
	s3 =	srdreg.scid  }
0x3: {  	s1 =	stileid.u32;
	s0 =	rddreg [dreg:$0x2];
	s11 =	simm.s32 $0x2800  }
0x4: {  	s12 =	simm.s32 $0x5100;
	s13 =	simm.s32 $0x80;
	s14 =	simm.s32 $0x5000  }
0x5: {  	s15 =	simm.s32 $0x1;
	s16 =	simm.s32 $0x5080;
	s17 =	simm.s32 $0x2  }
0x6: {  	s18 =	simm.s32 $0x2780;
	s19 =	simm.s32 $0x4F00;
	s20 =	simm.s32 $0x4F80  }
0x7: {  	s21 =	simm.s32 $0x0;
	s6 =	sand.u32 $0x1, s3;
	s7 =	smul.u32 $0x280, s1  }
0x8: {  	s3 =	simm.s32 $0x0;
	s4 =	sshll.u32 s1, $0x1;
	s8 =	smul.u32 $0x2800, s6  }
0x9: {  	[smem:$0x7FF] =	sst s3;
	s4 =	sor.u32 s6, s4;
	s6 =	ssub.s32 $0x2, s6  }
0xa: {  	_ =	strace $0x8000004D;
	s9 =	smul.u32 $0x500, s4;
	s31 =	sshrl.u32 s6, $0x1  }
0xb: {  	s4 =	sadd.s32 $0x15E00, s5;
	s8 =	sadd.s32 s7, s8;
	s10 =	ssub.s32 s6, s31  }
0xc: {  	s7 =	sadd.s32 s7, s2;
	s8 =	sshrl.u32 s8, $0x3;
	s9 =	sadd.s32 s9, s5  }
0xd: {  	s8 =	sadd.s32 s8, s5;
	s5 =	sadd.s32 $0xBE00, s9;
	s6 =	sadd.s32 $0x1E00, s9  }
0xe: {  	v0 =	vimm.f32 $0.0e+00;
	s9 =	smax.u32 s10, $0x1;
	s10 =	simm.s32 $0x3;
	s8 =	sadd.s32 $0x16400, s8  }
.LBB2_1:
0xf: {  	[tilespmem:s3], [sflag:$0x3] =	stream.linear.gather [hbm4b:s5+s3], $0x2800, $0x38;
	[tilespmem:$0x5600] =	vst v63  }
0x10: {  	_ =	swait.ge [sflag:s10], $0x2800  }
0x11: {  	[sflag:s10] =	ssyncset.done $0x0  }
0x12: {  	[sflag:s10] =	ssyncadd.s32 $0xFFFFD800  }
0x13: {  	[tilespmem:s11], [sflag:$0x3] =	stream.linear.gather [hbm4b:s6+s3], $0x2800, $0x38;
	[tilespmem:$0x5600] =	vst v63  }
0x14: {  	_ =	swait.ge [sflag:s10], $0x2800  }
0x15: {  	[sflag:s10] =	ssyncset.done $0x0  }
0x16: {  	[sflag:s10] =	ssyncadd.s32 $0xFFFFD800  }
0x17: {  	[tilespmem:$0x5100] =	vst v0  }
0x18: {  	[tilespmem:$0x5110] =	vst v0  }
0x19: {  	[tilespmem:$0x5120] =	vst v0  }
0x1a: {  	[tilespmem:$0x5130] =	vst v0  }
0x1b: {  	[tilespmem:$0x5140] =	vst v0  }
0x1c: {  	[tilespmem:$0x5150] =	vst v0  }
0x1d: {  	[tilespmem:$0x5160] =	vst v0  }
0x1e: {  	[tilespmem:$0x5170] =	vst v0  }
0x1f: {  	[tilespmem:$0x5180] =	vst v0  }
0x20: {  	[tilespmem:$0x5190] =	vst v0  }
0x21: {  	[tilespmem:$0x51A0] =	vst v0  }
0x22: {  	[tilespmem:$0x51B0] =	vst v0  }
0x23: {  	[tilespmem:$0x51C0] =	vst v0  }
0x24: {  	[tilespmem:$0x51D0] =	vst v0  }
0x25: {  	[tilespmem:$0x51E0] =	vst v0  }
0x26: {  	[tilespmem:$0x51F0] =	vst v0  }
0x27: {  	[tilespmem:$0x5200] =	vst v0  }
0x28: {  	[tilespmem:$0x5210] =	vst v0  }
0x29: {  	[tilespmem:$0x5220] =	vst v0  }
0x2a: {  	[tilespmem:$0x5230] =	vst v0  }
0x2b: {  	[tilespmem:$0x5240] =	vst v0  }
0x2c: {  	[tilespmem:$0x5250] =	vst v0  }
0x2d: {  	[tilespmem:$0x5260] =	vst v0  }
0x2e: {  	[tilespmem:$0x5270] =	vst v0  }
0x2f: {  	[tilespmem:$0x5280] =	vst v0  }
0x30: {  	[tilespmem:$0x5290] =	vst v0  }
0x31: {  	[tilespmem:$0x52A0] =	vst v0  }
0x32: {  	[tilespmem:$0x52B0] =	vst v0  }
0x33: {  	[tilespmem:$0x52C0] =	vst v0  }
0x34: {  	[tilespmem:$0x52D0] =	vst v0  }
0x35: {  	[tilespmem:$0x52E0] =	vst v0  }
0x36: {  	[tilespmem:$0x52F0] =	vst v0  }
0x37: {  	[tilespmem:$0x5300] =	vst v0  }
0x38: {  	[tilespmem:$0x5310] =	vst v0  }
0x39: {  	[tilespmem:$0x5320] =	vst v0  }
0x3a: {  	[tilespmem:$0x5330] =	vst v0  }
0x3b: {  	[tilespmem:$0x5340] =	vst v0  }
0x3c: {  	[tilespmem:$0x5350] =	vst v0  }
0x3d: {  	[tilespmem:$0x5360] =	vst v0  }
0x3e: {  	[tilespmem:$0x5370] =	vst v0  }
0x3f: {  	[spmem:s7] =	stream.linear.scatter [tilespmem:s12], [sflag:$0x3], $0x280, $0x38;
	[tilespmem:$0x5600] =	vst v63  }
0x40: {  	_ =	swait.ge [sflag:s10], $0x280  }
0x41: {  	[sflag:s10] =	ssyncset.done $0x0  }
0x42: {  	[sflag:s10] =	ssyncadd.s32 $0xFFFFFD80  }
0x43: {  	[bflag:$0x0] =	sbarrier.arrive $0xFFFF  }
0x44: {  	[tilespmem:s14], [sflag:$0x1] =	stream.indirect.gather [hbm4b:s4+s13], $0x1, s3, s13, $0xb8;
	[tilespmem:$0x5600] =	vst v63  }
0x45: {  	_ =	swait.ge [sflag:s15], $0x80  }
0x46: {  	[sflag:s15] =	ssyncset.done $0x0  }
0x47: {  	s22 =	simm.s32 $0x80;
	[sflag:s15] =	ssyncadd.s32 $0xFFFFFF80  }
0x48: {  	[tilespmem:s16], [sflag:$0x2] =	stream.indirect.gather [hbm4b:s4+s13], $0x1, s22, s13, $0xb8;
	[tilespmem:$0x5600] =	vst v63  }
0x49: {  	s29 =	simm.s32 $0x2800  }
0x4a: {  	[spmem:s2] =	stream.indirect.scatter.add.f32 [tilespmem:s14], [sflag:$0x3], $0x1, s29, s13, $0xb8;
	[tilespmem:$0x5600] =	vst v63  }
0x4b: {  	_ =	swait.ge [sflag:s10], $0x80  }
0x4c: {  	[sflag:s10] =	ssyncset.done $0x0  }
0x4d: {  	[sflag:s10] =	ssyncadd.s32 $0xFFFFFF80  }
0x4e: {  	_ =	swait.ge [sflag:s17], $0x80  }
0x4f: {  	[sflag:s17] =	ssyncset.done $0x0  }
0x50: {  	s30 =	simm.s32 $0x100;
	[sflag:s17] =	ssyncadd.s32 $0xFFFFFF80  }
0x51: {  	[tilespmem:s14], [sflag:$0x1] =	stream.indirect.gather [hbm4b:s4+s13], $0x1, s30, s13, $0xb8;
	[tilespmem:$0x5600] =	vst v63  }
0x52: {  	s31 =	simm.s32 $0x2880  }
0x53: {  	[spmem:s2] =	stream.indirect.scatter.add.f32 [tilespmem:s16], [sflag:$0x3], $0x1, s31, s13, $0xb8;
	[tilespmem:$0x5600] =	vst v63  }
0x54: {  	_ =	swait.ge [sflag:s10], $0x80  }
0x55: {  	s22 =	simm.s32 $0x400;
	[sflag:s10] =	ssyncset.done $0x0  }
.LBB2_2:
0x56: {  	p0 =	sne.s32 s22, $0x9800  }
0x57: {  	[sflag:s10] =	ssyncadd.s32 $0xFFFFFF80;
	s23 =	smov.u32 s22;
	s22 =	sadd.s32 $0x400, s22  }
0x58: {  	_ = 	snop  }
0x59: {  	_ =	swait.ge [sflag:s15], $0x80  }
0x5a: {  	s23 =	sshra.s32 s23, $0x2;
	[sflag:s15] =	ssyncset.done $0x0  }
0x5b: {  	s24 =	sadd.s32 $0x80, s23;
	[sflag:s15] =	ssyncadd.s32 $0xFFFFFF80  }
0x5c: {  	[tilespmem:s16], [sflag:$0x2] =	stream.indirect.gather [hbm4b:s4+s13], $0x1, s24, s13, $0xb8;
	[tilespmem:$0x5600] =	vst v63  }
0x5d: {  	s24 =	sadd.s32 $0x2800, s23  }
0x5e: {  	[spmem:s2] =	stream.indirect.scatter.add.f32 [tilespmem:s14], [sflag:$0x3], $0x1, s24, s13, $0xb8;
	[tilespmem:$0x5600] =	vst v63  }
0x5f: {  	_ =	swait.ge [sflag:s10], $0x80  }
0x60: {  	[sflag:s10] =	ssyncset.done $0x0  }
0x61: {  	[sflag:s10] =	ssyncadd.s32 $0xFFFFFF80  }
0x62: {  	_ =	swait.ge [sflag:s17], $0x80  }
0x63: {  	[sflag:s17] =	ssyncset.done $0x0  }
0x64: {  	s24 =	sadd.s32 $0x100, s23;
	[sflag:s17] =	ssyncadd.s32 $0xFFFFFF80  }
0x65: {  	[tilespmem:s14], [sflag:$0x1] =	stream.indirect.gather [hbm4b:s4+s13], $0x1, s24, s13, $0xb8;
	[tilespmem:$0x5600] =	vst v63  }
.Ltmp0:
0x66: {  	_ = 	snop;
	(pc) =	sbr.rel @p0 .LBB2_2-.Ltmp0, $4  }
0x67: {  	s23 =	sadd.s32 $0x2880, s23  }
0x68: {  	[spmem:s2] =	stream.indirect.scatter.add.f32 [tilespmem:s16], [sflag:$0x3], $0x1, s23, s13, $0xb8;
	[tilespmem:$0x5600] =	vst v63  }
0x69: {  	_ =	swait.ge [sflag:s10], $0x80  }
0x6a: {  	[sflag:s10] =	ssyncset.done $0x0  }
0x6b: {  	[sflag:s10] =	ssyncadd.s32 $0xFFFFFF80  }
0x6c: {  	_ =	swait.ge [sflag:s15], $0x80  }
0x6d: {  	[sflag:s15] =	ssyncset.done $0x0  }
0x6e: {  	[sflag:s15] =	ssyncadd.s32 $0xFFFFFF80  }
0x6f: {  	[tilespmem:s16], [sflag:$0x2] =	stream.indirect.gather [hbm4b:s4+s13], $0x1, s18, s13, $0xb8;
	[tilespmem:$0x5600] =	vst v63  }
0x70: {  	_ = 	snop  }
0x71: {  	[spmem:s2] =	stream.indirect.scatter.add.f32 [tilespmem:s14], [sflag:$0x3], $0x1, s19, s13, $0xb8;
	[tilespmem:$0x5600] =	vst v63  }
0x72: {  	_ =	swait.ge [sflag:s10], $0x80  }
0x73: {  	[sflag:s10] =	ssyncset.done $0x0  }
0x74: {  	[sflag:s10] =	ssyncadd.s32 $0xFFFFFF80  }
0x75: {  	_ =	swait.ge [sflag:s17], $0x80  }
0x76: {  	[sflag:s17] =	ssyncset.done $0x0  }
0x77: {  	[sflag:s17] =	ssyncadd.s32 $0xFFFFFF80  }
0x78: {  	[spmem:s2] =	stream.indirect.scatter.add.f32 [tilespmem:s16], [sflag:$0x3], $0x1, s20, s13, $0xb8;
	[tilespmem:$0x5600] =	vst v63  }
0x79: {  	_ =	swait.ge [sflag:s10], $0x80  }
0x7a: {  	[sflag:s10] =	ssyncset.done $0x0  }
0x7b: {  	[sflag:s10] =	ssyncadd.s32 $0xFFFFFF80  }
0x7c: {  	[bflag:$0x0] =	sbarrier.arrive $0xFFFF  }
0x7d: {  	[tilespmem:s12], [sflag:$0x3] =	stream.linear.gather [spmem:s7], $0x280, $0x38;
	[tilespmem:$0x5600] =	vst v63  }
0x7e: {  	s21 =	sadd.s32 $0x1, s21;
	_ =	swait.ge [sflag:s10], $0x280  }
0x7f: {  	p0 =	sne.s32 s21, s9;
	[sflag:s10] =	ssyncset.done $0x0  }
.Ltmp1:
0x80: {  	[sflag:s10] =	ssyncadd.s32 $0xFFFFFD80;
	(pc) =	sbr.rel @p0 .LBB2_1-.Ltmp1, $4  }
0x81: {  	[hbm4b:s8+s3] =	stream.linear.scatter [tilespmem:s12], [sflag:$0x3], $0x280, $0x38;
	[tilespmem:$0x5600] =	vst v63  }
0x82: {  	_ =	swait.ge [sflag:s10], $0x280  }
0x83: {  	[sflag:s10] =	ssyncset.done $0x0  }
0x84: {  	[sflag:s10] =	ssyncadd.s32 $0xFFFFFD80  }
0x85: {  	_ =	sfence.sel $0x180000  }
0x86: {  	[bflag:$0x0] =	sbarrier.arrive $0xFFFF  }
0x87: {  	p0 =	sne.s32 s1, $0x0;
	_ =	strace $0x9000004D  }
0x88: {  	s0 =	sadd.s32 @!p0 $0x100000, s0;
	[bflag:$0x2] =	sbarrier.arrive $0xFFFF  }
0x89: {  	[sflag:s0] =	ssyncadd.tile.s32 @!p0 $0x1;
	_ =	shalt  }
.Lfunc_end2:
_tile_overlayer_lowered:
.L_overlay_start_2:
0x8a: {  	(tag) =	ssettag $0x2  }
0x8b: {  	s0 =	rddreg [dreg:$0x0];
	s2 =	stileid.u32  }
0x8c: {  	s1 =	rddreg [dreg:$0x1];
	p0 =	sne.s32 s2, $0x0  }
0x8d: {  	s3 =	rddreg [dreg:$0x2];
	[bflag:$0x3] =	sbarrier.arrive $0xFFFF;
	s2 =	simm.s32 @!p0 $0x1C03  }
0x8e: {  	[timem:s3], [sflag:s2] =	dma.local @!p0 [hbm:s0], s1  }
0x8f: {  	s0 =	simm.s32 @!p0 $0x3  }
0x90: {  	_ =	swait.ge @!p0 [sflag:s0], s1  }
0x91: {  	s1 =	ssub.s32 @!p0 $0x0, s1;
	[sflag:s0] =	ssyncset.done @!p0 $0x0  }
0x92: {  	[sflag:s0] =	ssyncadd.s32 @!p0 s1  }
0x93: {  	[bflag:$0x3] =	sbarrier.arrive $0xFFFF  }
0x94: {  	_ =	shalt  }

// kernel: kernel.8.cloned.1.call-start
scs
__scs_entry_jumppad:
0x0: {  	(pc) =	sbr.rel $0x88, $3  }
0x1: {  	(tag) =	ssettag $0x0;
	lr =	simm.s32 $0x1  }
0x2: {  	[smem:$0x3F99] =	sst lr;
	_ =	strace $0xD0000000  }
0x3: {  	_ = 	snop  }
0x4: {  	_ = 	snop  }
0x5: {  	_ = 	snop  }
0x6: {  	_ = 	snop  }
0x7: {  	_ = 	snop  }
__scs_overlays_trampoline_lowered:
0x8: {  	[smem:$0x3FA8] =	sst s0  }
0x9: {  	[smem:$0x3FA9] =	sst s1  }
0xa: {  	[smem:$0x3FAA] =	sst s2  }
0xb: {  	[smem:$0x3FAB] =	sst s3  }
0xc: {  	[smem:$0x3FAC] =	sst s4  }
0xd: {  	[smem:$0x3FAD] =	sst s5  }
0xe: {  	[smem:$0x3FAE] =	sst s6  }
0xf: {  	[smem:$0x3FAF] =	sst s7  }
0x10: {  	[smem:$0x3FB0] =	sst s8  }
0x11: {  	[smem:$0x3FB1] =	sst s9;
	s0 =	simm.s32 @!p0 $0x0  }
0x12: {  	s1 =	sld [smem:$0x3F97];
	s0 =	simm.s32 @p0 $0x1  }
0x13: {  	[smem:$0x3FB2] =	sst s0;
	s0 =	simm.s32 @!p1 $0x0  }
0x14: {  	s2 =	sld [smem:$0x3F96];
	s0 =	simm.s32 @p1 $0x1  }
0x15: {  	[smem:$0x3FB3] =	sst s0;
	s0 =	simm.s32 @!p2 $0x0  }
0x16: {  	s3 =	sld [smem:$0x3FDB];
	s0 =	simm.s32 @p2 $0x1  }
0x17: {  	s4 =	simm.s32 $0x1BF5;
	[smem:$0x3FB5] =	sst s0  }
0x18: {  	s0 =	sld [smem:$0x3F98];
	_ =	swait.ge [sflag:s4], $0x0  }
0x19: {  	s7 =	sld [smem:$0x3F99]  }
0x1a: {  	s8 =	sadd.s32 $0xFFFFE003, lr  }
0x1b: {  	s9 =	sadd.s32 $0xFFFFFEF7, lr;
	s5 =	simm.s32 $0xFFFFFFFF;
	p2 =	slt.u32 s8, $0xFFFFF086  }
0x1c: {  	p1 =	slt.u32 s9, $0xF7A;
	s5 =	simm.s32 @!p2 $0x0  }
0x1d: {  	s5 =	simm.s32 @p1 $0x1;
	p0 =	seq.s32 s7, s2  }
0x1e: {  	s7 =	smul.u32 @!p0 $0xF7A, s2;
	p2 =	seq.s32 @!p0 s5, $0x0  }
0x1f: {  	s9 =	smul.u32 $0xF7A, s1;
	s8 =	simm.s32 @!p0 $0x1BF5;
	p2 =	por !p2, p0  }
0x20: {  	[sflag:s8] =	ssyncset.s32 @!p0 $0xFFFFF086;
	s6 =	sadd.s32 @!p0 s3, s7;
	s7 =	simm.s32 @!p0 $0x108  }
0x21: {  	s3 =	sadd.s32 s3, s9;
	s6 =	sadd.s32 @!p0 $0x88, s6;
	s7 =	simm.s32 @p2 $0x1082  }
0x22: {  	[simem:s7], [sflag:s8] =	dma.local @!p0 [hbm:s6], $0xF7A  }
0x23: {  	s9 =	sor.u32 $0xD0000000, s2;
	s6 =	simm.s32 $0x108;
	_ =	swait.ge @!p0 [sflag:s8], $0x0  }
0x24: {  	s3 =	sadd.s32 $0x88, s3;
	s6 =	simm.s32 @!p1 $0x1082;
	[sflag:s4] =	ssyncset.s32 $0xFFFFF086  }
0x25: {  	[simem:s6], [sflag:s4] =	dma.local [hbm:s3], $0xF7A  }
0x26: {  	[smem:$0x3F99] =	sst s1;
	(tag) =	ssettag s2;
	_ =	strace s9  }
0x27: {  	s1 =	sld [smem:$0x3FA9]  }
0x28: {  	s2 =	sld [smem:$0x3FAA]  }
0x29: {  	s4 =	sld [smem:$0x3FAC]  }
0x2a: {  	p0 =	seq.s32 s5, $0x0;
	s5 =	sld [smem:$0x3FAD]  }
0x2b: {  	s6 =	sld [smem:$0x3FAE]  }
0x2c: {  	s7 =	sld [smem:$0x3FAF]  }
0x2d: {  	s3 =	simm.s32 $0x108;
	s8 =	sld [smem:$0x3FB0]  }
0x2e: {  	s3 =	simm.s32 @!p0 $0x1082;
	s9 =	sld [smem:$0x3FB1]  }
0x2f: {  	lr =	sadd.s32 s0, s3;
	s0 =	sld [smem:$0x3FA8]  }
0x30: {  	s3 =	sld [smem:$0x3FAB]  }
0x31: {  	[smem:$0x3FB4] =	sst s10  }
0x32: {  	s10 =	sld [smem:$0x3FB2];
	_ =	sdelay $0x3  }
0x33: {  	p0 =	seq.s32 s10, $0x1;
	s10 =	sld [smem:$0x3FB4];
	_ =	sdelay $0x3  }
0x34: {  	[smem:$0x3FB4] =	sst s10  }
0x35: {  	s10 =	sld [smem:$0x3FB3];
	_ =	sdelay $0x3  }
0x36: {  	p1 =	seq.s32 s10, $0x1;
	s10 =	sld [smem:$0x3FB4];
	_ =	sdelay $0x3  }
0x37: {  	[smem:$0x3FB4] =	sst s10  }
0x38: {  	s10 =	sld [smem:$0x3FB5]  }
0x39: {  	_ = 	snop;
	(pc) =	sbr.ind lr, $3  }
0x3a: {  	_ = 	snop  }
0x3b: {  	_ = 	snop  }
0x3c: {  	p2 =	seq.s32 s10, $0x1;
	s10 =	sld [smem:$0x3FB4]  }
0x3d: {  	_ =	shalt  }
0x3e: {  	_ =	shalt  }
0x3f: {  	_ =	shalt  }
0x40: {  	_ =	shalt  }
0x41: {  	_ =	shalt  }
0x42: {  	_ =	shalt  }
0x43: {  	_ =	shalt  }
0x44: {  	_ =	shalt  }
0x45: {  	_ =	shalt  }
0x46: {  	_ =	shalt  }
0x47: {  	_ =	shalt  }
0x48: {  	_ =	shalt  }
0x49: {  	_ =	shalt  }
0x4a: {  	_ =	shalt  }
0x4b: {  	_ =	shalt  }
0x4c: {  	_ =	shalt  }
0x4d: {  	_ =	shalt  }
0x4e: {  	_ =	shalt  }
0x4f: {  	_ =	shalt  }
0x50: {  	_ =	shalt  }
0x51: {  	_ =	shalt  }
0x52: {  	_ =	shalt  }
0x53: {  	_ =	shalt  }
0x54: {  	_ =	shalt  }
0x55: {  	_ =	shalt  }
0x56: {  	_ =	shalt  }
0x57: {  	_ =	shalt  }
0x58: {  	_ =	shalt  }
0x59: {  	_ =	shalt  }
0x5a: {  	_ =	shalt  }
0x5b: {  	_ =	shalt  }
0x5c: {  	_ =	shalt  }
0x5d: {  	_ =	shalt  }
0x5e: {  	_ =	shalt  }
0x5f: {  	_ =	shalt  }
0x60: {  	_ =	shalt  }
0x61: {  	_ =	shalt  }
0x62: {  	_ =	shalt  }
0x63: {  	_ =	shalt  }
0x64: {  	_ =	shalt  }
0x65: {  	_ =	shalt  }
0x66: {  	_ =	shalt  }
0x67: {  	_ =	shalt  }
0x68: {  	_ =	shalt  }
0x69: {  	_ =	shalt  }
0x6a: {  	_ =	shalt  }
0x6b: {  	_ =	shalt  }
0x6c: {  	_ =	shalt  }
0x6d: {  	_ =	shalt  }
0x6e: {  	_ =	shalt  }
0x6f: {  	_ =	shalt  }
0x70: {  	_ =	shalt  }
0x71: {  	_ =	shalt  }
0x72: {  	_ =	shalt  }
0x73: {  	_ =	shalt  }
0x74: {  	_ =	shalt  }
0x75: {  	_ =	shalt  }
0x76: {  	_ =	shalt  }
0x77: {  	_ =	shalt  }
0x78: {  	_ =	shalt  }
0x79: {  	_ =	shalt  }
0x7a: {  	_ =	shalt  }
0x7b: {  	_ =	shalt  }
0x7c: {  	_ =	shalt  }
0x7d: {  	_ =	shalt  }
0x7e: {  	_ =	shalt  }
0x7f: {  	_ =	shalt  }
0x80: {  	_ =	shalt  }
0x81: {  	_ =	shalt  }
0x82: {  	_ =	shalt  }
0x83: {  	_ =	shalt  }
0x84: {  	_ =	shalt  }
0x85: {  	_ =	shalt  }
0x86: {  	_ =	shalt  }
0x87: {  	_ =	shalt  }
.Lfunc_end0:
.L_simem_size_0:
called_computation_lowered:
.L_overlay_start_0:
0x88: {  	s2 =	sld [smem:$0x3FD9]  }
0x89: {  	s3 =	sld [smem:$0x3FFE];
	_ =	sdelay $0x1  }
0x8a: {  	s1 =	srdreg.scid  }
0x8b: {  	s0 =	sand.u32 $0x1, s1  }
0x8c: {  	s16 =	sshll.u32 s0, $0xA;
	s2 =	sadd.s32 s3, s2  }
0x8d: {  	s2 =	sadd.s32 s2, s16  }
0x8e: {  	[smem:$0x3FC0] =	sst s2  }
0x8f: {  	_ = 	snop  }
0x90: {  	(tm) =	ssettm $0x1  }
0x91: {  	s17 =	sld [smem:$0x3FFB];
	_ =	sdelay $0x3  }
0x92: {  	_ =	strace s17  }
0x93: {  	s2 =	sld [smem:$0x3FFC];
	_ =	sdelay $0x3  }
0x94: {  	_ =	strace s2  }
0x95: {  	s2 =	sld [smem:$0x3FFD];
	_ =	sdelay $0x3  }
0x96: {  	_ =	strace s2  }
0x97: {  	_ =	strace $0x8FFFFFFF  }
0x98: {  	s18 =	sld [smem:$0x3FDB];
	_ =	sdelay $0x1  }
0x99: {  	s19 =	simm.s32 $_scs_section_size  }
0x9a: {  	s4 =	simm.s32 $_size__tile_overlayer_lowered;
	s5 =	simm.s32 $_tile_overlayer_lowered  }
0x9b: {  	s22 =	simm.s32 $0x1BFF;
	s21 =	sshll.u32 s5, $0x1;
	s2 =	sadd.s32 s19, s18  }
0x9c: {  	s6 =	simm.s32 $0x0;
	s20 =	sshll.u32 s4, $0x1;
	s4 =	sadd.s32 s21, s2  }
0x9d: {  	[timem:s6], [sflag:s22] =	dma.local [hbm:s4], s20  }
0x9e: {  	_ =	swait.ge [sflag:s22], s20  }
0x9f: {  	s3 =	ssub.s32 $0x0, s20;
	[sflag:s22] =	ssyncset.done $0x0  }
0xa0: {  	[sflag:s22] =	ssyncadd.s32 s3;
	_ =	sdelay $0x1  }
0xa1: {  	s23 =	simm.s32 $0x1B8B  }
0xa2: {  	_ =	swait.ge [sflag:s23], $0x1  }
0xa3: {  	[sflag:s23] =	ssyncset.done $0x0  }
0xa4: {  	s25 =	simm.s32 $0x1B8E;
	s24 =	sld [smem:$0x3FFE];
	[sflag:s23] =	ssyncadd.s32 $0xFFFFFFFF  }
0xa5: {  	s26 =	simm.s32 $execute0_lowered;
	[smem:$0x3FD2] =	sst s25  }
0xa6: {  	s4 =	sshll.u32 s26, $0x1;
	_ =	strace $0x80000046;
	[dreg:$0x1] =	wrdreg $0xFFFFFFFF  }
0xa7: {  	s28 =	simm.s32 $_size_execute0_lowered;
	s2 =	sadd.s32 s2, s4;
	[dreg:$0x0] =	wrdreg $0x0  }
0xa8: {  	s4 =	sshll.u32 s28, $0x1;
	[dreg:$0x2] =	wrdreg s2  }
0xa9: {  	[dreg:$0x3] =	wrdreg s4  }
0xaa: {  	[dreg:$0x4] =	wrdreg $0xC0  }
0xab: {  	_ =	task [dreg:s6], $0x5FFFF  }
0xac: {  	[dreg:$0x1] =	wrdreg $0xFFFFFFFF  }
0xad: {  	[dreg:$0x0] =	wrdreg $0x60  }
0xae: {  	[dreg:$0x2] =	wrdreg s24  }
0xaf: {  	[dreg:$0x3] =	wrdreg $0x53800  }
0xb0: {  	[dreg:$0x4] =	wrdreg $0x9  }
0xb1: {  	_ =	task.clear_ibuf [dreg:s6], $0x5FFFF;
	_ =	strace $0x90000046  }
0xb2: {  	s29 =	simm.s32 $0x9;
	_ =	strace $0x80000048  }
0xb3: {  	_ =	swait.ge [sflag:s29], $0x1  }
0xb4: {  	[sflag:s29] =	ssyncadd.s32 $0xFFFFFFFF  }
0xb5: {  	_ =	strace $0x90000048  }
0xb6: {  	_ =	sfence  }
0xb7: {  	s30 =	sld [smem:$0x0];
	_ =	sdelay $0x2  }
0xb8: {  	s31 =	sshll.u32 s1, $0xD;
	s1 =	sshrl.u32 s1, $0x2  }
0xb9: {  	s3 =	sand.u32 $0x4000, s31;
	s1 =	sadd.s32 s1, s30  }
0xba: {  	s0 =	sor.u32 s3, s0;
	s1 =	sshll.u32 s1, $0x11  }
0xbb: {  	s0 =	sor.u32 s1, s0  }
0xbc: {  	s0 =	sadd.s32 $0x8F2B, s0  }
0xbd: {  	[sflag:s0] =	ssyncadd.remote.s32 $0x1  }
0xbe: {  	_ =	sfence.sel $0xFFFF  }
0xbf: {  	[dreg:$0x0] =	wrdreg $0xFFFFFFFF;
	(pc) =	sbr.abs _section_cstart, $3  }
0xc0: {  	[dreg:$0x1] =	wrdreg $0xFFFFFFFF  }
0xc1: {  	_ =	task.clear_ibuf [dreg:s6], $0x2FFFF;
	_ =	strace $0x9FFFFFFF  }
0xc2: {  	(tm) =	ssettm $0x7FFFFFFF  }
0xc3: {  	_ =	shalt  }
tec
execute0_lowered:
.L_overlay_start_1:
0x0: {  	(tag) =	ssettag $0x1  }
0x1: {  	s1 =	srdreg.scid;
	s4 =	rddreg [dreg:$0x0]  }
0x2: {  	s0 =	stileid.u32;
	s2 =	rddreg [dreg:$0x1];
	s3 =	simm.s32 $0x0  }
0x3: {  	s10 =	simm.s32 $0x2800;
	s11 =	simm.s32 $0x5100;
	s12 =	simm.s32 $0x80  }
0x4: {  	s13 =	simm.s32 $0x5000;
	s14 =	simm.s32 $0x0;
	s5 =	sand.u32 $0x1, s1  }
0x5: {  	s6 =	smul.u32 $0x280, s0;
	s7 =	sshll.u32 s0, $0x1;
	s1 =	rddreg [dreg:$0x2]  }
0x6: {  	s8 =	smul.u32 $0x2800, s5;
	s7 =	sor.u32 s5, s7;
	s5 =	ssub.s32 $0x2, s5  }
0x7: {  	[smem:$0x7FF] =	sst s3;
	s7 =	smul.u32 $0x500, s7;
	s31 =	sshrl.u32 s5, $0x1  }
0x8: {  	_ =	strace $0x80000047;
	s8 =	sadd.s32 s6, s8;
	s9 =	ssub.s32 s5, s31  }
0x9: {  	s6 =	sadd.s32 s6, s2;
	s8 =	sshrl.u32 s8, $0x3;
	s7 =	sadd.s32 s7, s4  }
0xa: {  	s8 =	sadd.s32 s8, s4;
	s4 =	sadd.s32 $0xBE00, s7;
	s5 =	sadd.s32 $0x1E00, s7  }
0xb: {  	v0 =	vimm.f32 $1.000000000e+00;
	v1 =	vimm.f32 $0.0e+00;
	s7 =	sadd.s32 $0x15E00, s8;
	s8 =	smax.u32 s9, $0x1;
	s9 =	simm.s32 $0x1  }
.LBB2_1:
0xc: {  	[tilespmem:s3], [sflag:$0x1] =	stream.linear.gather [hbm4b:s4+s3], $0x2800, $0x38;
	[tilespmem:$0x5600] =	vst v63  }
0xd: {  	_ =	swait.ge [sflag:s9], $0x2800  }
0xe: {  	[sflag:s9] =	ssyncset.done $0x0  }
0xf: {  	[sflag:s9] =	ssyncadd.s32 $0xFFFFD800  }
0x10: {  	[tilespmem:s10], [sflag:$0x1] =	stream.linear.gather [hbm4b:s5+s3], $0x2800, $0x38;
	[tilespmem:$0x5600] =	vst v63  }
0x11: {  	_ =	swait.ge [sflag:s9], $0x2800  }
0x12: {  	[sflag:s9] =	ssyncset.done $0x0  }
0x13: {  	[sflag:s9] =	ssyncadd.s32 $0xFFFFD800  }
0x14: {  	[tilespmem:$0x5000] =	vst v0  }
0x15: {  	[tilespmem:$0x5080] =	vst v0  }
0x16: {  	[tilespmem:$0x5010] =	vst v0  }
0x17: {  	[tilespmem:$0x5090] =	vst v0  }
0x18: {  	[tilespmem:$0x5020] =	vst v0  }
0x19: {  	[tilespmem:$0x50A0] =	vst v0  }
0x1a: {  	[tilespmem:$0x5030] =	vst v0  }
0x1b: {  	[tilespmem:$0x50B0] =	vst v0  }
0x1c: {  	[tilespmem:$0x5040] =	vst v0  }
0x1d: {  	[tilespmem:$0x50C0] =	vst v0  }
0x1e: {  	[tilespmem:$0x5050] =	vst v0  }
0x1f: {  	[tilespmem:$0x50D0] =	vst v0  }
0x20: {  	[tilespmem:$0x5060] =	vst v0  }
0x21: {  	[tilespmem:$0x50E0] =	vst v0  }
0x22: {  	[tilespmem:$0x5070] =	vst v0  }
0x23: {  	[tilespmem:$0x50F0] =	vst v0  }
0x24: {  	[tilespmem:$0x5100] =	vst v1  }
0x25: {  	[tilespmem:$0x5110] =	vst v1  }
0x26: {  	[tilespmem:$0x5120] =	vst v1  }
0x27: {  	[tilespmem:$0x5130] =	vst v1  }
0x28: {  	[tilespmem:$0x5140] =	vst v1  }
0x29: {  	[tilespmem:$0x5150] =	vst v1  }
0x2a: {  	[tilespmem:$0x5160] =	vst v1  }
0x2b: {  	[tilespmem:$0x5170] =	vst v1  }
0x2c: {  	[tilespmem:$0x5180] =	vst v1  }
0x2d: {  	[tilespmem:$0x5190] =	vst v1  }
0x2e: {  	[tilespmem:$0x51A0] =	vst v1  }
0x2f: {  	[tilespmem:$0x51B0] =	vst v1  }
0x30: {  	[tilespmem:$0x51C0] =	vst v1  }
0x31: {  	[tilespmem:$0x51D0] =	vst v1  }
0x32: {  	[tilespmem:$0x51E0] =	vst v1  }
0x33: {  	[tilespmem:$0x51F0] =	vst v1  }
0x34: {  	[tilespmem:$0x5200] =	vst v1  }
0x35: {  	[tilespmem:$0x5210] =	vst v1  }
0x36: {  	[tilespmem:$0x5220] =	vst v1  }
0x37: {  	[tilespmem:$0x5230] =	vst v1  }
0x38: {  	[tilespmem:$0x5240] =	vst v1  }
0x39: {  	[tilespmem:$0x5250] =	vst v1  }
0x3a: {  	[tilespmem:$0x5260] =	vst v1  }
0x3b: {  	[tilespmem:$0x5270] =	vst v1  }
0x3c: {  	[tilespmem:$0x5280] =	vst v1  }
0x3d: {  	[tilespmem:$0x5290] =	vst v1  }
0x3e: {  	[tilespmem:$0x52A0] =	vst v1  }
0x3f: {  	[tilespmem:$0x52B0] =	vst v1  }
0x40: {  	[tilespmem:$0x52C0] =	vst v1  }
0x41: {  	[tilespmem:$0x52D0] =	vst v1  }
0x42: {  	[tilespmem:$0x52E0] =	vst v1  }
0x43: {  	[tilespmem:$0x52F0] =	vst v1  }
0x44: {  	[tilespmem:$0x5300] =	vst v1  }
0x45: {  	[tilespmem:$0x5310] =	vst v1  }
0x46: {  	[tilespmem:$0x5320] =	vst v1  }
0x47: {  	[tilespmem:$0x5330] =	vst v1  }
0x48: {  	[tilespmem:$0x5340] =	vst v1  }
0x49: {  	[tilespmem:$0x5350] =	vst v1  }
0x4a: {  	[tilespmem:$0x5360] =	vst v1  }
0x4b: {  	[tilespmem:$0x5370] =	vst v1  }
0x4c: {  	[spmem:s6] =	stream.linear.scatter [tilespmem:s11], [sflag:$0x1], $0x280, $0x38;
	[tilespmem:$0x5600] =	vst v63  }
0x4d: {  	_ =	swait.ge [sflag:s9], $0x280  }
0x4e: {  	[sflag:s9] =	ssyncset.done $0x0  }
0x4f: {  	[sflag:s9] =	ssyncadd.s32 $0xFFFFFD80  }
0x50: {  	s15 =	simm.s32 $0x2800;
	[bflag:$0x0] =	sbarrier.arrive $0xFFFF  }
0x51: {  	[spmem:s2] =	stream.indirect.scatter.add.f32 [tilespmem:s13], [sflag:$0x1], $0x1, s15, s12, $0xb8;
	[tilespmem:$0x5600] =	vst v63  }
0x52: {  	s15 =	simm.s32 $0x200;
	_ =	swait.ge [sflag:s9], $0x80  }
.LBB2_2:
0x53: {  	s16 =	sshra.s32 s15, $0x2;
	[sflag:s9] =	ssyncset.done $0x0;
	p0 =	sne.s32 s15, $0x9E00  }
.Ltmp0:
0x54: {  	s16 =	sadd.s32 $0x2800, s16;
	[sflag:s9] =	ssyncadd.s32 $0xFFFFFF80;
	(pc) =	sbr.rel @p0 .LBB2_2-.Ltmp0, $3  }
0x55: {  	[spmem:s2] =	stream.indirect.scatter.add.f32 [tilespmem:s13], [sflag:$0x1], $0x1, s16, s12, $0xb8;
	[tilespmem:$0x5600] =	vst v63  }
0x56: {  	s15 =	sadd.s32 $0x200, s15;
	_ =	sdelay $0x1  }
0x57: {  	_ =	swait.ge [sflag:s9], $0x80  }
0x58: {  	[sflag:s9] =	ssyncset.done $0x0  }
0x59: {  	[sflag:s9] =	ssyncadd.s32 $0xFFFFFF80  }
0x5a: {  	[bflag:$0x0] =	sbarrier.arrive $0xFFFF  }
0x5b: {  	[tilespmem:s11], [sflag:$0x1] =	stream.linear.gather [spmem:s6], $0x280, $0x38;
	[tilespmem:$0x5600] =	vst v63  }
0x5c: {  	s14 =	sadd.s32 $0x1, s14;
	_ =	swait.ge [sflag:s9], $0x280  }
0x5d: {  	p0 =	sne.s32 s14, s8;
	[sflag:s9] =	ssyncset.done $0x0  }
.Ltmp1:
0x5e: {  	[sflag:s9] =	ssyncadd.s32 $0xFFFFFD80;
	(pc) =	sbr.rel @p0 .LBB2_1-.Ltmp1, $4  }
0x5f: {  	[hbm4b:s7+s3] =	stream.linear.scatter [tilespmem:s11], [sflag:$0x1], $0x280, $0x38;
	[tilespmem:$0x5600] =	vst v63  }
0x60: {  	_ =	swait.ge [sflag:s9], $0x280  }
0x61: {  	[sflag:s9] =	ssyncset.done $0x0  }
0x62: {  	[sflag:s9] =	ssyncadd.s32 $0xFFFFFD80  }
0x63: {  	_ =	sfence.sel $0x180000  }
0x64: {  	[bflag:$0x0] =	sbarrier.arrive $0xFFFF  }
0x65: {  	p0 =	sne.s32 s0, $0x0;
	_ =	strace $0x90000047  }
0x66: {  	s0 =	sadd.s32 @!p0 $0x100000, s1;
	[bflag:$0x2] =	sbarrier.arrive $0xFFFF  }
0x67: {  	[sflag:s0] =	ssyncadd.tile.s32 @!p0 $0x1;
	_ =	shalt  }
.Lfunc_end2:
_tile_overlayer_lowered:
.L_overlay_start_2:
0x68: {  	(tag) =	ssettag $0x2  }
0x69: {  	s0 =	rddreg [dreg:$0x0];
	s2 =	stileid.u32  }
0x6a: {  	s1 =	rddreg [dreg:$0x1];
	p0 =	sne.s32 s2, $0x0  }
0x6b: {  	s3 =	rddreg [dreg:$0x2];
	[bflag:$0x3] =	sbarrier.arrive $0xFFFF;
	s2 =	simm.s32 @!p0 $0x1C01  }
0x6c: {  	[timem:s3], [sflag:s2] =	dma.local @!p0 [hbm:s0], s1  }
0x6d: {  	s0 =	simm.s32 @!p0 $0x1  }
0x6e: {  	_ =	swait.ge @!p0 [sflag:s0], s1  }
0x6f: {  	s1 =	ssub.s32 @!p0 $0x0, s1;
	[sflag:s0] =	ssyncset.done @!p0 $0x0  }
0x70: {  	[sflag:s0] =	ssyncadd.s32 @!p0 s1  }
0x71: {  	[bflag:$0x3] =	sbarrier.arrive $0xFFFF  }
0x72: {  	_ =	shalt  }

</sc_bundles>
